<compile_context>
chip_gen: v7x
topology: tpu7x:2x2x1
jax: 0.10.2.dev20260603
libtpu: 0.0.44.dev20260713+nightly
codegen_flags: <defaults>
</compile_context>

<pallas_src>
import functools

import jax
import jax.numpy as jnp
from jax import lax
from jax.experimental import pallas as pl
from jax.experimental.pallas import tpu as pltpu
from jax.experimental.pallas import tpu_sc as plsc

TAU = 1.0
LAMBDA1 = 0.5
LAMBDA2 = 0.3
EPS = 1e-5

NC = 2
NS = 16
NQ = 2


def _colstats_body(x_ref, s_ref, q_ref):
    i = pl.program_id(0)
    x = x_ref[...]
    s = jnp.sum(x, axis=0, keepdims=True)
    q = jnp.sum(x * x, axis=0, keepdims=True)

    @pl.when(i == 0)
    def _():
        s_ref[...] = s
        q_ref[...] = q

    @pl.when(i > 0)
    def _():
        s_ref[...] += s
        q_ref[...] += q


def _colstats(x, blk):
    n, d = x.shape
    return pl.pallas_call(
        _colstats_body,
        grid=(n // blk,),
        in_specs=[pl.BlockSpec((blk, d), lambda i: (i, 0))],
        out_specs=[pl.BlockSpec((1, d), lambda i: (0, 0)),
                   pl.BlockSpec((1, d), lambda i: (0, 0))],
        out_shape=[jax.ShapeDtypeStruct((1, d), jnp.float32),
                   jax.ShapeDtypeStruct((1, d), jnp.float32)],
    )(x)


def _bnapply_body(x_ref, s_ref, q_ref, g_ref, b_ref, *h_refs, n):
    mu = s_ref[...] / n
    var = q_ref[...] / n - mu * mu
    sc = g_ref[...] * lax.rsqrt(var + EPS)
    sh = b_ref[...] - mu * sc
    h = x_ref[...] * sc + sh
    dq = h.shape[1] // NQ
    for j, h_ref in enumerate(h_refs):
        h_ref[...] = h[:, j * dq:(j + 1) * dq]


def _bnapply(x, s, q, g, b, blk):
    n, d = x.shape
    dq = d // NQ
    return pl.pallas_call(
        functools.partial(_bnapply_body, n=float(n)),
        grid=(n // blk,),
        in_specs=[pl.BlockSpec((blk, d), lambda i: (i, 0)),
                  pl.BlockSpec((1, d), lambda i: (0, 0)),
                  pl.BlockSpec((1, d), lambda i: (0, 0)),
                  pl.BlockSpec((1, d), lambda i: (0, 0)),
                  pl.BlockSpec((1, d), lambda i: (0, 0))],
        out_specs=[pl.BlockSpec((blk, dq), lambda i: (i, 0))] * NQ,
        out_shape=[jax.ShapeDtypeStruct((n, dq), jnp.float32)] * NQ,
    )(x, s, q, g, b)


def _sc_agg_build(n, e, dh):
    K = 64
    EW = e // NS
    NCH = EW // K
    ZBR = 8
    NZ = n // ZBR
    ZPER = -(-NZ // NS)
    mesh = plsc.VectorSubcoreMesh(core_axis_name="c", subcore_axis_name="s")

    @functools.partial(
        pl.kernel,
        mesh=mesh,
        out_type=[jax.ShapeDtypeStruct((n, dh), jnp.float32)] * NQ,
        scratch_types=[
            pltpu.VMEM((K,), jnp.int32),
            pltpu.VMEM((K,), jnp.int32),
            pltpu.VMEM((K, dh), jnp.float32),
            pltpu.VMEM((K,), jnp.int32),
            pltpu.VMEM((K,), jnp.int32),
            pltpu.VMEM((K, dh), jnp.float32),
            pltpu.VMEM((ZBR, dh), jnp.float32),
            pltpu.VMEM((ZBR, dh), jnp.float32),
            pltpu.VMEM_SHARED((n + 8, dh), jnp.float32),
            pltpu.SemaphoreType.DMA,
            pltpu.SemaphoreType.DMA,
        ],
    )
    def sc_agg(h0, h1, src, dst, agg0, agg1,
               src_v0, dst_v0, rows_v0, src_v1, dst_v1, rows_v1,
               zero_v, bounce_v, acc, sem0, sem1):
        cid = lax.axis_index("c")
        sid = lax.axis_index("s")
        z16f = jnp.zeros((16,), jnp.float32)

        def zrow(i, _):
            r = i // (dh // 16)
            c16 = i % (dh // 16)
            zero_v[r, pl.ds(c16 * 16, 16)] = z16f
            return _
        lax.fori_loop(0, ZBR * (dh // 16), zrow, None)

        def zacc(t, _):
            j = sid + t * NS

            @pl.when(j < NZ)
            def _():
                pltpu.sync_copy(zero_v, acc.at[pl.ds(j * ZBR, ZBR)])
            return _
        lax.fori_loop(0, ZPER, zacc, None)
        plsc.subcore_barrier()

        def scan_edges(h_ref):
            def prime(c, sv, dv, rv, sem):
                base = sid * EW + c * K
                pltpu.sync_copy(src.at[pl.ds(base, K)], sv)
                pltpu.sync_copy(dst.at[pl.ds(base, K)], dv)
                pltpu.async_copy(h_ref.at[sv], rv, sem)

            prime(0, src_v0, dst_v0, rows_v0, sem0)

            def pair(c2, _):
                c0 = c2 * 2

                prime(c0 + 1, src_v1, dst_v1, rows_v1, sem1)
                pltpu.make_async_copy(h_ref.at[src_v0], rows_v0, sem0).wait()
                pltpu.sync_copy(rows_v0, acc.at[dst_v0], add=True)

                @pl.when(c0 + 2 < NCH)
                def _():
                    prime(c0 + 2, src_v0, dst_v0, rows_v0, sem0)
                pltpu.make_async_copy(h_ref.at[src_v1], rows_v1, sem1).wait()
                pltpu.sync_copy(rows_v1, acc.at[dst_v1], add=True)
                return _
            lax.fori_loop(0, NCH // 2, pair, None)

        @pl.when(cid == 0)
        def _():
            scan_edges(h0)

        @pl.when(cid == 1)
        def _():
            scan_edges(h1)

        plsc.subcore_barrier()

        def flush(agg_ref):
            def go(t, _):
                j = sid + t * NS

                @pl.when(j < NZ)
                def _():
                    pltpu.sync_copy(acc.at[pl.ds(j * ZBR, ZBR)], bounce_v)
                    pltpu.sync_copy(bounce_v, agg_ref.at[pl.ds(j * ZBR, ZBR)])
                return _
            lax.fori_loop(0, ZPER, go, None)

        @pl.when(cid == 0)
        def _():
            flush(agg0)

        @pl.when(cid == 1)
        def _():
            flush(agg1)

    return sc_agg


def _hist_body(d_ref, out_ref, *, ngrid, recip):
    i = pl.program_id(0)
    d = d_ref[0]
    cols = lax.broadcasted_iota(jnp.int32, (d.shape[0], 128), 1)
    hi = lax.shift_right_logical(d, 7)
    lo = jnp.bitwise_and(d, 127)
    a = (hi == cols).astype(jnp.float32)
    b = (lo == cols).astype(jnp.float32)
    m = lax.dot_general(a, b, (((0,), (0,)), ((), ())),
                        preferred_element_type=jnp.float32)

    @pl.when(i == 0)
    def _():
        out_ref[...] = m

    @pl.when(i > 0)
    def _():
        out_ref[...] += m

    if recip:
        @pl.when(i == ngrid - 1)
        def _():
            out_ref[...] = 1.0 / jnp.maximum(out_ref[...], 1.0)


def _hist(idx, blk, recip):
    (e,) = idx.shape
    ngrid = e // blk
    idx3 = idx.reshape(ngrid, blk, 1)
    return pl.pallas_call(
        functools.partial(_hist_body, ngrid=ngrid, recip=recip),
        grid=(ngrid,),
        in_specs=[pl.BlockSpec((1, blk, 1), lambda i: (i, 0, 0))],
        out_specs=pl.BlockSpec((128, 128), lambda i: (0, 0)),
        out_shape=jax.ShapeDtypeStruct((128, 128), jnp.float32),
    )(idx3)


def _mlp_tail(xq, w0_ref, b0_ref, w1_ref, b1_ref, w2_ref, b2_ref,
              out_ref, s_ref, q_ref):
    i = pl.program_id(0)
    w0 = w0_ref[...]
    dq = xq[0].shape[1]
    y = b0_ref[...].astype(jnp.float32)
    for j, x in enumerate(xq):
        y = y + jnp.dot(x.astype(jnp.bfloat16), w0[j * dq:(j + 1) * dq, :],
                        preferred_element_type=jnp.float32)
    y = jnp.maximum(y, 0.0)
    y = jnp.dot(y.astype(jnp.bfloat16), w1_ref[...],
                preferred_element_type=jnp.float32) + b1_ref[...]
    y = jnp.maximum(y, 0.0)
    y = jnp.dot(y.astype(jnp.bfloat16), w2_ref[...],
                preferred_element_type=jnp.float32) + b2_ref[...]
    y = jnp.maximum(y, 0.0)
    out_ref[...] = y
    s = jnp.sum(y, axis=0, keepdims=True)
    q = jnp.sum(y * y, axis=0, keepdims=True)

    @pl.when(i == 0)
    def _():
        s_ref[...] = s
        q_ref[...] = q

    @pl.when(i > 0)
    def _():
        s_ref[...] += s
        q_ref[...] += q


def _bn_affine(fs_ref, fq_ref, g_ref, b_ref, n):
    mu = fs_ref[...] / n
    var = fq_ref[...] / n - mu * mu
    sc = g_ref[...] * lax.rsqrt(var + EPS)
    return sc, b_ref[...] - mu * sc


def _mlp_hom_body(a0, a1, dg_ref, fs_ref, fq_ref, g_ref, b_ref, w0, b0,
                  w1, b1, w2, b2, out_ref, s_ref, q_ref, *, n):
    dg = dg_ref[...]
    di = 1.0 / jnp.maximum(dg, 1.0)
    ind = (dg > 0.0).astype(jnp.float32)
    sc, sh = _bn_affine(fs_ref, fq_ref, g_ref, b_ref, n)
    dh = a0[...].shape[1]
    xq = [a[...] * di * sc[:, j * dh:(j + 1) * dh]
          + ind * sh[:, j * dh:(j + 1) * dh]
          for j, a in enumerate((a0, a1))]
    _mlp_tail(xq, w0, b0, w1, b1, w2, b2, out_ref, s_ref, q_ref)


def _mlp_het_body(f0, f1, a0, a1, dg_ref, fs_ref, fq_ref, g_ref, b_ref,
                  w0, b0, w1, b1, w2, b2, out_ref, s_ref, q_ref, *, n):
    dg = dg_ref[...]
    di = 1.0 / jnp.maximum(dg, 1.0)
    ind = (dg > 0.0).astype(jnp.float32)
    sc, sh = _bn_affine(fs_ref, fq_ref, g_ref, b_ref, n)
    dh = a0[...].shape[1]
    xq = [f[...] - (a[...] * di * sc[:, j * dh:(j + 1) * dh]
                    + ind * sh[:, j * dh:(j + 1) * dh])
          for j, (f, a) in enumerate(zip((f0, f1), (a0, a1)))]
    _mlp_tail(xq, w0, b0, w1, b1, w2, b2, out_ref, s_ref, q_ref)


def _mlp_single_body(h0, h1, w0, b0, w1, b1, w2, b2,
                     out_ref, s_ref, q_ref):
    _mlp_tail([h0[...], h1[...]],
              w0, b0, w1, b1, w2, b2, out_ref, s_ref, q_ref)


def _mlp_call(body, row_args, row_specs, deg_col, bnin, p, blk):
    n = row_args[0].shape[0]
    h = p["W1"].shape[0]
    args = list(row_args)
    specs = list(row_specs)
    if deg_col is not None:
        body = functools.partial(body, n=float(n))
        args.append(deg_col)
        specs.append(pl.BlockSpec((blk, 1), lambda i: (i, 0)))
        d = bnin[0].shape[1]
        args += list(bnin)
        specs += [pl.BlockSpec((1, d), lambda i: (0, 0))] * 4
    d0 = p["W0"].shape[0]
    bf = jnp.bfloat16
    args += [p["W0"].astype(bf), p["b0"].reshape(1, h),
             p["W1"].astype(bf), p["b1"].reshape(1, h),
             p["W2"].astype(bf), p["b2"].reshape(1, h)]
    specs += [pl.BlockSpec((d0, h), lambda i: (0, 0)),
              pl.BlockSpec((1, h), lambda i: (0, 0)),
              pl.BlockSpec((h, h), lambda i: (0, 0)),
              pl.BlockSpec((1, h), lambda i: (0, 0)),
              pl.BlockSpec((h, h), lambda i: (0, 0)),
              pl.BlockSpec((1, h), lambda i: (0, 0))]
    return pl.pallas_call(
        body,
        grid=(n // blk,),
        in_specs=specs,
        out_specs=[pl.BlockSpec((blk, h), lambda i: (i, 0)),
                   pl.BlockSpec((1, h), lambda i: (0, 0)),
                   pl.BlockSpec((1, h), lambda i: (0, 0))],
        out_shape=[jax.ShapeDtypeStruct((n, h), jnp.float32),
                   jax.ShapeDtypeStruct((1, h), jnp.float32),
                   jax.ShapeDtypeStruct((1, h), jnp.float32)],
    )(*args)


def _combine_body(lh_ref, le_ref, ls_ref, sh_ref, qh_ref, se_ref, qe_ref,
                  ss_ref, qs_ref, gh_ref, bh_ref, ge_ref, be_ref, gs_ref,
                  bs_ref, f_ref, gw_ref, gb_ref, fw_ref, fb_ref, t_ref,
                  lab_ref, cnt_ref, logit_ref, kl_ref, ce_ref, s0_ref,
                  s1_ref, s2_ref, loss_ref, *, n, nt, ngrid):
    i = pl.program_id(0)

    def norm(l_ref, s_ref, q_ref, g_ref, b_ref):
        mu = s_ref[...] / n
        var = q_ref[...] / n - mu * mu
        sc = g_ref[...] * lax.rsqrt(var + EPS)
        return l_ref[...] * sc + (b_ref[...] - mu * sc)

    xh = norm(lh_ref, sh_ref, qh_ref, gh_ref, bh_ref)
    xe = norm(le_ref, se_ref, qe_ref, ge_ref, be_ref)
    xs = norm(ls_ref, ss_ref, qs_ref, gs_ref, bs_ref)

    z = (jnp.dot(f_ref[...], gw_ref[...], preferred_element_type=jnp.float32)
         + gb_ref[...])
    zm = jnp.max(z, axis=1, keepdims=True)
    ez = jnp.exp(z - zm)
    cf = ez / jnp.sum(ez, axis=1, keepdims=True)
    c0 = cf[:, 0:1]
    c1 = cf[:, 1:2]
    c2 = cf[:, 2:3]
    m = jnp.minimum(c0, jnp.minimum(c1, c2))
    e2 = c2 <= m
    e1 = jnp.logical_and(jnp.logical_not(e2), c1 <= m)
    e0 = jnp.logical_and(jnp.logical_not(e2), jnp.logical_not(e1))
    mk0 = jnp.where(e0, c0 * -100000.0, c0)
    mk1 = jnp.where(e1, c1 * -100000.0, c1)
    mk2 = jnp.where(e2, c2 * -100000.0, c2)
    mx = jnp.maximum(mk0, jnp.maximum(mk1, mk2))
    x0 = jnp.exp(mk0 - mx)
    x1 = jnp.exp(mk1 - mx)
    x2 = jnp.exp(mk2 - mx)
    zs = x0 + x1 + x2
    w0 = x0 / zs
    w1 = x1 / zs
    w2 = x2 / zs

    emb = w0 * xh + w1 * xe + w2 * xs
    lr = (jnp.dot(emb, fw_ref[...], preferred_element_type=jnp.float32)
          + fb_ref[...])
    lm = jnp.max(lr, axis=1, keepdims=True)
    el = jnp.exp(lr - lm)
    sm = el / jnp.sum(el, axis=1, keepdims=True)
    logit_ref[...] = sm

    t = sm / TAU
    kl = jnp.sum(t * (jnp.log(t) - t_ref[...] / TAU)).reshape(1, 1)

    mx2 = jnp.max(sm, axis=1, keepdims=True)
    logp = sm - mx2 - jnp.log(jnp.sum(jnp.exp(sm - mx2), axis=1, keepdims=True))
    lanes = lax.broadcasted_iota(jnp.int32, sm.shape, 1)
    pick = jnp.sum(jnp.where(lanes == lab_ref[...], logp, 0.0), axis=1,
                   keepdims=True)
    ce = (-jnp.sum(cnt_ref[...] * pick)).reshape(1, 1)

    s0 = jnp.sum(w0).reshape(1, 1)
    s1 = jnp.sum(w1).reshape(1, 1)
    s2 = jnp.sum(w2).reshape(1, 1)

    @pl.when(i == 0)
    def _():
        kl_ref[...] = kl
        ce_ref[...] = ce
        s0_ref[...] = s0
        s1_ref[...] = s1
        s2_ref[...] = s2

    @pl.when(i > 0)
    def _():
        kl_ref[...] += kl
        ce_ref[...] += ce
        s0_ref[...] += s0
        s1_ref[...] += s1
        s2_ref[...] += s2

    @pl.when(i == ngrid - 1)
    def _():
        loss1 = kl_ref[...] / n
        loss2 = ce_ref[...] / nt
        third = 1.0 / 3.0
        aux = (jnp.abs(s0_ref[...] / n - third)
               + jnp.abs(s1_ref[...] / n - third)
               + jnp.abs(s2_ref[...] / n - third))
        loss_ref[...] = (LAMBDA1 * loss1 + (1.0 - LAMBDA1) * loss2
                         + LAMBDA2 * aux)


def _combine(lh, le, ls, stats, bns, feature, gwp, gbp, fw, fb, teacher,
             lab_col, cnt_col, nt, blk):
    n, h = lh.shape
    c = fw.shape[1]
    d = feature.shape[1]
    ngrid = n // blk
    sh, qh, se, qe, ss, qs = stats
    gh, bh, ge, be, gs, bs = bns
    row = lambda w: pl.BlockSpec((blk, w), lambda i: (i, 0))
    one = lambda w: pl.BlockSpec((1, w), lambda i: (0, 0))
    scl = lambda: pl.BlockSpec((1, 1), lambda i: (0, 0))
    return pl.pallas_call(
        functools.partial(_combine_body, n=float(n), nt=float(nt),
                          ngrid=ngrid),
        grid=(ngrid,),
        in_specs=[row(h), row(h), row(h),
                  one(h), one(h), one(h), one(h), one(h), one(h),
                  one(h), one(h), one(h), one(h), one(h), one(h),
                  row(d), pl.BlockSpec((d, 128), lambda i: (0, 0)), one(128),
                  pl.BlockSpec((h, c), lambda i: (0, 0)), one(c),
                  row(c), row(1), row(1)],
        out_specs=[row(c), scl(), scl(), scl(), scl(), scl(), scl()],
        out_shape=[jax.ShapeDtypeStruct((n, c), jnp.float32)]
                  + [jax.ShapeDtypeStruct((1, 1), jnp.float32)] * 6,
    )(lh, le, ls, sh, qh, se, qe, ss, qs, gh, bh, ge, be, gs, bs,
      feature, gwp, gbp, fw, fb, teacher, lab_col, cnt_col)


def kernel(feature, edge_index, label, train_nodes, teacher_logit, params):
    n, d = feature.shape
    e = edge_index.shape[1]
    nt = train_nodes.shape[0]
    h = params["fin_W"].shape[0]
    c = params["fin_W"].shape[1]
    dq = d // NQ

    fsum, fsq = _colstats(feature, 2000)
    hq = _bnapply(feature, fsum, fsq,
                  params["bn_in_g"].reshape(1, d),
                  params["bn_in_b"].reshape(1, d), 2000)

    KCH = 4096
    ep = -(-e // KCH) * KCH
    src_p = jnp.concatenate(
        [edge_index[0], jnp.zeros((ep - e,), jnp.int32)])
    dst_p = jnp.concatenate(
        [edge_index[1], jnp.full((ep - e,), n, jnp.int32)])
    ntp = -(-nt // 128) * 128
    tn_p = jnp.concatenate([train_nodes, jnp.full((ntp - nt,), n, jnp.int32)])

    fq = [feature[:, j * dq:(j + 1) * dq] for j in range(NQ)]
    sc_agg = _sc_agg_build(n, ep, dq)
    agg0, agg1 = sc_agg(fq[0], fq[1], src_p, dst_p)
    aggq = [agg0, agg1]
    deg_col = _hist(dst_p, 4096, False).reshape(16384, 1)[:n]
    cnt_col = _hist(tn_p, ntp, False).reshape(16384, 1)[:n]

    MB = 1000
    aspec = [pl.BlockSpec((MB, dq), lambda i: (i, 0)) for _ in range(NQ)]
    bnin = (fsum, fsq, params["bn_in_g"].reshape(1, d),
            params["bn_in_b"].reshape(1, d))

    lh, sh_, qh_ = _mlp_call(_mlp_hom_body, aggq, aspec, deg_col, bnin,
                             params["hom"], MB)
    le, se_, qe_ = _mlp_call(_mlp_het_body, fq + aggq,
                             aspec + aspec, deg_col, bnin, params["het"], MB)
    ls, ss_, qs_ = _mlp_call(_mlp_single_body, list(hq), aspec, None, None,
                             params["single"], MB)

    gwp = jnp.zeros((d, 128), jnp.float32).at[:, :3].set(params["gate_W"])
    gbp = jnp.full((1, 128), -1e30, jnp.float32).at[0, :3].set(params["gate_b"])
    stats = (sh_, qh_, se_, qe_, ss_, qs_)
    bns = (params["hom"]["bn_g"].reshape(1, h), params["hom"]["bn_b"].reshape(1, h),
           params["het"]["bn_g"].reshape(1, h), params["het"]["bn_b"].reshape(1, h),
           params["single"]["bn_g"].reshape(1, h), params["single"]["bn_b"].reshape(1, h))
    logit, _kl, _ce, _s0, _s1, _s2, loss = _combine(
        lh, le, ls, stats, bns, feature, gwp, gbp,
        params["fin_W"], params["fin_b"].reshape(1, c), teacher_logit,
        label.reshape(n, 1), cnt_col, nt, 400)
    return logit, loss.reshape(())

# --- scband reference (transcript-rebuilt; emitter-appended) ---
"""Pipeline reference for scband-distill-moe-conf-15788299780514 (READ-ONLY COPY).

The authoritative reference and input builder live on the scoring server;
editing this copy changes nothing except your own understanding.
"""

import jax, jax.numpy as jnp
import numpy as np

N = 10000
E = 160000
D = 256
H = 1024
C = 40
NT = 2000
TAU = 1.0
LAMBDA1 = 0.5
LAMBDA2 = 0.3


def _lin(k, fan_in, fan_out):
    kw, kb = jax.random.split(k)
    lim = 1.0 / np.sqrt(fan_in)
    W = jax.random.uniform(kw, (fan_in, fan_out), minval=-lim, maxval=lim, dtype=jnp.float32)
    b = jax.random.uniform(kb, (fan_out,), minval=-lim, maxval=lim, dtype=jnp.float32)
    return W, b


def _mlp_params(k):
    k0, k1, k2 = jax.random.split(k, 3)
    W0, b0 = _lin(k0, D, H)
    W1, b1 = _lin(k1, H, H)
    W2, b2 = _lin(k2, H, H)
    return {"W0": W0, "b0": b0, "W1": W1, "b1": b1, "W2": W2, "b2": b2,
            "bn_g": jnp.ones((H,), jnp.float32), "bn_b": jnp.zeros((H,), jnp.float32)}


def setup_inputs(seed: int = 0):
    key = jax.random.key(seed)
    ks = jax.random.split(key, 10)
    feature = jax.random.normal(ks[0], (N, D), dtype=jnp.float32)
    edge_index = jax.random.randint(ks[1], (2, E), 0, N, dtype=jnp.int32)
    label = jax.random.randint(ks[2], (N,), 0, C, dtype=jnp.int32)
    train_nodes = jax.random.randint(ks[3], (NT,), 0, N, dtype=jnp.int32)
    teacher_logit = jax.random.normal(ks[4], (N, C), dtype=jnp.float32) * 0.05
    gate_W, gate_b = _lin(ks[5], D, 3)
    fin_W, fin_b = _lin(ks[6], H, C)
    params = {
        "bn_in_g": jnp.ones((D,), jnp.float32),
        "bn_in_b": jnp.zeros((D,), jnp.float32),
        "single": _mlp_params(ks[7]),
        "hom": _mlp_params(ks[8]),
        "het": _mlp_params(ks[9]),
        "gate_W": gate_W, "gate_b": gate_b,
        "fin_W": fin_W, "fin_b": fin_b,
    }
    return {"feature": feature, "edge_index": edge_index, "label": label,
            "train_nodes": train_nodes, "teacher_logit": teacher_logit, "params": params}


def _bn(x, g, b, eps=1e-5):
    mu = jnp.mean(x, axis=0)
    var = jnp.var(x, axis=0)
    return (x - mu) / jnp.sqrt(var + eps) * g + b


def _mlp(x, p):
    h = jax.nn.relu(x @ p["W0"] + p["b0"])
    h = jax.nn.relu(h @ p["W1"] + p["b1"])
    h = jax.nn.relu(h @ p["W2"] + p["b2"])
    return _bn(h, p["bn_g"], p["bn_b"])


def _mean_agg(x, src, dst, n):
    s = jax.ops.segment_sum(x[src], dst, num_segments=n)
    deg = jax.ops.segment_sum(jnp.ones((src.shape[0],), x.dtype), dst, num_segments=n)
    return s / jnp.maximum(deg, 1.0)[:, None]


def _forward(feature, teacher_logit, params, edge_index, label, train_nodes):
    n = feature.shape[0]
    h = _bn(feature, params["bn_in_g"], params["bn_in_b"])
    agg = _mean_agg(h, edge_index[0], edge_index[1], n)
    h_hom = _mlp(agg, params["hom"])
    h_het = _mlp(feature - agg, params["het"])
    h_single = _mlp(h, params["single"])
    conf_ori = jax.nn.softmax(feature @ params["gate_W"] + params["gate_b"], axis=1)
    _, idx = jax.lax.top_k(conf_ori, 2)
    mask = jnp.full_like(conf_ori, -100000.0)
    mask = mask.at[jnp.arange(n)[:, None], idx].set(1.0)
    conf = jax.nn.softmax(conf_ori * mask, axis=1)
    emb = (jnp.stack([h_hom, h_het, h_single], axis=1) * conf[:, :, None]).sum(axis=1)
    logit = jax.nn.softmax(emb @ params["fin_W"] + params["fin_b"], axis=1)
    t = logit / TAU
    inp = teacher_logit / TAU
    loss1 = jnp.sum(t * (jnp.log(t) - inp)) / logit.shape[0]
    sel = logit[train_nodes]
    logp = jax.nn.log_softmax(sel, axis=1)
    loss2 = -jnp.mean(jnp.take_along_axis(logp, label[train_nodes][:, None], axis=1))
    aux = jnp.sum(jnp.abs(jnp.mean(conf, axis=0) - 1.0 / conf.shape[1]))
    loss = LAMBDA1 * loss1 + (1.0 - LAMBDA1) * loss2 + LAMBDA2 * aux
    return logit, loss


def reference(feature, edge_index, label, train_nodes, teacher_logit, params):
    return _forward(feature, teacher_logit, params, edge_index, label, train_nodes)

if __name__ == "__main__":
    import jax
    _d = setup_inputs()
    print(jax.jit(kernel)(*tuple(_d.values())))

</pallas_src>

<mosaic_0001>
#map = affine_map<(d0, d1) -> (0, 0)>
#map1 = affine_map<(d0, d1) -> (0)>
module attributes {stable_mosaic.version = 14 : i64} {
  func.func @sc_agg(%arg0: i32, %arg1: i32, %arg2: memref<10000x128xf32, #tpu.memory_space<hbm>>, %arg3: memref<10000x128xf32, #tpu.memory_space<hbm>>, %arg4: memref<163840xi32, #tpu.memory_space<hbm>>, %arg5: memref<163840xi32, #tpu.memory_space<hbm>>, %arg6: memref<10000x128xf32, #tpu.memory_space<hbm>>, %arg7: memref<10000x128xf32, #tpu.memory_space<hbm>>, %arg8: memref<64xi32, #tpu.memory_space<vmem>>, %arg9: memref<64xi32, #tpu.memory_space<vmem>>, %arg10: memref<64x128xf32, #tpu.memory_space<vmem>>, %arg11: memref<64xi32, #tpu.memory_space<vmem>>, %arg12: memref<64xi32, #tpu.memory_space<vmem>>, %arg13: memref<64x128xf32, #tpu.memory_space<vmem>>, %arg14: memref<8x128xf32, #tpu.memory_space<vmem>>, %arg15: memref<8x128xf32, #tpu.memory_space<vmem>>, %arg16: memref<10008x128xf32, #tpu.memory_space<vmem_shared>>, %arg17: memref<!tpu.dma_semaphore, #tpu.memory_space<semaphore_mem>>, %arg18: memref<!tpu.dma_semaphore, #tpu.memory_space<semaphore_mem>>) attributes {dimension_semantics = [#tpu.dimension_semantics<core_parallel>, #tpu.dimension_semantics<subcore_parallel>], iteration_bounds = array<i64: 2, 16>, scalar_prefetch = 0 : i64, scratch_operands = 11 : i64, tpu.core_type = #tpu.core_type<sc_vector_subcore>, window_params = [{transform_indices = #map}, {transform_indices = #map}, {transform_indices = #map1}, {transform_indices = #map1}, {transform_indices = #map}, {transform_indices = #map}]} {
    %broadcast_in_dim3A = arith.constant 0.000000e+00 : f32
    %broadcast_in_dim3A_0 = vector.broadcast %broadcast_in_dim3A : f32 to vector<16xf32>
    %scan3A = arith.constant 0 : i32
    %scan3A_1 = arith.constant 64 : i32
    %scan3A_2 = arith.addi %scan3A, %scan3A_1 : i32
    %scan3A_3 = arith.constant 1 : i32
    scf.for %scan3A_28 = %scan3A to %scan3A_2 step %scan3A_3  : i32 {
      %jit3A = arith.constant 8 : i32
      %div3A = arith.divsi %scan3A_28, %jit3A : i32
      %sign3A = arith.constant 0 : i32
      %sign3A_29 = arith.cmpi sgt, %scan3A_28, %sign3A : i32
      %sign3A_30 = arith.extui %sign3A_29 : i1 to i32
      %sign3A_31 = arith.constant 0 : i32
      %sign3A_32 = arith.cmpi slt, %scan3A_28, %sign3A_31 : i32
      %sign3A_33 = arith.extui %sign3A_32 : i1 to i32
      %sign3A_34 = arith.subi %sign3A_30, %sign3A_33 : i32
      %sign3A_35 = arith.constant 0 : i32
      %sign3A_36 = arith.cmpi sgt, %jit3A, %sign3A_35 : i32
      %sign3A_37 = arith.extui %sign3A_36 : i1 to i32
      %sign3A_38 = arith.constant 0 : i32
      %sign3A_39 = arith.cmpi slt, %jit3A, %sign3A_38 : i32
      %sign3A_40 = arith.extui %sign3A_39 : i1 to i32
      %sign3A_41 = arith.subi %sign3A_37, %sign3A_40 : i32
      %ne3A = arith.cmpi ne, %sign3A_34, %sign3A_41 : i32
      %rem3A = arith.remsi %scan3A_28, %jit3A : i32
      %ne3A_42 = arith.constant 0 : i32
      %ne3A_43 = arith.cmpi ne, %rem3A, %ne3A_42 : i32
      %and3A = arith.andi %ne3A, %ne3A_43 : i1
      %sub3A = arith.constant 1 : i32
      %sub3A_44 = arith.subi %div3A, %sub3A : i32
      %select_n3A = arith.select %and3A, %sub3A_44, %div3A : i32
      %jit3A_45 = arith.constant 8 : i32
      %eq3A_46 = arith.constant 0 : i32
      %eq3A_47 = arith.cmpi eq, %jit3A_45, %eq3A_46 : i32
      %jit3A_48 = arith.constant 1 : i32
      %select_n3A_49 = arith.select %eq3A_47, %jit3A_48, %jit3A_45 : i32
      %rem3A_50 = arith.remsi %scan3A_28, %select_n3A_49 : i32
      %ne3A_51 = arith.constant 0 : i32
      %ne3A_52 = arith.cmpi ne, %rem3A_50, %ne3A_51 : i32
      %lt3A = arith.constant 0 : i32
      %lt3A_53 = arith.cmpi slt, %rem3A_50, %lt3A : i32
      %lt3A_54 = arith.constant 0 : i32
      %lt3A_55 = arith.cmpi slt, %select_n3A_49, %lt3A_54 : i32
      %ne3A_56 = arith.xori %lt3A_53, %lt3A_55 : i1
      %and3A_57 = arith.andi %ne3A_56, %ne3A_52 : i1
      %add3A = arith.addi %rem3A_50, %select_n3A_49 : i32
      %select_n3A_58 = arith.select %and3A_57, %add3A, %rem3A_50 : i32
      %mul3A = arith.constant 16 : i32
      %mul3A_59 = arith.muli %select_n3A_58, %mul3A : i32
      %swap3A = arith.index_cast %select_n3A : i32 to index
      %swap3A_60 = arith.index_cast %mul3A_59 : i32 to index
      %swap3A_61 = tpu.vector_load %arg14[%swap3A, %swap3A_60] {strides = array<i32>} : memref<8x128xf32, #tpu.memory_space<vmem>>, vector<1x16xf32>,
      %swap3A_62 = vector.shape_cast %swap3A_61 : vector<1x16xf32> to vector<16xf32>
      %swap3A_63 = vector.shape_cast %broadcast_in_dim3A_0 : vector<16xf32> to vector<1x16xf32>
      tpu.vector_store %arg14[%swap3A, %swap3A_60], %swap3A_63 {strides = array<i32>} : memref<8x128xf32, #tpu.memory_space<vmem>>, vector<1x16xf32>,
    }
    %scan3A_4 = arith.constant 64 : i32
    %scan3A_5 = arith.constant 0 : i32
    %scan3A_6 = arith.constant 79 : i32
    %scan3A_7 = arith.addi %scan3A_5, %scan3A_6 : i32
    %scan3A_8 = arith.constant 1 : i32
    scf.for %scan3A_28 = %scan3A_5 to %scan3A_7 step %scan3A_8  : i32 {
      %mul3A = arith.constant 16 : i32
      %mul3A_29 = arith.muli %scan3A_28, %mul3A : i32
      %add3A = arith.addi %arg1, %mul3A_29 : i32
      %lt3A = arith.constant 1250 : i32
      %lt3A_30 = arith.cmpi slt, %add3A, %lt3A : i32
      %convert_element_type3A_31 = arith.extui %lt3A_30 : i1 to i32
      %cond3A_32 = arith.constant 0 : i32
      %cond3A_33 = arith.cmpi ne, %convert_element_type3A_31, %cond3A_32 : i32
      scf.if %cond3A_33 {
        %mul3A_34 = arith.constant 8 : i32
        %mul3A_35 = arith.muli %add3A, %mul3A_34 : i32
        "tpu.region"() ({
          %run_scoped3A = tpu.sem_alloc : memref<!tpu.dma_semaphore, #tpu.memory_space<semaphore_mem>>
          %dma_start3A = arith.constant 0 : i32
          %dma_start3A_36 = tpu.memref_slice %arg16[%mul3A_35, %dma_start3A] : memref<10008x128xf32, #tpu.memory_space<vmem_shared>> -> memref<8x128xf32, #tpu.memory_space<vmem_shared>>
          %dma_start3A_37 = arith.constant 0 : i32
          %dma_start3A_38 = tpu.memref_slice %arg16[%mul3A_35, %dma_start3A_37] : memref<10008x128xf32, #tpu.memory_space<vmem_shared>> -> memref<8x128xf32, #tpu.memory_space<vmem_shared>>
          tpu.enqueue_dma source(%arg14 : memref<8x128xf32, #tpu.memory_space<vmem>>) target(%dma_start3A_38 : memref<8x128xf32, #tpu.memory_space<vmem_shared>>) target_semaphore(%run_scoped3A : memref<!tpu.dma_semaphore, #tpu.memory_space<semaphore_mem>>)
          %dma_wait3A = arith.constant 0 : i32
          %dma_wait3A_39 = tpu.memref_slice %arg16[%mul3A_35, %dma_wait3A] : memref<10008x128xf32, #tpu.memory_space<vmem_shared>> -> memref<8x128xf32, #tpu.memory_space<vmem_shared>>
          %dma_wait3A_40 = arith.constant 0 : i32
          %dma_wait3A_41 = tpu.memref_slice %arg16[%mul3A_35, %dma_wait3A_40] : memref<10008x128xf32, #tpu.memory_space<vmem_shared>> -> memref<8x128xf32, #tpu.memory_space<vmem_shared>>
          tpu.wait_dma2 semaphore(%run_scoped3A : memref<!tpu.dma_semaphore, #tpu.memory_space<semaphore_mem>>) src(%arg14 : memref<8x128xf32, #tpu.memory_space<vmem>>) dst(%dma_wait3A_41 : memref<8x128xf32, #tpu.memory_space<vmem_shared>>)
          tpu.yield
        }) : () -> ()
      } else {
      }
    }
    %scan3A_9 = arith.constant 79 : i32
    %barrier3A = arith.constant 0 : index
    tpu.barrier barrier_id(%barrier3A)
    %eq3A = arith.constant 0 : i32
    %eq3A_10 = arith.cmpi eq, %arg0, %eq3A : i32
    %convert_element_type3A = arith.extui %eq3A_10 : i1 to i32
    %cond3A = arith.constant 0 : i32
    %cond3A_11 = arith.cmpi ne, %convert_element_type3A, %cond3A : i32
    scf.if %cond3A_11 {
      %mul3A = arith.constant 10240 : i32
      %mul3A_28 = arith.muli %arg1, %mul3A : i32
      %add3A = arith.constant 0 : i32
      %add3A_29 = arith.addi %mul3A_28, %add3A : i32
      "tpu.region"() ({
        %run_scoped3A = tpu.sem_alloc : memref<!tpu.dma_semaphore, #tpu.memory_space<semaphore_mem>>
        %dma_start3A_37 = tpu.memref_slice %arg4[%add3A_29] : memref<163840xi32, #tpu.memory_space<hbm>> -> memref<64xi32, #tpu.memory_space<hbm>>
        %dma_start3A_38 = tpu.memref_slice %arg4[%add3A_29] : memref<163840xi32, #tpu.memory_space<hbm>> -> memref<64xi32, #tpu.memory_space<hbm>>
        tpu.enqueue_dma source(%dma_start3A_38 : memref<64xi32, #tpu.memory_space<hbm>>) target(%arg8 : memref<64xi32, #tpu.memory_space<vmem>>) target_semaphore(%run_scoped3A : memref<!tpu.dma_semaphore, #tpu.memory_space<semaphore_mem>>)
        %dma_wait3A = tpu.memref_slice %arg4[%add3A_29] : memref<163840xi32, #tpu.memory_space<hbm>> -> memref<64xi32, #tpu.memory_space<hbm>>
        %dma_wait3A_39 = tpu.memref_slice %arg4[%add3A_29] : memref<163840xi32, #tpu.memory_space<hbm>> -> memref<64xi32, #tpu.memory_space<hbm>>
        tpu.wait_dma2 semaphore(%run_scoped3A : memref<!tpu.dma_semaphore, #tpu.memory_space<semaphore_mem>>) src(%dma_wait3A_39 : memref<64xi32, #tpu.memory_space<hbm>>) dst(%arg8 : memref<64xi32, #tpu.memory_space<vmem>>)
        tpu.yield
      }) : () -> ()
      "tpu.region"() ({
        %run_scoped3A = tpu.sem_alloc : memref<!tpu.dma_semaphore, #tpu.memory_space<semaphore_mem>>
        %dma_start3A_37 = tpu.memref_slice %arg5[%add3A_29] : memref<163840xi32, #tpu.memory_space<hbm>> -> memref<64xi32, #tpu.memory_space<hbm>>
        %dma_start3A_38 = tpu.memref_slice %arg5[%add3A_29] : memref<163840xi32, #tpu.memory_space<hbm>> -> memref<64xi32, #tpu.memory_space<hbm>>
        tpu.enqueue_dma source(%dma_start3A_38 : memref<64xi32, #tpu.memory_space<hbm>>) target(%arg9 : memref<64xi32, #tpu.memory_space<vmem>>) target_semaphore(%run_scoped3A : memref<!tpu.dma_semaphore, #tpu.memory_space<semaphore_mem>>)
        %dma_wait3A = tpu.memref_slice %arg5[%add3A_29] : memref<163840xi32, #tpu.memory_space<hbm>> -> memref<64xi32, #tpu.memory_space<hbm>>
        %dma_wait3A_39 = tpu.memref_slice %arg5[%add3A_29] : memref<163840xi32, #tpu.memory_space<hbm>> -> memref<64xi32, #tpu.memory_space<hbm>>
        tpu.wait_dma2 semaphore(%run_scoped3A : memref<!tpu.dma_semaphore, #tpu.memory_space<semaphore_mem>>) src(%dma_wait3A_39 : memref<64xi32, #tpu.memory_space<hbm>>) dst(%arg9 : memref<64xi32, #tpu.memory_space<vmem>>)
        tpu.yield
      }) : () -> ()
      %dma_start3A = arith.constant 0 : i32
      %dma_start3A_30 = arith.constant 0 : i32
      %dma_start3A_31 = tpu.memref_slice %arg2[%dma_start3A, %dma_start3A_30] : memref<10000x128xf32, #tpu.memory_space<hbm>> -> memref<10000x128xf32, #tpu.memory_space<hbm>>
      tpu.enqueue_indirect_dma source(%dma_start3A_31 : memref<10000x128xf32, #tpu.memory_space<hbm>>) target(%arg10 : memref<64x128xf32, #tpu.memory_space<vmem>>) offsets(%arg8 : memref<64xi32, #tpu.memory_space<vmem>>) semaphore(%arg17 : memref<!tpu.dma_semaphore, #tpu.memory_space<semaphore_mem>>)
      %scan3A_32 = arith.constant 0 : i32
      %scan3A_33 = arith.constant 80 : i32
      %scan3A_34 = arith.addi %scan3A_32, %scan3A_33 : i32
      %scan3A_35 = arith.constant 1 : i32
      scf.for %scan3A_37 = %scan3A_32 to %scan3A_34 step %scan3A_35  : i32 {
        %mul3A_38 = arith.constant 2 : i32
        %mul3A_39 = arith.muli %scan3A_37, %mul3A_38 : i32
        %add3A_40 = arith.constant 1 : i32
        %add3A_41 = arith.addi %mul3A_39, %add3A_40 : i32
        %mul3A_42 = arith.constant 10240 : i32
        %mul3A_43 = arith.muli %arg1, %mul3A_42 : i32
        %mul3A_44 = arith.constant 64 : i32
        %mul3A_45 = arith.muli %add3A_41, %mul3A_44 : i32
        %add3A_46 = arith.addi %mul3A_43, %mul3A_45 : i32
        "tpu.region"() ({
          %run_scoped3A = tpu.sem_alloc : memref<!tpu.dma_semaphore, #tpu.memory_space<semaphore_mem>>
          %dma_start3A_61 = tpu.memref_slice %arg4[%add3A_46] : memref<163840xi32, #tpu.memory_space<hbm>> -> memref<64xi32, #tpu.memory_space<hbm>>
          %dma_start3A_62 = tpu.memref_slice %arg4[%add3A_46] : memref<163840xi32, #tpu.memory_space<hbm>> -> memref<64xi32, #tpu.memory_space<hbm>>
          tpu.enqueue_dma source(%dma_start3A_62 : memref<64xi32, #tpu.memory_space<hbm>>) target(%arg11 : memref<64xi32, #tpu.memory_space<vmem>>) target_semaphore(%run_scoped3A : memref<!tpu.dma_semaphore, #tpu.memory_space<semaphore_mem>>)
          %dma_wait3A_63 = tpu.memref_slice %arg4[%add3A_46] : memref<163840xi32, #tpu.memory_space<hbm>> -> memref<64xi32, #tpu.memory_space<hbm>>
          %dma_wait3A_64 = tpu.memref_slice %arg4[%add3A_46] : memref<163840xi32, #tpu.memory_space<hbm>> -> memref<64xi32, #tpu.memory_space<hbm>>
          tpu.wait_dma2 semaphore(%run_scoped3A : memref<!tpu.dma_semaphore, #tpu.memory_space<semaphore_mem>>) src(%dma_wait3A_64 : memref<64xi32, #tpu.memory_space<hbm>>) dst(%arg11 : memref<64xi32, #tpu.memory_space<vmem>>)
          tpu.yield
        }) : () -> ()
        "tpu.region"() ({
          %run_scoped3A = tpu.sem_alloc : memref<!tpu.dma_semaphore, #tpu.memory_space<semaphore_mem>>
          %dma_start3A_61 = tpu.memref_slice %arg5[%add3A_46] : memref<163840xi32, #tpu.memory_space<hbm>> -> memref<64xi32, #tpu.memory_space<hbm>>
          %dma_start3A_62 = tpu.memref_slice %arg5[%add3A_46] : memref<163840xi32, #tpu.memory_space<hbm>> -> memref<64xi32, #tpu.memory_space<hbm>>
          tpu.enqueue_dma source(%dma_start3A_62 : memref<64xi32, #tpu.memory_space<hbm>>) target(%arg12 : memref<64xi32, #tpu.memory_space<vmem>>) target_semaphore(%run_scoped3A : memref<!tpu.dma_semaphore, #tpu.memory_space<semaphore_mem>>)
          %dma_wait3A_63 = tpu.memref_slice %arg5[%add3A_46] : memref<163840xi32, #tpu.memory_space<hbm>> -> memref<64xi32, #tpu.memory_space<hbm>>
          %dma_wait3A_64 = tpu.memref_slice %arg5[%add3A_46] : memref<163840xi32, #tpu.memory_space<hbm>> -> memref<64xi32, #tpu.memory_space<hbm>>
          tpu.wait_dma2 semaphore(%run_scoped3A : memref<!tpu.dma_semaphore, #tpu.memory_space<semaphore_mem>>) src(%dma_wait3A_64 : memref<64xi32, #tpu.memory_space<hbm>>) dst(%arg12 : memref<64xi32, #tpu.memory_space<vmem>>)
          tpu.yield
        }) : () -> ()
        %dma_start3A_47 = arith.constant 0 : i32
        %dma_start3A_48 = arith.constant 0 : i32
        %dma_start3A_49 = tpu.memref_slice %arg2[%dma_start3A_47, %dma_start3A_48] : memref<10000x128xf32, #tpu.memory_space<hbm>> -> memref<10000x128xf32, #tpu.memory_space<hbm>>
        tpu.enqueue_indirect_dma source(%dma_start3A_49 : memref<10000x128xf32, #tpu.memory_space<hbm>>) target(%arg13 : memref<64x128xf32, #tpu.memory_space<vmem>>) offsets(%arg11 : memref<64xi32, #tpu.memory_space<vmem>>) semaphore(%arg18 : memref<!tpu.dma_semaphore, #tpu.memory_space<semaphore_mem>>)
        %dma_wait3A = arith.constant 0 : i32
        %dma_wait3A_50 = arith.constant 0 : i32
        %dma_wait3A_51 = tpu.memref_slice %arg2[%dma_wait3A, %dma_wait3A_50] : memref<10000x128xf32, #tpu.memory_space<hbm>> -> memref<10000x128xf32, #tpu.memory_space<hbm>>
        tpu.wait_indirect_dma semaphore(%arg17 : memref<!tpu.dma_semaphore, #tpu.memory_space<semaphore_mem>>) src(%dma_wait3A_51 : memref<10000x128xf32, #tpu.memory_space<hbm>>) dst(%arg10 : memref<64x128xf32, #tpu.memory_space<vmem>>)
        "tpu.region"() ({
          %run_scoped3A = tpu.sem_alloc : memref<!tpu.dma_semaphore, #tpu.memory_space<semaphore_mem>>
          %dma_start3A_61 = arith.constant 0 : i32
          %dma_start3A_62 = arith.constant 0 : i32
          %dma_start3A_63 = tpu.memref_slice %arg16[%dma_start3A_61, %dma_start3A_62] : memref<10008x128xf32, #tpu.memory_space<vmem_shared>> -> memref<10008x128xf32, #tpu.memory_space<vmem_shared>>
          tpu.enqueue_indirect_dma source(%arg10 : memref<64x128xf32, #tpu.memory_space<vmem>>) target(%dma_start3A_63 : memref<10008x128xf32, #tpu.memory_space<vmem_shared>>) offsets(%arg9 : memref<64xi32, #tpu.memory_space<vmem>>) semaphore(%run_scoped3A : memref<!tpu.dma_semaphore, #tpu.memory_space<semaphore_mem>>) {add = true}
          %dma_wait3A_64 = arith.constant 0 : i32
          %dma_wait3A_65 = arith.constant 0 : i32
          %dma_wait3A_66 = tpu.memref_slice %arg16[%dma_wait3A_64, %dma_wait3A_65] : memref<10008x128xf32, #tpu.memory_space<vmem_shared>> -> memref<10008x128xf32, #tpu.memory_space<vmem_shared>>
          tpu.wait_indirect_dma semaphore(%run_scoped3A : memref<!tpu.dma_semaphore, #tpu.memory_space<semaphore_mem>>) src(%arg10 : memref<64x128xf32, #tpu.memory_space<vmem>>) dst(%dma_wait3A_66 : memref<10008x128xf32, #tpu.memory_space<vmem_shared>>)
          tpu.yield
        }) : () -> ()
        %add3A_52 = arith.constant 2 : i32
        %add3A_53 = arith.addi %mul3A_39, %add3A_52 : i32
        %lt3A = arith.constant 160 : i32
        %lt3A_54 = arith.cmpi slt, %add3A_53, %lt3A : i32
        %convert_element_type3A_55 = arith.extui %lt3A_54 : i1 to i32
        %cond3A_56 = arith.constant 0 : i32
        %cond3A_57 = arith.cmpi ne, %convert_element_type3A_55, %cond3A_56 : i32
        scf.if %cond3A_57 {
          %add3A_61 = arith.constant 2 : i32
          %add3A_62 = arith.addi %mul3A_39, %add3A_61 : i32
          %mul3A_63 = arith.constant 10240 : i32
          %mul3A_64 = arith.muli %arg1, %mul3A_63 : i32
          %mul3A_65 = arith.constant 64 : i32
          %mul3A_66 = arith.muli %add3A_62, %mul3A_65 : i32
          %add3A_67 = arith.addi %mul3A_64, %mul3A_66 : i32
          "tpu.region"() ({
            %run_scoped3A = tpu.sem_alloc : memref<!tpu.dma_semaphore, #tpu.memory_space<semaphore_mem>>
            %dma_start3A_71 = tpu.memref_slice %arg4[%add3A_67] : memref<163840xi32, #tpu.memory_space<hbm>> -> memref<64xi32, #tpu.memory_space<hbm>>
            %dma_start3A_72 = tpu.memref_slice %arg4[%add3A_67] : memref<163840xi32, #tpu.memory_space<hbm>> -> memref<64xi32, #tpu.memory_space<hbm>>
            tpu.enqueue_dma source(%dma_start3A_72 : memref<64xi32, #tpu.memory_space<hbm>>) target(%arg8 : memref<64xi32, #tpu.memory_space<vmem>>) target_semaphore(%run_scoped3A : memref<!tpu.dma_semaphore, #tpu.memory_space<semaphore_mem>>)
            %dma_wait3A_73 = tpu.memref_slice %arg4[%add3A_67] : memref<163840xi32, #tpu.memory_space<hbm>> -> memref<64xi32, #tpu.memory_space<hbm>>
            %dma_wait3A_74 = tpu.memref_slice %arg4[%add3A_67] : memref<163840xi32, #tpu.memory_space<hbm>> -> memref<64xi32, #tpu.memory_space<hbm>>
            tpu.wait_dma2 semaphore(%run_scoped3A : memref<!tpu.dma_semaphore, #tpu.memory_space<semaphore_mem>>) src(%dma_wait3A_74 : memref<64xi32, #tpu.memory_space<hbm>>) dst(%arg8 : memref<64xi32, #tpu.memory_space<vmem>>)
            tpu.yield
          }) : () -> ()
          "tpu.region"() ({
            %run_scoped3A = tpu.sem_alloc : memref<!tpu.dma_semaphore, #tpu.memory_space<semaphore_mem>>
            %dma_start3A_71 = tpu.memref_slice %arg5[%add3A_67] : memref<163840xi32, #tpu.memory_space<hbm>> -> memref<64xi32, #tpu.memory_space<hbm>>
            %dma_start3A_72 = tpu.memref_slice %arg5[%add3A_67] : memref<163840xi32, #tpu.memory_space<hbm>> -> memref<64xi32, #tpu.memory_space<hbm>>
            tpu.enqueue_dma source(%dma_start3A_72 : memref<64xi32, #tpu.memory_space<hbm>>) target(%arg9 : memref<64xi32, #tpu.memory_space<vmem>>) target_semaphore(%run_scoped3A : memref<!tpu.dma_semaphore, #tpu.memory_space<semaphore_mem>>)
            %dma_wait3A_73 = tpu.memref_slice %arg5[%add3A_67] : memref<163840xi32, #tpu.memory_space<hbm>> -> memref<64xi32, #tpu.memory_space<hbm>>
            %dma_wait3A_74 = tpu.memref_slice %arg5[%add3A_67] : memref<163840xi32, #tpu.memory_space<hbm>> -> memref<64xi32, #tpu.memory_space<hbm>>
            tpu.wait_dma2 semaphore(%run_scoped3A : memref<!tpu.dma_semaphore, #tpu.memory_space<semaphore_mem>>) src(%dma_wait3A_74 : memref<64xi32, #tpu.memory_space<hbm>>) dst(%arg9 : memref<64xi32, #tpu.memory_space<vmem>>)
            tpu.yield
          }) : () -> ()
          %dma_start3A_68 = arith.constant 0 : i32
          %dma_start3A_69 = arith.constant 0 : i32
          %dma_start3A_70 = tpu.memref_slice %arg2[%dma_start3A_68, %dma_start3A_69] : memref<10000x128xf32, #tpu.memory_space<hbm>> -> memref<10000x128xf32, #tpu.memory_space<hbm>>
          tpu.enqueue_indirect_dma source(%dma_start3A_70 : memref<10000x128xf32, #tpu.memory_space<hbm>>) target(%arg10 : memref<64x128xf32, #tpu.memory_space<vmem>>) offsets(%arg8 : memref<64xi32, #tpu.memory_space<vmem>>) semaphore(%arg17 : memref<!tpu.dma_semaphore, #tpu.memory_space<semaphore_mem>>)
        } else {
        }
        %dma_wait3A_58 = arith.constant 0 : i32
        %dma_wait3A_59 = arith.constant 0 : i32
        %dma_wait3A_60 = tpu.memref_slice %arg2[%dma_wait3A_58, %dma_wait3A_59] : memref<10000x128xf32, #tpu.memory_space<hbm>> -> memref<10000x128xf32, #tpu.memory_space<hbm>>
        tpu.wait_indirect_dma semaphore(%arg18 : memref<!tpu.dma_semaphore, #tpu.memory_space<semaphore_mem>>) src(%dma_wait3A_60 : memref<10000x128xf32, #tpu.memory_space<hbm>>) dst(%arg13 : memref<64x128xf32, #tpu.memory_space<vmem>>)
        "tpu.region"() ({
          %run_scoped3A = tpu.sem_alloc : memref<!tpu.dma_semaphore, #tpu.memory_space<semaphore_mem>>
          %dma_start3A_61 = arith.constant 0 : i32
          %dma_start3A_62 = arith.constant 0 : i32
          %dma_start3A_63 = tpu.memref_slice %arg16[%dma_start3A_61, %dma_start3A_62] : memref<10008x128xf32, #tpu.memory_space<vmem_shared>> -> memref<10008x128xf32, #tpu.memory_space<vmem_shared>>
          tpu.enqueue_indirect_dma source(%arg13 : memref<64x128xf32, #tpu.memory_space<vmem>>) target(%dma_start3A_63 : memref<10008x128xf32, #tpu.memory_space<vmem_shared>>) offsets(%arg12 : memref<64xi32, #tpu.memory_space<vmem>>) semaphore(%run_scoped3A : memref<!tpu.dma_semaphore, #tpu.memory_space<semaphore_mem>>) {add = true}
          %dma_wait3A_64 = arith.constant 0 : i32
          %dma_wait3A_65 = arith.constant 0 : i32
          %dma_wait3A_66 = tpu.memref_slice %arg16[%dma_wait3A_64, %dma_wait3A_65] : memref<10008x128xf32, #tpu.memory_space<vmem_shared>> -> memref<10008x128xf32, #tpu.memory_space<vmem_shared>>
          tpu.wait_indirect_dma semaphore(%run_scoped3A : memref<!tpu.dma_semaphore, #tpu.memory_space<semaphore_mem>>) src(%arg13 : memref<64x128xf32, #tpu.memory_space<vmem>>) dst(%dma_wait3A_66 : memref<10008x128xf32, #tpu.memory_space<vmem_shared>>)
          tpu.yield
        }) : () -> ()
      }
      %scan3A_36 = arith.constant 80 : i32
    } else {
    }
    %eq3A_12 = arith.constant 1 : i32
    %eq3A_13 = arith.cmpi eq, %arg0, %eq3A_12 : i32
    %convert_element_type3A_14 = arith.extui %eq3A_13 : i1 to i32
    %cond3A_15 = arith.constant 0 : i32
    %cond3A_16 = arith.cmpi ne, %convert_element_type3A_14, %cond3A_15 : i32
    scf.if %cond3A_16 {
      %mul3A = arith.constant 10240 : i32
      %mul3A_28 = arith.muli %arg1, %mul3A : i32
      %add3A = arith.constant 0 : i32
      %add3A_29 = arith.addi %mul3A_28, %add3A : i32
      "tpu.region"() ({
        %run_scoped3A = tpu.sem_alloc : memref<!tpu.dma_semaphore, #tpu.memory_space<semaphore_mem>>
        %dma_start3A_37 = tpu.memref_slice %arg4[%add3A_29] : memref<163840xi32, #tpu.memory_space<hbm>> -> memref<64xi32, #tpu.memory_space<hbm>>
        %dma_start3A_38 = tpu.memref_slice %arg4[%add3A_29] : memref<163840xi32, #tpu.memory_space<hbm>> -> memref<64xi32, #tpu.memory_space<hbm>>
        tpu.enqueue_dma source(%dma_start3A_38 : memref<64xi32, #tpu.memory_space<hbm>>) target(%arg8 : memref<64xi32, #tpu.memory_space<vmem>>) target_semaphore(%run_scoped3A : memref<!tpu.dma_semaphore, #tpu.memory_space<semaphore_mem>>)
        %dma_wait3A = tpu.memref_slice %arg4[%add3A_29] : memref<163840xi32, #tpu.memory_space<hbm>> -> memref<64xi32, #tpu.memory_space<hbm>>
        %dma_wait3A_39 = tpu.memref_slice %arg4[%add3A_29] : memref<163840xi32, #tpu.memory_space<hbm>> -> memref<64xi32, #tpu.memory_space<hbm>>
        tpu.wait_dma2 semaphore(%run_scoped3A : memref<!tpu.dma_semaphore, #tpu.memory_space<semaphore_mem>>) src(%dma_wait3A_39 : memref<64xi32, #tpu.memory_space<hbm>>) dst(%arg8 : memref<64xi32, #tpu.memory_space<vmem>>)
        tpu.yield
      }) : () -> ()
      "tpu.region"() ({
        %run_scoped3A = tpu.sem_alloc : memref<!tpu.dma_semaphore, #tpu.memory_space<semaphore_mem>>
        %dma_start3A_37 = tpu.memref_slice %arg5[%add3A_29] : memref<163840xi32, #tpu.memory_space<hbm>> -> memref<64xi32, #tpu.memory_space<hbm>>
        %dma_start3A_38 = tpu.memref_slice %arg5[%add3A_29] : memref<163840xi32, #tpu.memory_space<hbm>> -> memref<64xi32, #tpu.memory_space<hbm>>
        tpu.enqueue_dma source(%dma_start3A_38 : memref<64xi32, #tpu.memory_space<hbm>>) target(%arg9 : memref<64xi32, #tpu.memory_space<vmem>>) target_semaphore(%run_scoped3A : memref<!tpu.dma_semaphore, #tpu.memory_space<semaphore_mem>>)
        %dma_wait3A = tpu.memref_slice %arg5[%add3A_29] : memref<163840xi32, #tpu.memory_space<hbm>> -> memref<64xi32, #tpu.memory_space<hbm>>
        %dma_wait3A_39 = tpu.memref_slice %arg5[%add3A_29] : memref<163840xi32, #tpu.memory_space<hbm>> -> memref<64xi32, #tpu.memory_space<hbm>>
        tpu.wait_dma2 semaphore(%run_scoped3A : memref<!tpu.dma_semaphore, #tpu.memory_space<semaphore_mem>>) src(%dma_wait3A_39 : memref<64xi32, #tpu.memory_space<hbm>>) dst(%arg9 : memref<64xi32, #tpu.memory_space<vmem>>)
        tpu.yield
      }) : () -> ()
      %dma_start3A = arith.constant 0 : i32
      %dma_start3A_30 = arith.constant 0 : i32
      %dma_start3A_31 = tpu.memref_slice %arg3[%dma_start3A, %dma_start3A_30] : memref<10000x128xf32, #tpu.memory_space<hbm>> -> memref<10000x128xf32, #tpu.memory_space<hbm>>
      tpu.enqueue_indirect_dma source(%dma_start3A_31 : memref<10000x128xf32, #tpu.memory_space<hbm>>) target(%arg10 : memref<64x128xf32, #tpu.memory_space<vmem>>) offsets(%arg8 : memref<64xi32, #tpu.memory_space<vmem>>) semaphore(%arg17 : memref<!tpu.dma_semaphore, #tpu.memory_space<semaphore_mem>>)
      %scan3A_32 = arith.constant 0 : i32
      %scan3A_33 = arith.constant 80 : i32
      %scan3A_34 = arith.addi %scan3A_32, %scan3A_33 : i32
      %scan3A_35 = arith.constant 1 : i32
      scf.for %scan3A_37 = %scan3A_32 to %scan3A_34 step %scan3A_35  : i32 {
        %mul3A_38 = arith.constant 2 : i32
        %mul3A_39 = arith.muli %scan3A_37, %mul3A_38 : i32
        %add3A_40 = arith.constant 1 : i32
        %add3A_41 = arith.addi %mul3A_39, %add3A_40 : i32
        %mul3A_42 = arith.constant 10240 : i32
        %mul3A_43 = arith.muli %arg1, %mul3A_42 : i32
        %mul3A_44 = arith.constant 64 : i32
        %mul3A_45 = arith.muli %add3A_41, %mul3A_44 : i32
        %add3A_46 = arith.addi %mul3A_43, %mul3A_45 : i32
        "tpu.region"() ({
          %run_scoped3A = tpu.sem_alloc : memref<!tpu.dma_semaphore, #tpu.memory_space<semaphore_mem>>
          %dma_start3A_61 = tpu.memref_slice %arg4[%add3A_46] : memref<163840xi32, #tpu.memory_space<hbm>> -> memref<64xi32, #tpu.memory_space<hbm>>
          %dma_start3A_62 = tpu.memref_slice %arg4[%add3A_46] : memref<163840xi32, #tpu.memory_space<hbm>> -> memref<64xi32, #tpu.memory_space<hbm>>
          tpu.enqueue_dma source(%dma_start3A_62 : memref<64xi32, #tpu.memory_space<hbm>>) target(%arg11 : memref<64xi32, #tpu.memory_space<vmem>>) target_semaphore(%run_scoped3A : memref<!tpu.dma_semaphore, #tpu.memory_space<semaphore_mem>>)
          %dma_wait3A_63 = tpu.memref_slice %arg4[%add3A_46] : memref<163840xi32, #tpu.memory_space<hbm>> -> memref<64xi32, #tpu.memory_space<hbm>>
          %dma_wait3A_64 = tpu.memref_slice %arg4[%add3A_46] : memref<163840xi32, #tpu.memory_space<hbm>> -> memref<64xi32, #tpu.memory_space<hbm>>
          tpu.wait_dma2 semaphore(%run_scoped3A : memref<!tpu.dma_semaphore, #tpu.memory_space<semaphore_mem>>) src(%dma_wait3A_64 : memref<64xi32, #tpu.memory_space<hbm>>) dst(%arg11 : memref<64xi32, #tpu.memory_space<vmem>>)
          tpu.yield
        }) : () -> ()
        "tpu.region"() ({
          %run_scoped3A = tpu.sem_alloc : memref<!tpu.dma_semaphore, #tpu.memory_space<semaphore_mem>>
          %dma_start3A_61 = tpu.memref_slice %arg5[%add3A_46] : memref<163840xi32, #tpu.memory_space<hbm>> -> memref<64xi32, #tpu.memory_space<hbm>>
          %dma_start3A_62 = tpu.memref_slice %arg5[%add3A_46] : memref<163840xi32, #tpu.memory_space<hbm>> -> memref<64xi32, #tpu.memory_space<hbm>>
          tpu.enqueue_dma source(%dma_start3A_62 : memref<64xi32, #tpu.memory_space<hbm>>) target(%arg12 : memref<64xi32, #tpu.memory_space<vmem>>) target_semaphore(%run_scoped3A : memref<!tpu.dma_semaphore, #tpu.memory_space<semaphore_mem>>)
          %dma_wait3A_63 = tpu.memref_slice %arg5[%add3A_46] : memref<163840xi32, #tpu.memory_space<hbm>> -> memref<64xi32, #tpu.memory_space<hbm>>
          %dma_wait3A_64 = tpu.memref_slice %arg5[%add3A_46] : memref<163840xi32, #tpu.memory_space<hbm>> -> memref<64xi32, #tpu.memory_space<hbm>>
          tpu.wait_dma2 semaphore(%run_scoped3A : memref<!tpu.dma_semaphore, #tpu.memory_space<semaphore_mem>>) src(%dma_wait3A_64 : memref<64xi32, #tpu.memory_space<hbm>>) dst(%arg12 : memref<64xi32, #tpu.memory_space<vmem>>)
          tpu.yield
        }) : () -> ()
        %dma_start3A_47 = arith.constant 0 : i32
        %dma_start3A_48 = arith.constant 0 : i32
        %dma_start3A_49 = tpu.memref_slice %arg3[%dma_start3A_47, %dma_start3A_48] : memref<10000x128xf32, #tpu.memory_space<hbm>> -> memref<10000x128xf32, #tpu.memory_space<hbm>>
        tpu.enqueue_indirect_dma source(%dma_start3A_49 : memref<10000x128xf32, #tpu.memory_space<hbm>>) target(%arg13 : memref<64x128xf32, #tpu.memory_space<vmem>>) offsets(%arg11 : memref<64xi32, #tpu.memory_space<vmem>>) semaphore(%arg18 : memref<!tpu.dma_semaphore, #tpu.memory_space<semaphore_mem>>)
        %dma_wait3A = arith.constant 0 : i32
        %dma_wait3A_50 = arith.constant 0 : i32
        %dma_wait3A_51 = tpu.memref_slice %arg3[%dma_wait3A, %dma_wait3A_50] : memref<10000x128xf32, #tpu.memory_space<hbm>> -> memref<10000x128xf32, #tpu.memory_space<hbm>>
        tpu.wait_indirect_dma semaphore(%arg17 : memref<!tpu.dma_semaphore, #tpu.memory_space<semaphore_mem>>) src(%dma_wait3A_51 : memref<10000x128xf32, #tpu.memory_space<hbm>>) dst(%arg10 : memref<64x128xf32, #tpu.memory_space<vmem>>)
        "tpu.region"() ({
          %run_scoped3A = tpu.sem_alloc : memref<!tpu.dma_semaphore, #tpu.memory_space<semaphore_mem>>
          %dma_start3A_61 = arith.constant 0 : i32
          %dma_start3A_62 = arith.constant 0 : i32
          %dma_start3A_63 = tpu.memref_slice %arg16[%dma_start3A_61, %dma_start3A_62] : memref<10008x128xf32, #tpu.memory_space<vmem_shared>> -> memref<10008x128xf32, #tpu.memory_space<vmem_shared>>
          tpu.enqueue_indirect_dma source(%arg10 : memref<64x128xf32, #tpu.memory_space<vmem>>) target(%dma_start3A_63 : memref<10008x128xf32, #tpu.memory_space<vmem_shared>>) offsets(%arg9 : memref<64xi32, #tpu.memory_space<vmem>>) semaphore(%run_scoped3A : memref<!tpu.dma_semaphore, #tpu.memory_space<semaphore_mem>>) {add = true}
          %dma_wait3A_64 = arith.constant 0 : i32
          %dma_wait3A_65 = arith.constant 0 : i32
          %dma_wait3A_66 = tpu.memref_slice %arg16[%dma_wait3A_64, %dma_wait3A_65] : memref<10008x128xf32, #tpu.memory_space<vmem_shared>> -> memref<10008x128xf32, #tpu.memory_space<vmem_shared>>
          tpu.wait_indirect_dma semaphore(%run_scoped3A : memref<!tpu.dma_semaphore, #tpu.memory_space<semaphore_mem>>) src(%arg10 : memref<64x128xf32, #tpu.memory_space<vmem>>) dst(%dma_wait3A_66 : memref<10008x128xf32, #tpu.memory_space<vmem_shared>>)
          tpu.yield
        }) : () -> ()
        %add3A_52 = arith.constant 2 : i32
        %add3A_53 = arith.addi %mul3A_39, %add3A_52 : i32
        %lt3A = arith.constant 160 : i32
        %lt3A_54 = arith.cmpi slt, %add3A_53, %lt3A : i32
        %convert_element_type3A_55 = arith.extui %lt3A_54 : i1 to i32
        %cond3A_56 = arith.constant 0 : i32
        %cond3A_57 = arith.cmpi ne, %convert_element_type3A_55, %cond3A_56 : i32
        scf.if %cond3A_57 {
          %add3A_61 = arith.constant 2 : i32
          %add3A_62 = arith.addi %mul3A_39, %add3A_61 : i32
          %mul3A_63 = arith.constant 10240 : i32
          %mul3A_64 = arith.muli %arg1, %mul3A_63 : i32
          %mul3A_65 = arith.constant 64 : i32
          %mul3A_66 = arith.muli %add3A_62, %mul3A_65 : i32
          %add3A_67 = arith.addi %mul3A_64, %mul3A_66 : i32
          "tpu.region"() ({
            %run_scoped3A = tpu.sem_alloc : memref<!tpu.dma_semaphore, #tpu.memory_space<semaphore_mem>>
            %dma_start3A_71 = tpu.memref_slice %arg4[%add3A_67] : memref<163840xi32, #tpu.memory_space<hbm>> -> memref<64xi32, #tpu.memory_space<hbm>>
            %dma_start3A_72 = tpu.memref_slice %arg4[%add3A_67] : memref<163840xi32, #tpu.memory_space<hbm>> -> memref<64xi32, #tpu.memory_space<hbm>>
            tpu.enqueue_dma source(%dma_start3A_72 : memref<64xi32, #tpu.memory_space<hbm>>) target(%arg8 : memref<64xi32, #tpu.memory_space<vmem>>) target_semaphore(%run_scoped3A : memref<!tpu.dma_semaphore, #tpu.memory_space<semaphore_mem>>)
            %dma_wait3A_73 = tpu.memref_slice %arg4[%add3A_67] : memref<163840xi32, #tpu.memory_space<hbm>> -> memref<64xi32, #tpu.memory_space<hbm>>
            %dma_wait3A_74 = tpu.memref_slice %arg4[%add3A_67] : memref<163840xi32, #tpu.memory_space<hbm>> -> memref<64xi32, #tpu.memory_space<hbm>>
            tpu.wait_dma2 semaphore(%run_scoped3A : memref<!tpu.dma_semaphore, #tpu.memory_space<semaphore_mem>>) src(%dma_wait3A_74 : memref<64xi32, #tpu.memory_space<hbm>>) dst(%arg8 : memref<64xi32, #tpu.memory_space<vmem>>)
            tpu.yield
          }) : () -> ()
          "tpu.region"() ({
            %run_scoped3A = tpu.sem_alloc : memref<!tpu.dma_semaphore, #tpu.memory_space<semaphore_mem>>
            %dma_start3A_71 = tpu.memref_slice %arg5[%add3A_67] : memref<163840xi32, #tpu.memory_space<hbm>> -> memref<64xi32, #tpu.memory_space<hbm>>
            %dma_start3A_72 = tpu.memref_slice %arg5[%add3A_67] : memref<163840xi32, #tpu.memory_space<hbm>> -> memref<64xi32, #tpu.memory_space<hbm>>
            tpu.enqueue_dma source(%dma_start3A_72 : memref<64xi32, #tpu.memory_space<hbm>>) target(%arg9 : memref<64xi32, #tpu.memory_space<vmem>>) target_semaphore(%run_scoped3A : memref<!tpu.dma_semaphore, #tpu.memory_space<semaphore_mem>>)
            %dma_wait3A_73 = tpu.memref_slice %arg5[%add3A_67] : memref<163840xi32, #tpu.memory_space<hbm>> -> memref<64xi32, #tpu.memory_space<hbm>>
            %dma_wait3A_74 = tpu.memref_slice %arg5[%add3A_67] : memref<163840xi32, #tpu.memory_space<hbm>> -> memref<64xi32, #tpu.memory_space<hbm>>
            tpu.wait_dma2 semaphore(%run_scoped3A : memref<!tpu.dma_semaphore, #tpu.memory_space<semaphore_mem>>) src(%dma_wait3A_74 : memref<64xi32, #tpu.memory_space<hbm>>) dst(%arg9 : memref<64xi32, #tpu.memory_space<vmem>>)
            tpu.yield
          }) : () -> ()
          %dma_start3A_68 = arith.constant 0 : i32
          %dma_start3A_69 = arith.constant 0 : i32
          %dma_start3A_70 = tpu.memref_slice %arg3[%dma_start3A_68, %dma_start3A_69] : memref<10000x128xf32, #tpu.memory_space<hbm>> -> memref<10000x128xf32, #tpu.memory_space<hbm>>
          tpu.enqueue_indirect_dma source(%dma_start3A_70 : memref<10000x128xf32, #tpu.memory_space<hbm>>) target(%arg10 : memref<64x128xf32, #tpu.memory_space<vmem>>) offsets(%arg8 : memref<64xi32, #tpu.memory_space<vmem>>) semaphore(%arg17 : memref<!tpu.dma_semaphore, #tpu.memory_space<semaphore_mem>>)
        } else {
        }
        %dma_wait3A_58 = arith.constant 0 : i32
        %dma_wait3A_59 = arith.constant 0 : i32
        %dma_wait3A_60 = tpu.memref_slice %arg3[%dma_wait3A_58, %dma_wait3A_59] : memref<10000x128xf32, #tpu.memory_space<hbm>> -> memref<10000x128xf32, #tpu.memory_space<hbm>>
        tpu.wait_indirect_dma semaphore(%arg18 : memref<!tpu.dma_semaphore, #tpu.memory_space<semaphore_mem>>) src(%dma_wait3A_60 : memref<10000x128xf32, #tpu.memory_space<hbm>>) dst(%arg13 : memref<64x128xf32, #tpu.memory_space<vmem>>)
        "tpu.region"() ({
          %run_scoped3A = tpu.sem_alloc : memref<!tpu.dma_semaphore, #tpu.memory_space<semaphore_mem>>
          %dma_start3A_61 = arith.constant 0 : i32
          %dma_start3A_62 = arith.constant 0 : i32
          %dma_start3A_63 = tpu.memref_slice %arg16[%dma_start3A_61, %dma_start3A_62] : memref<10008x128xf32, #tpu.memory_space<vmem_shared>> -> memref<10008x128xf32, #tpu.memory_space<vmem_shared>>
          tpu.enqueue_indirect_dma source(%arg13 : memref<64x128xf32, #tpu.memory_space<vmem>>) target(%dma_start3A_63 : memref<10008x128xf32, #tpu.memory_space<vmem_shared>>) offsets(%arg12 : memref<64xi32, #tpu.memory_space<vmem>>) semaphore(%run_scoped3A : memref<!tpu.dma_semaphore, #tpu.memory_space<semaphore_mem>>) {add = true}
          %dma_wait3A_64 = arith.constant 0 : i32
          %dma_wait3A_65 = arith.constant 0 : i32
          %dma_wait3A_66 = tpu.memref_slice %arg16[%dma_wait3A_64, %dma_wait3A_65] : memref<10008x128xf32, #tpu.memory_space<vmem_shared>> -> memref<10008x128xf32, #tpu.memory_space<vmem_shared>>
          tpu.wait_indirect_dma semaphore(%run_scoped3A : memref<!tpu.dma_semaphore, #tpu.memory_space<semaphore_mem>>) src(%arg13 : memref<64x128xf32, #tpu.memory_space<vmem>>) dst(%dma_wait3A_66 : memref<10008x128xf32, #tpu.memory_space<vmem_shared>>)
          tpu.yield
        }) : () -> ()
      }
      %scan3A_36 = arith.constant 80 : i32
    } else {
    }
    %barrier3A_17 = arith.constant 0 : index
    tpu.barrier barrier_id(%barrier3A_17)
    %eq3A_18 = arith.constant 0 : i32
    %eq3A_19 = arith.cmpi eq, %arg0, %eq3A_18 : i32
    %convert_element_type3A_20 = arith.extui %eq3A_19 : i1 to i32
    %cond3A_21 = arith.constant 0 : i32
    %cond3A_22 = arith.cmpi ne, %convert_element_type3A_20, %cond3A_21 : i32
    scf.if %cond3A_22 {
      %scan3A_28 = arith.constant 0 : i32
      %scan3A_29 = arith.constant 79 : i32
      %scan3A_30 = arith.addi %scan3A_28, %scan3A_29 : i32
      %scan3A_31 = arith.constant 1 : i32
      scf.for %scan3A_33 = %scan3A_28 to %scan3A_30 step %scan3A_31  : i32 {
        %mul3A = arith.constant 16 : i32
        %mul3A_34 = arith.muli %scan3A_33, %mul3A : i32
        %add3A = arith.addi %arg1, %mul3A_34 : i32
        %lt3A = arith.constant 1250 : i32
        %lt3A_35 = arith.cmpi slt, %add3A, %lt3A : i32
        %convert_element_type3A_36 = arith.extui %lt3A_35 : i1 to i32
        %cond3A_37 = arith.constant 0 : i32
        %cond3A_38 = arith.cmpi ne, %convert_element_type3A_36, %cond3A_37 : i32
        scf.if %cond3A_38 {
          %mul3A_39 = arith.constant 8 : i32
          %mul3A_40 = arith.muli %add3A, %mul3A_39 : i32
          "tpu.region"() ({
            %run_scoped3A = tpu.sem_alloc : memref<!tpu.dma_semaphore, #tpu.memory_space<semaphore_mem>>
            %dma_start3A = arith.constant 0 : i32
            %dma_start3A_43 = tpu.memref_slice %arg16[%mul3A_40, %dma_start3A] : memref<10008x128xf32, #tpu.memory_space<vmem_shared>> -> memref<8x128xf32, #tpu.memory_space<vmem_shared>>
            %dma_start3A_44 = arith.constant 0 : i32
            %dma_start3A_45 = tpu.memref_slice %arg16[%mul3A_40, %dma_start3A_44] : memref<10008x128xf32, #tpu.memory_space<vmem_shared>> -> memref<8x128xf32, #tpu.memory_space<vmem_shared>>
            tpu.enqueue_dma source(%dma_start3A_45 : memref<8x128xf32, #tpu.memory_space<vmem_shared>>) target(%arg15 : memref<8x128xf32, #tpu.memory_space<vmem>>) target_semaphore(%run_scoped3A : memref<!tpu.dma_semaphore, #tpu.memory_space<semaphore_mem>>)
            %dma_wait3A = arith.constant 0 : i32
            %dma_wait3A_46 = tpu.memref_slice %arg16[%mul3A_40, %dma_wait3A] : memref<10008x128xf32, #tpu.memory_space<vmem_shared>> -> memref<8x128xf32, #tpu.memory_space<vmem_shared>>
            %dma_wait3A_47 = arith.constant 0 : i32
            %dma_wait3A_48 = tpu.memref_slice %arg16[%mul3A_40, %dma_wait3A_47] : memref<10008x128xf32, #tpu.memory_space<vmem_shared>> -> memref<8x128xf32, #tpu.memory_space<vmem_shared>>
            tpu.wait_dma2 semaphore(%run_scoped3A : memref<!tpu.dma_semaphore, #tpu.memory_space<semaphore_mem>>) src(%dma_wait3A_48 : memref<8x128xf32, #tpu.memory_space<vmem_shared>>) dst(%arg15 : memref<8x128xf32, #tpu.memory_space<vmem>>)
            tpu.yield
          }) : () -> ()
          %mul3A_41 = arith.constant 8 : i32
          %mul3A_42 = arith.muli %add3A, %mul3A_41 : i32
          "tpu.region"() ({
            %run_scoped3A = tpu.sem_alloc : memref<!tpu.dma_semaphore, #tpu.memory_space<semaphore_mem>>
            %dma_start3A = arith.constant 0 : i32
            %dma_start3A_43 = tpu.memref_slice %arg6[%mul3A_42, %dma_start3A] : memref<10000x128xf32, #tpu.memory_space<hbm>> -> memref<8x128xf32, #tpu.memory_space<hbm>>
            %dma_start3A_44 = arith.constant 0 : i32
            %dma_start3A_45 = tpu.memref_slice %arg6[%mul3A_42, %dma_start3A_44] : memref<10000x128xf32, #tpu.memory_space<hbm>> -> memref<8x128xf32, #tpu.memory_space<hbm>>
            tpu.enqueue_dma source(%arg15 : memref<8x128xf32, #tpu.memory_space<vmem>>) target(%dma_start3A_45 : memref<8x128xf32, #tpu.memory_space<hbm>>) target_semaphore(%run_scoped3A : memref<!tpu.dma_semaphore, #tpu.memory_space<semaphore_mem>>)
            %dma_wait3A = arith.constant 0 : i32
            %dma_wait3A_46 = tpu.memref_slice %arg6[%mul3A_42, %dma_wait3A] : memref<10000x128xf32, #tpu.memory_space<hbm>> -> memref<8x128xf32, #tpu.memory_space<hbm>>
            %dma_wait3A_47 = arith.constant 0 : i32
            %dma_wait3A_48 = tpu.memref_slice %arg6[%mul3A_42, %dma_wait3A_47] : memref<10000x128xf32, #tpu.memory_space<hbm>> -> memref<8x128xf32, #tpu.memory_space<hbm>>
            tpu.wait_dma2 semaphore(%run_scoped3A : memref<!tpu.dma_semaphore, #tpu.memory_space<semaphore_mem>>) src(%arg15 : memref<8x128xf32, #tpu.memory_space<vmem>>) dst(%dma_wait3A_48 : memref<8x128xf32, #tpu.memory_space<hbm>>)
            tpu.yield
          }) : () -> ()
        } else {
        }
      }
      %scan3A_32 = arith.constant 79 : i32
    } else {
    }
    %eq3A_23 = arith.constant 1 : i32
    %eq3A_24 = arith.cmpi eq, %arg0, %eq3A_23 : i32
    %convert_element_type3A_25 = arith.extui %eq3A_24 : i1 to i32
    %cond3A_26 = arith.constant 0 : i32
    %cond3A_27 = arith.cmpi ne, %convert_element_type3A_25, %cond3A_26 : i32
    scf.if %cond3A_27 {
      %scan3A_28 = arith.constant 0 : i32
      %scan3A_29 = arith.constant 79 : i32
      %scan3A_30 = arith.addi %scan3A_28, %scan3A_29 : i32
      %scan3A_31 = arith.constant 1 : i32
      scf.for %scan3A_33 = %scan3A_28 to %scan3A_30 step %scan3A_31  : i32 {
        %mul3A = arith.constant 16 : i32
        %mul3A_34 = arith.muli %scan3A_33, %mul3A : i32
        %add3A = arith.addi %arg1, %mul3A_34 : i32
        %lt3A = arith.constant 1250 : i32
        %lt3A_35 = arith.cmpi slt, %add3A, %lt3A : i32
        %convert_element_type3A_36 = arith.extui %lt3A_35 : i1 to i32
        %cond3A_37 = arith.constant 0 : i32
        %cond3A_38 = arith.cmpi ne, %convert_element_type3A_36, %cond3A_37 : i32
        scf.if %cond3A_38 {
          %mul3A_39 = arith.constant 8 : i32
          %mul3A_40 = arith.muli %add3A, %mul3A_39 : i32
          "tpu.region"() ({
            %run_scoped3A = tpu.sem_alloc : memref<!tpu.dma_semaphore, #tpu.memory_space<semaphore_mem>>
            %dma_start3A = arith.constant 0 : i32
            %dma_start3A_43 = tpu.memref_slice %arg16[%mul3A_40, %dma_start3A] : memref<10008x128xf32, #tpu.memory_space<vmem_shared>> -> memref<8x128xf32, #tpu.memory_space<vmem_shared>>
            %dma_start3A_44 = arith.constant 0 : i32
            %dma_start3A_45 = tpu.memref_slice %arg16[%mul3A_40, %dma_start3A_44] : memref<10008x128xf32, #tpu.memory_space<vmem_shared>> -> memref<8x128xf32, #tpu.memory_space<vmem_shared>>
            tpu.enqueue_dma source(%dma_start3A_45 : memref<8x128xf32, #tpu.memory_space<vmem_shared>>) target(%arg15 : memref<8x128xf32, #tpu.memory_space<vmem>>) target_semaphore(%run_scoped3A : memref<!tpu.dma_semaphore, #tpu.memory_space<semaphore_mem>>)
            %dma_wait3A = arith.constant 0 : i32
            %dma_wait3A_46 = tpu.memref_slice %arg16[%mul3A_40, %dma_wait3A] : memref<10008x128xf32, #tpu.memory_space<vmem_shared>> -> memref<8x128xf32, #tpu.memory_space<vmem_shared>>
            %dma_wait3A_47 = arith.constant 0 : i32
            %dma_wait3A_48 = tpu.memref_slice %arg16[%mul3A_40, %dma_wait3A_47] : memref<10008x128xf32, #tpu.memory_space<vmem_shared>> -> memref<8x128xf32, #tpu.memory_space<vmem_shared>>
            tpu.wait_dma2 semaphore(%run_scoped3A : memref<!tpu.dma_semaphore, #tpu.memory_space<semaphore_mem>>) src(%dma_wait3A_48 : memref<8x128xf32, #tpu.memory_space<vmem_shared>>) dst(%arg15 : memref<8x128xf32, #tpu.memory_space<vmem>>)
            tpu.yield
          }) : () -> ()
          %mul3A_41 = arith.constant 8 : i32
          %mul3A_42 = arith.muli %add3A, %mul3A_41 : i32
          "tpu.region"() ({
            %run_scoped3A = tpu.sem_alloc : memref<!tpu.dma_semaphore, #tpu.memory_space<semaphore_mem>>
            %dma_start3A = arith.constant 0 : i32
            %dma_start3A_43 = tpu.memref_slice %arg7[%mul3A_42, %dma_start3A] : memref<10000x128xf32, #tpu.memory_space<hbm>> -> memref<8x128xf32, #tpu.memory_space<hbm>>
            %dma_start3A_44 = arith.constant 0 : i32
            %dma_start3A_45 = tpu.memref_slice %arg7[%mul3A_42, %dma_start3A_44] : memref<10000x128xf32, #tpu.memory_space<hbm>> -> memref<8x128xf32, #tpu.memory_space<hbm>>
            tpu.enqueue_dma source(%arg15 : memref<8x128xf32, #tpu.memory_space<vmem>>) target(%dma_start3A_45 : memref<8x128xf32, #tpu.memory_space<hbm>>) target_semaphore(%run_scoped3A : memref<!tpu.dma_semaphore, #tpu.memory_space<semaphore_mem>>)
            %dma_wait3A = arith.constant 0 : i32
            %dma_wait3A_46 = tpu.memref_slice %arg7[%mul3A_42, %dma_wait3A] : memref<10000x128xf32, #tpu.memory_space<hbm>> -> memref<8x128xf32, #tpu.memory_space<hbm>>
            %dma_wait3A_47 = arith.constant 0 : i32
            %dma_wait3A_48 = tpu.memref_slice %arg7[%mul3A_42, %dma_wait3A_47] : memref<10000x128xf32, #tpu.memory_space<hbm>> -> memref<8x128xf32, #tpu.memory_space<hbm>>
            tpu.wait_dma2 semaphore(%run_scoped3A : memref<!tpu.dma_semaphore, #tpu.memory_space<semaphore_mem>>) src(%arg15 : memref<8x128xf32, #tpu.memory_space<vmem>>) dst(%dma_wait3A_48 : memref<8x128xf32, #tpu.memory_space<hbm>>)
            tpu.yield
          }) : () -> ()
        } else {
        }
      }
      %scan3A_32 = arith.constant 79 : i32
    } else {
    }
    return
  }
}

module attributes {stable_mosaic.version = 14 : i64} {
  func.func @_colstats_body(%arg0: i32, %arg1: memref<2000x256xf32, #tpu.memory_space<vmem>>, %arg2: memref<1x256xf32, #tpu.memory_space<vmem>>, %arg3: memref<1x256xf32, #tpu.memory_space<vmem>>) attributes {dimension_semantics = [#tpu.dimension_semantics<arbitrary>], iteration_bounds = array<i64: 5>, scalar_prefetch = 0 : i64, scratch_operands = 0 : i64, tpu.core_type = #tpu.core_type<tc>, window_params = [{transform_indices = @transform_0, window_bounds = array<i64: 2000, 256>}, {pipeline_mode = #tpu.pipeline_mode<synchronous>, transform_indices = @transform_1, window_bounds = array<i64: 1, 256>}, {pipeline_mode = #tpu.pipeline_mode<synchronous>, transform_indices = @transform_2, window_bounds = array<i64: 1, 256>}]} {
    %get3A = arith.constant 0 : index
    %get3A_0 = arith.constant 0 : index
    %get3A_1 = vector.load %arg1[%get3A, %get3A_0] : memref<2000x256xf32, #tpu.memory_space<vmem>>, vector<2000x256xf32>
    %reduce_sum3A = arith.constant dense<0.000000e+00> : vector<256xf32>
    %reduce_sum3A_2 = vector.multi_reduction <add>, %get3A_1, %reduce_sum3A [0] : vector<2000x256xf32> to vector<256xf32>
    %broadcast_in_dim3A = vector.shape_cast %reduce_sum3A_2 : vector<256xf32> to vector<1x256xf32>
    %mul3A = arith.mulf %get3A_1, %get3A_1 : vector<2000x256xf32>
    %reduce_sum3A_3 = arith.constant dense<0.000000e+00> : vector<256xf32>
    %reduce_sum3A_4 = vector.multi_reduction <add>, %mul3A, %reduce_sum3A_3 [0] : vector<2000x256xf32> to vector<256xf32>
    %broadcast_in_dim3A_5 = vector.shape_cast %reduce_sum3A_4 : vector<256xf32> to vector<1x256xf32>
    %eq3A = arith.constant 0 : i32
    %eq3A_6 = arith.cmpi eq, %arg0, %eq3A : i32
    %convert_element_type3A = arith.extui %eq3A_6 : i1 to i32
    %cond3A = arith.constant 0 : i32
    %cond3A_7 = arith.cmpi ne, %convert_element_type3A, %cond3A : i32
    scf.if %cond3A_7 {
      %swap3A = arith.constant 0 : index
      %swap3A_12 = arith.constant 0 : index
      %swap3A_13 = vector.load %arg2[%swap3A, %swap3A_12] : memref<1x256xf32, #tpu.memory_space<vmem>>, vector<1x256xf32>
      tpu.vector_store %arg2[%swap3A, %swap3A_12], %broadcast_in_dim3A {strides = array<i32>} : memref<1x256xf32, #tpu.memory_space<vmem>>, vector<1x256xf32>,
      %swap3A_14 = arith.constant 0 : index
      %swap3A_15 = arith.constant 0 : index
      %swap3A_16 = vector.load %arg3[%swap3A_14, %swap3A_15] : memref<1x256xf32, #tpu.memory_space<vmem>>, vector<1x256xf32>
      tpu.vector_store %arg3[%swap3A_14, %swap3A_15], %broadcast_in_dim3A_5 {strides = array<i32>} : memref<1x256xf32, #tpu.memory_space<vmem>>, vector<1x256xf32>,
    } else {
    }
    %gt3A = arith.constant 0 : i32
    %gt3A_8 = arith.cmpi sgt, %arg0, %gt3A : i32
    %convert_element_type3A_9 = arith.extui %gt3A_8 : i1 to i32
    %cond3A_10 = arith.constant 0 : i32
    %cond3A_11 = arith.cmpi ne, %convert_element_type3A_9, %cond3A_10 : i32
    scf.if %cond3A_11 {
      %get3A_12 = arith.constant 0 : index
      %get3A_13 = arith.constant 0 : index
      %get3A_14 = vector.load %arg2[%get3A_12, %get3A_13] : memref<1x256xf32, #tpu.memory_space<vmem>>, vector<1x256xf32>
      %add3A = arith.addf %get3A_14, %broadcast_in_dim3A : vector<1x256xf32>
      %swap3A = arith.constant 0 : index
      %swap3A_15 = arith.constant 0 : index
      %swap3A_16 = vector.load %arg2[%swap3A, %swap3A_15] : memref<1x256xf32, #tpu.memory_space<vmem>>, vector<1x256xf32>
      tpu.vector_store %arg2[%swap3A, %swap3A_15], %add3A {strides = array<i32>} : memref<1x256xf32, #tpu.memory_space<vmem>>, vector<1x256xf32>,
      %get3A_17 = arith.constant 0 : index
      %get3A_18 = arith.constant 0 : index
      %get3A_19 = vector.load %arg3[%get3A_17, %get3A_18] : memref<1x256xf32, #tpu.memory_space<vmem>>, vector<1x256xf32>
      %add3A_20 = arith.addf %get3A_19, %broadcast_in_dim3A_5 : vector<1x256xf32>
      %swap3A_21 = arith.constant 0 : index
      %swap3A_22 = arith.constant 0 : index
      %swap3A_23 = vector.load %arg3[%swap3A_21, %swap3A_22] : memref<1x256xf32, #tpu.memory_space<vmem>>, vector<1x256xf32>
      tpu.vector_store %arg3[%swap3A_21, %swap3A_22], %add3A_20 {strides = array<i32>} : memref<1x256xf32, #tpu.memory_space<vmem>>, vector<1x256xf32>,
    } else {
    }
    return
  }
  func.func @transform_0(%arg0: i32) -> (i32, i32) {
    %c0_i32 = arith.constant 0 : i32
    %c0_i32_0 = arith.constant 0 : i32
    return %arg0, %c0_i32 : i32, i32
  }
  func.func @transform_1(%arg0: i32) -> (i32, i32) {
    %c0_i32 = arith.constant 0 : i32
    %c0_i32_0 = arith.constant 0 : i32
    %c0_i32_1 = arith.constant 0 : i32
    return %c0_i32, %c0_i32_0 : i32, i32
  }
  func.func @transform_2(%arg0: i32) -> (i32, i32) {
    %c0_i32 = arith.constant 0 : i32
    %c0_i32_0 = arith.constant 0 : i32
    %c0_i32_1 = arith.constant 0 : i32
    return %c0_i32, %c0_i32_0 : i32, i32
  }
}

module attributes {stable_mosaic.version = 14 : i64} {
  func.func @_hist_body(%arg0: i32, %arg1: memref<1x4096x1xi32, #tpu.memory_space<vmem>>, %arg2: memref<128x128xf32, #tpu.memory_space<vmem>>) attributes {dimension_semantics = [#tpu.dimension_semantics<arbitrary>], iteration_bounds = array<i64: 40>, scalar_prefetch = 0 : i64, scratch_operands = 0 : i64, tpu.core_type = #tpu.core_type<tc>, window_params = [{transform_indices = @transform_0, window_bounds = array<i64: 1, 4096, 1>}, {pipeline_mode = #tpu.pipeline_mode<synchronous>, transform_indices = @transform_1, window_bounds = array<i64: 128, 128>}]} {
    %get3A = arith.constant 0 : index
    %get3A_0 = arith.constant 0 : index
    %get3A_1 = arith.constant 0 : index
    %get3A_2 = vector.load %arg1[%get3A, %get3A_0, %get3A_1] : memref<1x4096x1xi32, #tpu.memory_space<vmem>>, vector<1x4096x1xi32>
    %get3A_3 = vector.shape_cast %get3A_2 : vector<1x4096x1xi32> to vector<4096x1xi32>
    %iota3A = tpu.iota {dimensions = array<i32: 1>} : vector<4096x128xi32>
    %shift_right_logical3A = arith.constant 7 : i32
    %shift_right_logical3A_4 = vector.broadcast %shift_right_logical3A : i32 to vector<4096x1xi32>
    %shift_right_logical3A_5 = arith.shrui %get3A_3, %shift_right_logical3A_4 : vector<4096x1xi32>
    %and3A = arith.constant 127 : i32
    %and3A_6 = vector.broadcast %and3A : i32 to vector<4096x1xi32>
    %and3A_7 = arith.andi %get3A_3, %and3A_6 : vector<4096x1xi32>
    %eq3A = vector.broadcast %shift_right_logical3A_5 : vector<4096x1xi32> to vector<4096x128xi32>
    %eq3A_8 = arith.cmpi eq, %eq3A, %iota3A : vector<4096x128xi32>
    %convert_element_type3A = arith.extui %eq3A_8 : vector<4096x128xi1> to vector<4096x128xi32>
    %convert_element_type3A_9 = arith.sitofp %convert_element_type3A : vector<4096x128xi32> to vector<4096x128xf32>
    %eq3A_10 = vector.broadcast %and3A_7 : vector<4096x1xi32> to vector<4096x128xi32>
    %eq3A_11 = arith.cmpi eq, %eq3A_10, %iota3A : vector<4096x128xi32>
    %convert_element_type3A_12 = arith.extui %eq3A_11 : vector<4096x128xi1> to vector<4096x128xi32>
    %convert_element_type3A_13 = arith.sitofp %convert_element_type3A_12 : vector<4096x128xi32> to vector<4096x128xf32>
    %dot_general3A = arith.constant dense<0.000000e+00> : vector<128x128xf32>
    %dot_general3A_14 = tpu.matmul %convert_element_type3A_9, %convert_element_type3A_13, %dot_general3A {dimension_numbers = #tpu.dot_dimension_numbers<[0], [0], [1], [1], [0, 1, 1, 1], [], []>, transpose_lhs_hint = false} : vector<4096x128xf32>, vector<4096x128xf32>, vector<128x128xf32> -> vector<128x128xf32>
    %eq3A_15 = arith.constant 0 : i32
    %eq3A_16 = arith.cmpi eq, %arg0, %eq3A_15 : i32
    %convert_element_type3A_17 = arith.extui %eq3A_16 : i1 to i32
    %cond3A = arith.constant 0 : i32
    %cond3A_18 = arith.cmpi ne, %convert_element_type3A_17, %cond3A : i32
    scf.if %cond3A_18 {
      %swap3A = arith.constant 0 : index
      %swap3A_23 = arith.constant 0 : index
      %swap3A_24 = vector.load %arg2[%swap3A, %swap3A_23] : memref<128x128xf32, #tpu.memory_space<vmem>>, vector<128x128xf32>
      tpu.vector_store %arg2[%swap3A, %swap3A_23], %dot_general3A_14 {strides = array<i32>} : memref<128x128xf32, #tpu.memory_space<vmem>>, vector<128x128xf32>,
    } else {
    }
    %gt3A = arith.constant 0 : i32
    %gt3A_19 = arith.cmpi sgt, %arg0, %gt3A : i32
    %convert_element_type3A_20 = arith.extui %gt3A_19 : i1 to i32
    %cond3A_21 = arith.constant 0 : i32
    %cond3A_22 = arith.cmpi ne, %convert_element_type3A_20, %cond3A_21 : i32
    scf.if %cond3A_22 {
      %get3A_23 = arith.constant 0 : index
      %get3A_24 = arith.constant 0 : index
      %get3A_25 = vector.load %arg2[%get3A_23, %get3A_24] : memref<128x128xf32, #tpu.memory_space<vmem>>, vector<128x128xf32>
      %add3A = arith.addf %get3A_25, %dot_general3A_14 : vector<128x128xf32>
      %swap3A = arith.constant 0 : index
      %swap3A_26 = arith.constant 0 : index
      %swap3A_27 = vector.load %arg2[%swap3A, %swap3A_26] : memref<128x128xf32, #tpu.memory_space<vmem>>, vector<128x128xf32>
      tpu.vector_store %arg2[%swap3A, %swap3A_26], %add3A {strides = array<i32>} : memref<128x128xf32, #tpu.memory_space<vmem>>, vector<128x128xf32>,
    } else {
    }
    return
  }
  func.func @transform_0(%arg0: i32) -> (i32, i32, i32) {
    %c0_i32 = arith.constant 0 : i32
    %c0_i32_0 = arith.constant 0 : i32
    %c0_i32_1 = arith.constant 0 : i32
    return %arg0, %c0_i32, %c0_i32_0 : i32, i32, i32
  }
  func.func @transform_1(%arg0: i32) -> (i32, i32) {
    %c0_i32 = arith.constant 0 : i32
    %c0_i32_0 = arith.constant 0 : i32
    %c0_i32_1 = arith.constant 0 : i32
    return %c0_i32, %c0_i32_0 : i32, i32
  }
}

module attributes {stable_mosaic.version = 14 : i64} {
  func.func @_hist_body(%arg0: i32, %arg1: memref<1x2048x1xi32, #tpu.memory_space<vmem>>, %arg2: memref<128x128xf32, #tpu.memory_space<vmem>>) attributes {dimension_semantics = [#tpu.dimension_semantics<arbitrary>], iteration_bounds = array<i64: 1>, scalar_prefetch = 0 : i64, scratch_operands = 0 : i64, tpu.core_type = #tpu.core_type<tc>, window_params = [{transform_indices = @transform_0, window_bounds = array<i64: 1, 2048, 1>}, {pipeline_mode = #tpu.pipeline_mode<synchronous>, transform_indices = @transform_1, window_bounds = array<i64: 128, 128>}]} {
    %get3A = arith.constant 0 : index
    %get3A_0 = arith.constant 0 : index
    %get3A_1 = arith.constant 0 : index
    %get3A_2 = vector.load %arg1[%get3A, %get3A_0, %get3A_1] : memref<1x2048x1xi32, #tpu.memory_space<vmem>>, vector<1x2048x1xi32>
    %get3A_3 = vector.shape_cast %get3A_2 : vector<1x2048x1xi32> to vector<2048x1xi32>
    %iota3A = tpu.iota {dimensions = array<i32: 1>} : vector<2048x128xi32>
    %shift_right_logical3A = arith.constant 7 : i32
    %shift_right_logical3A_4 = vector.broadcast %shift_right_logical3A : i32 to vector<2048x1xi32>
    %shift_right_logical3A_5 = arith.shrui %get3A_3, %shift_right_logical3A_4 : vector<2048x1xi32>
    %and3A = arith.constant 127 : i32
    %and3A_6 = vector.broadcast %and3A : i32 to vector<2048x1xi32>
    %and3A_7 = arith.andi %get3A_3, %and3A_6 : vector<2048x1xi32>
    %eq3A = vector.broadcast %shift_right_logical3A_5 : vector<2048x1xi32> to vector<2048x128xi32>
    %eq3A_8 = arith.cmpi eq, %eq3A, %iota3A : vector<2048x128xi32>
    %convert_element_type3A = arith.extui %eq3A_8 : vector<2048x128xi1> to vector<2048x128xi32>
    %convert_element_type3A_9 = arith.sitofp %convert_element_type3A : vector<2048x128xi32> to vector<2048x128xf32>
    %eq3A_10 = vector.broadcast %and3A_7 : vector<2048x1xi32> to vector<2048x128xi32>
    %eq3A_11 = arith.cmpi eq, %eq3A_10, %iota3A : vector<2048x128xi32>
    %convert_element_type3A_12 = arith.extui %eq3A_11 : vector<2048x128xi1> to vector<2048x128xi32>
    %convert_element_type3A_13 = arith.sitofp %convert_element_type3A_12 : vector<2048x128xi32> to vector<2048x128xf32>
    %dot_general3A = arith.constant dense<0.000000e+00> : vector<128x128xf32>
    %dot_general3A_14 = tpu.matmul %convert_element_type3A_9, %convert_element_type3A_13, %dot_general3A {dimension_numbers = #tpu.dot_dimension_numbers<[0], [0], [1], [1], [0, 1, 1, 1], [], []>, transpose_lhs_hint = false} : vector<2048x128xf32>, vector<2048x128xf32>, vector<128x128xf32> -> vector<128x128xf32>
    %eq3A_15 = arith.constant 0 : i32
    %eq3A_16 = arith.cmpi eq, %arg0, %eq3A_15 : i32
    %convert_element_type3A_17 = arith.extui %eq3A_16 : i1 to i32
    %cond3A = arith.constant 0 : i32
    %cond3A_18 = arith.cmpi ne, %convert_element_type3A_17, %cond3A : i32
    scf.if %cond3A_18 {
      %swap3A = arith.constant 0 : index
      %swap3A_23 = arith.constant 0 : index
      %swap3A_24 = vector.load %arg2[%swap3A, %swap3A_23] : memref<128x128xf32, #tpu.memory_space<vmem>>, vector<128x128xf32>
      tpu.vector_store %arg2[%swap3A, %swap3A_23], %dot_general3A_14 {strides = array<i32>} : memref<128x128xf32, #tpu.memory_space<vmem>>, vector<128x128xf32>,
    } else {
    }
    %gt3A = arith.constant 0 : i32
    %gt3A_19 = arith.cmpi sgt, %arg0, %gt3A : i32
    %convert_element_type3A_20 = arith.extui %gt3A_19 : i1 to i32
    %cond3A_21 = arith.constant 0 : i32
    %cond3A_22 = arith.cmpi ne, %convert_element_type3A_20, %cond3A_21 : i32
    scf.if %cond3A_22 {
      %get3A_23 = arith.constant 0 : index
      %get3A_24 = arith.constant 0 : index
      %get3A_25 = vector.load %arg2[%get3A_23, %get3A_24] : memref<128x128xf32, #tpu.memory_space<vmem>>, vector<128x128xf32>
      %add3A = arith.addf %get3A_25, %dot_general3A_14 : vector<128x128xf32>
      %swap3A = arith.constant 0 : index
      %swap3A_26 = arith.constant 0 : index
      %swap3A_27 = vector.load %arg2[%swap3A, %swap3A_26] : memref<128x128xf32, #tpu.memory_space<vmem>>, vector<128x128xf32>
      tpu.vector_store %arg2[%swap3A, %swap3A_26], %add3A {strides = array<i32>} : memref<128x128xf32, #tpu.memory_space<vmem>>, vector<128x128xf32>,
    } else {
    }
    return
  }
  func.func @transform_0(%arg0: i32) -> (i32, i32, i32) {
    %c0_i32 = arith.constant 0 : i32
    %c0_i32_0 = arith.constant 0 : i32
    %c0_i32_1 = arith.constant 0 : i32
    return %arg0, %c0_i32, %c0_i32_0 : i32, i32, i32
  }
  func.func @transform_1(%arg0: i32) -> (i32, i32) {
    %c0_i32 = arith.constant 0 : i32
    %c0_i32_0 = arith.constant 0 : i32
    %c0_i32_1 = arith.constant 0 : i32
    return %c0_i32, %c0_i32_0 : i32, i32
  }
}

module attributes {stable_mosaic.version = 14 : i64} {
  func.func @_bnapply_body(%arg0: i32, %arg1: memref<2000x256xf32, #tpu.memory_space<vmem>>, %arg2: memref<1x256xf32, #tpu.memory_space<vmem>>, %arg3: memref<1x256xf32, #tpu.memory_space<vmem>>, %arg4: memref<1x256xf32, #tpu.memory_space<vmem>>, %arg5: memref<1x256xf32, #tpu.memory_space<vmem>>, %arg6: memref<2000x128xf32, #tpu.memory_space<vmem>>, %arg7: memref<2000x128xf32, #tpu.memory_space<vmem>>) attributes {dimension_semantics = [#tpu.dimension_semantics<arbitrary>], iteration_bounds = array<i64: 5>, scalar_prefetch = 0 : i64, scratch_operands = 0 : i64, tpu.core_type = #tpu.core_type<tc>, window_params = [{transform_indices = @transform_0, window_bounds = array<i64: 2000, 256>}, {pipeline_mode = #tpu.pipeline_mode<synchronous>, transform_indices = @transform_1, window_bounds = array<i64: 1, 256>}, {pipeline_mode = #tpu.pipeline_mode<synchronous>, transform_indices = @transform_2, window_bounds = array<i64: 1, 256>}, {pipeline_mode = #tpu.pipeline_mode<synchronous>, transform_indices = @transform_3, window_bounds = array<i64: 1, 256>}, {pipeline_mode = #tpu.pipeline_mode<synchronous>, transform_indices = @transform_4, window_bounds = array<i64: 1, 256>}, {transform_indices = @transform_5, window_bounds = array<i64: 2000, 128>}, {transform_indices = @transform_6, window_bounds = array<i64: 2000, 128>}]} {
    %get3A = arith.constant 0 : index
    %get3A_0 = arith.constant 0 : index
    %get3A_1 = vector.load %arg2[%get3A, %get3A_0] : memref<1x256xf32, #tpu.memory_space<vmem>>, vector<1x256xf32>
    %div3A = arith.constant 1.000000e+04 : f32
    %div3A_2 = vector.broadcast %div3A : f32 to vector<1x256xf32>
    %div3A_3 = arith.divf %get3A_1, %div3A_2 : vector<1x256xf32>
    %get3A_4 = arith.constant 0 : index
    %get3A_5 = arith.constant 0 : index
    %get3A_6 = vector.load %arg3[%get3A_4, %get3A_5] : memref<1x256xf32, #tpu.memory_space<vmem>>, vector<1x256xf32>
    %div3A_7 = arith.constant 1.000000e+04 : f32
    %div3A_8 = vector.broadcast %div3A_7 : f32 to vector<1x256xf32>
    %div3A_9 = arith.divf %get3A_6, %div3A_8 : vector<1x256xf32>
    %mul3A = arith.mulf %div3A_3, %div3A_3 : vector<1x256xf32>
    %sub3A = arith.subf %div3A_9, %mul3A : vector<1x256xf32>
    %get3A_10 = arith.constant 0 : index
    %get3A_11 = arith.constant 0 : index
    %get3A_12 = vector.load %arg4[%get3A_10, %get3A_11] : memref<1x256xf32, #tpu.memory_space<vmem>>, vector<1x256xf32>
    %add3A = arith.constant 9.99999974E-6 : f32
    %add3A_13 = vector.broadcast %add3A : f32 to vector<1x256xf32>
    %add3A_14 = arith.addf %sub3A, %add3A_13 : vector<1x256xf32>
    %rsqrt3A = math.rsqrt %add3A_14 : vector<1x256xf32>
    %mul3A_15 = arith.mulf %get3A_12, %rsqrt3A : vector<1x256xf32>
    %get3A_16 = arith.constant 0 : index
    %get3A_17 = arith.constant 0 : index
    %get3A_18 = vector.load %arg5[%get3A_16, %get3A_17] : memref<1x256xf32, #tpu.memory_space<vmem>>, vector<1x256xf32>
    %mul3A_19 = arith.mulf %div3A_3, %mul3A_15 : vector<1x256xf32>
    %sub3A_20 = arith.subf %get3A_18, %mul3A_19 : vector<1x256xf32>
    %get3A_21 = arith.constant 0 : index
    %get3A_22 = arith.constant 0 : index
    %get3A_23 = vector.load %arg1[%get3A_21, %get3A_22] : memref<2000x256xf32, #tpu.memory_space<vmem>>, vector<2000x256xf32>
    %mul3A_24 = vector.broadcast %mul3A_15 : vector<1x256xf32> to vector<2000x256xf32>
    %mul3A_25 = arith.mulf %get3A_23, %mul3A_24 : vector<2000x256xf32>
    %add3A_26 = vector.broadcast %sub3A_20 : vector<1x256xf32> to vector<2000x256xf32>
    %add3A_27 = arith.addf %mul3A_25, %add3A_26 : vector<2000x256xf32>
    %slice3A = vector.extract_strided_slice %add3A_27 {offsets = [0, 0], sizes = [2000, 128], strides = [1, 1]} : vector<2000x256xf32> to vector<2000x128xf32>
    %swap3A = arith.constant 0 : index
    %swap3A_28 = arith.constant 0 : index
    %swap3A_29 = vector.load %arg6[%swap3A, %swap3A_28] : memref<2000x128xf32, #tpu.memory_space<vmem>>, vector<2000x128xf32>
    tpu.vector_store %arg6[%swap3A, %swap3A_28], %slice3A {strides = array<i32>} : memref<2000x128xf32, #tpu.memory_space<vmem>>, vector<2000x128xf32>,
    %slice3A_30 = vector.extract_strided_slice %add3A_27 {offsets = [0, 128], sizes = [2000, 128], strides = [1, 1]} : vector<2000x256xf32> to vector<2000x128xf32>
    %swap3A_31 = arith.constant 0 : index
    %swap3A_32 = arith.constant 0 : index
    %swap3A_33 = vector.load %arg7[%swap3A_31, %swap3A_32] : memref<2000x128xf32, #tpu.memory_space<vmem>>, vector<2000x128xf32>
    tpu.vector_store %arg7[%swap3A_31, %swap3A_32], %slice3A_30 {strides = array<i32>} : memref<2000x128xf32, #tpu.memory_space<vmem>>, vector<2000x128xf32>,
    return
  }
  func.func @transform_0(%arg0: i32) -> (i32, i32) {
    %c0_i32 = arith.constant 0 : i32
    %c0_i32_0 = arith.constant 0 : i32
    return %arg0, %c0_i32 : i32, i32
  }
  func.func @transform_1(%arg0: i32) -> (i32, i32) {
    %c0_i32 = arith.constant 0 : i32
    %c0_i32_0 = arith.constant 0 : i32
    %c0_i32_1 = arith.constant 0 : i32
    return %c0_i32, %c0_i32_0 : i32, i32
  }
  func.func @transform_2(%arg0: i32) -> (i32, i32) {
    %c0_i32 = arith.constant 0 : i32
    %c0_i32_0 = arith.constant 0 : i32
    %c0_i32_1 = arith.constant 0 : i32
    return %c0_i32, %c0_i32_0 : i32, i32
  }
  func.func @transform_3(%arg0: i32) -> (i32, i32) {
    %c0_i32 = arith.constant 0 : i32
    %c0_i32_0 = arith.constant 0 : i32
    %c0_i32_1 = arith.constant 0 : i32
    return %c0_i32, %c0_i32_0 : i32, i32
  }
  func.func @transform_4(%arg0: i32) -> (i32, i32) {
    %c0_i32 = arith.constant 0 : i32
    %c0_i32_0 = arith.constant 0 : i32
    %c0_i32_1 = arith.constant 0 : i32
    return %c0_i32, %c0_i32_0 : i32, i32
  }
  func.func @transform_5(%arg0: i32) -> (i32, i32) {
    %c0_i32 = arith.constant 0 : i32
    %c0_i32_0 = arith.constant 0 : i32
    return %arg0, %c0_i32 : i32, i32
  }
  func.func @transform_6(%arg0: i32) -> (i32, i32) {
    %c0_i32 = arith.constant 0 : i32
    %c0_i32_0 = arith.constant 0 : i32
    return %arg0, %c0_i32 : i32, i32
  }
}

module attributes {stable_mosaic.version = 14 : i64} {
  func.func @_mlp_single_body(%arg0: i32, %arg1: memref<1000x128xf32, #tpu.memory_space<vmem>>, %arg2: memref<1000x128xf32, #tpu.memory_space<vmem>>, %arg3: memref<256x1024xbf16, #tpu.memory_space<vmem>>, %arg4: memref<1x1024xf32, #tpu.memory_space<vmem>>, %arg5: memref<1024x1024xbf16, #tpu.memory_space<vmem>>, %arg6: memref<1x1024xf32, #tpu.memory_space<vmem>>, %arg7: memref<1024x1024xbf16, #tpu.memory_space<vmem>>, %arg8: memref<1x1024xf32, #tpu.memory_space<vmem>>, %arg9: memref<1000x1024xf32, #tpu.memory_space<vmem>>, %arg10: memref<1x1024xf32, #tpu.memory_space<vmem>>, %arg11: memref<1x1024xf32, #tpu.memory_space<vmem>>) attributes {dimension_semantics = [#tpu.dimension_semantics<arbitrary>], iteration_bounds = array<i64: 10>, scalar_prefetch = 0 : i64, scratch_operands = 0 : i64, tpu.core_type = #tpu.core_type<tc>, window_params = [{transform_indices = @transform_0, window_bounds = array<i64: 1000, 128>}, {transform_indices = @transform_1, window_bounds = array<i64: 1000, 128>}, {pipeline_mode = #tpu.pipeline_mode<synchronous>, transform_indices = @transform_2, window_bounds = array<i64: 256, 1024>}, {pipeline_mode = #tpu.pipeline_mode<synchronous>, transform_indices = @transform_3, window_bounds = array<i64: 1, 1024>}, {pipeline_mode = #tpu.pipeline_mode<synchronous>, transform_indices = @transform_4, window_bounds = array<i64: 1024, 1024>}, {pipeline_mode = #tpu.pipeline_mode<synchronous>, transform_indices = @transform_5, window_bounds = array<i64: 1, 1024>}, {pipeline_mode = #tpu.pipeline_mode<synchronous>, transform_indices = @transform_6, window_bounds = array<i64: 1024, 1024>}, {pipeline_mode = #tpu.pipeline_mode<synchronous>, transform_indices = @transform_7, window_bounds = array<i64: 1, 1024>}, {transform_indices = @transform_8, window_bounds = array<i64: 1000, 1024>}, {pipeline_mode = #tpu.pipeline_mode<synchronous>, transform_indices = @transform_9, window_bounds = array<i64: 1, 1024>}, {pipeline_mode = #tpu.pipeline_mode<synchronous>, transform_indices = @transform_10, window_bounds = array<i64: 1, 1024>}]} {
    %get3A = arith.constant 0 : index
    %get3A_0 = arith.constant 0 : index
    %get3A_1 = vector.load %arg1[%get3A, %get3A_0] : memref<1000x128xf32, #tpu.memory_space<vmem>>, vector<1000x128xf32>
    %get3A_2 = arith.constant 0 : index
    %get3A_3 = arith.constant 0 : index
    %get3A_4 = vector.load %arg2[%get3A_2, %get3A_3] : memref<1000x128xf32, #tpu.memory_space<vmem>>, vector<1000x128xf32>
    %get3A_5 = arith.constant 0 : index
    %get3A_6 = arith.constant 0 : index
    %get3A_7 = vector.load %arg3[%get3A_5, %get3A_6] : memref<256x1024xbf16, #tpu.memory_space<vmem>>, vector<256x1024xbf16>
    %get3A_8 = arith.constant 0 : index
    %get3A_9 = arith.constant 0 : index
    %get3A_10 = vector.load %arg4[%get3A_8, %get3A_9] : memref<1x1024xf32, #tpu.memory_space<vmem>>, vector<1x1024xf32>
    %convert_element_type3A = arith.truncf %get3A_1 : vector<1000x128xf32> to vector<1000x128xbf16>
    %slice3A = vector.extract_strided_slice %get3A_7 {offsets = [0, 0], sizes = [128, 1024], strides = [1, 1]} : vector<256x1024xbf16> to vector<128x1024xbf16>
    %dot_general3A = arith.constant dense<0.000000e+00> : vector<1000x1024xf32>
    %dot_general3A_11 = tpu.matmul %convert_element_type3A, %slice3A, %dot_general3A {dimension_numbers = #tpu.dot_dimension_numbers<[1], [0], [0], [1], [0, 0, 1, 1], [], []>, transpose_lhs_hint = false} : vector<1000x128xbf16>, vector<128x1024xbf16>, vector<1000x1024xf32> -> vector<1000x1024xf32>
    %add3A = vector.broadcast %get3A_10 : vector<1x1024xf32> to vector<1000x1024xf32>
    %add3A_12 = arith.addf %add3A, %dot_general3A_11 : vector<1000x1024xf32>
    %convert_element_type3A_13 = arith.truncf %get3A_4 : vector<1000x128xf32> to vector<1000x128xbf16>
    %slice3A_14 = vector.extract_strided_slice %get3A_7 {offsets = [128, 0], sizes = [128, 1024], strides = [1, 1]} : vector<256x1024xbf16> to vector<128x1024xbf16>
    %dot_general3A_15 = arith.constant dense<0.000000e+00> : vector<1000x1024xf32>
    %dot_general3A_16 = tpu.matmul %convert_element_type3A_13, %slice3A_14, %dot_general3A_15 {dimension_numbers = #tpu.dot_dimension_numbers<[1], [0], [0], [1], [0, 0, 1, 1], [], []>, transpose_lhs_hint = false} : vector<1000x128xbf16>, vector<128x1024xbf16>, vector<1000x1024xf32> -> vector<1000x1024xf32>
    %add3A_17 = arith.addf %add3A_12, %dot_general3A_16 : vector<1000x1024xf32>
    %max3A = arith.constant 0.000000e+00 : f32
    %max3A_18 = vector.broadcast %max3A : f32 to vector<1000x1024xf32>
    %max3A_19 = arith.maximumf %add3A_17, %max3A_18 : vector<1000x1024xf32>
    %convert_element_type3A_20 = arith.truncf %max3A_19 : vector<1000x1024xf32> to vector<1000x1024xbf16>
    %get3A_21 = arith.constant 0 : index
    %get3A_22 = arith.constant 0 : index
    %get3A_23 = vector.load %arg5[%get3A_21, %get3A_22] : memref<1024x1024xbf16, #tpu.memory_space<vmem>>, vector<1024x1024xbf16>
    %dot_general3A_24 = arith.constant dense<0.000000e+00> : vector<1000x1024xf32>
    %dot_general3A_25 = tpu.matmul %convert_element_type3A_20, %get3A_23, %dot_general3A_24 {dimension_numbers = #tpu.dot_dimension_numbers<[1], [0], [0], [1], [0, 0, 1, 1], [], []>, transpose_lhs_hint = false} : vector<1000x1024xbf16>, vector<1024x1024xbf16>, vector<1000x1024xf32> -> vector<1000x1024xf32>
    %get3A_26 = arith.constant 0 : index
    %get3A_27 = arith.constant 0 : index
    %get3A_28 = vector.load %arg6[%get3A_26, %get3A_27] : memref<1x1024xf32, #tpu.memory_space<vmem>>, vector<1x1024xf32>
    %add3A_29 = vector.broadcast %get3A_28 : vector<1x1024xf32> to vector<1000x1024xf32>
    %add3A_30 = arith.addf %dot_general3A_25, %add3A_29 : vector<1000x1024xf32>
    %max3A_31 = arith.constant 0.000000e+00 : f32
    %max3A_32 = vector.broadcast %max3A_31 : f32 to vector<1000x1024xf32>
    %max3A_33 = arith.maximumf %add3A_30, %max3A_32 : vector<1000x1024xf32>
    %convert_element_type3A_34 = arith.truncf %max3A_33 : vector<1000x1024xf32> to vector<1000x1024xbf16>
    %get3A_35 = arith.constant 0 : index
    %get3A_36 = arith.constant 0 : index
    %get3A_37 = vector.load %arg7[%get3A_35, %get3A_36] : memref<1024x1024xbf16, #tpu.memory_space<vmem>>, vector<1024x1024xbf16>
    %dot_general3A_38 = arith.constant dense<0.000000e+00> : vector<1000x1024xf32>
    %dot_general3A_39 = tpu.matmul %convert_element_type3A_34, %get3A_37, %dot_general3A_38 {dimension_numbers = #tpu.dot_dimension_numbers<[1], [0], [0], [1], [0, 0, 1, 1], [], []>, transpose_lhs_hint = false} : vector<1000x1024xbf16>, vector<1024x1024xbf16>, vector<1000x1024xf32> -> vector<1000x1024xf32>
    %get3A_40 = arith.constant 0 : index
    %get3A_41 = arith.constant 0 : index
    %get3A_42 = vector.load %arg8[%get3A_40, %get3A_41] : memref<1x1024xf32, #tpu.memory_space<vmem>>, vector<1x1024xf32>
    %add3A_43 = vector.broadcast %get3A_42 : vector<1x1024xf32> to vector<1000x1024xf32>
    %add3A_44 = arith.addf %dot_general3A_39, %add3A_43 : vector<1000x1024xf32>
    %max3A_45 = arith.constant 0.000000e+00 : f32
    %max3A_46 = vector.broadcast %max3A_45 : f32 to vector<1000x1024xf32>
    %max3A_47 = arith.maximumf %add3A_44, %max3A_46 : vector<1000x1024xf32>
    %swap3A = arith.constant 0 : index
    %swap3A_48 = arith.constant 0 : index
    %swap3A_49 = vector.load %arg9[%swap3A, %swap3A_48] : memref<1000x1024xf32, #tpu.memory_space<vmem>>, vector<1000x1024xf32>
    tpu.vector_store %arg9[%swap3A, %swap3A_48], %max3A_47 {strides = array<i32>} : memref<1000x1024xf32, #tpu.memory_space<vmem>>, vector<1000x1024xf32>,
    %reduce_sum3A = arith.constant dense<0.000000e+00> : vector<1024xf32>
    %reduce_sum3A_50 = vector.multi_reduction <add>, %max3A_47, %reduce_sum3A [0] : vector<1000x1024xf32> to vector<1024xf32>
    %broadcast_in_dim3A = vector.shape_cast %reduce_sum3A_50 : vector<1024xf32> to vector<1x1024xf32>
    %mul3A = arith.mulf %max3A_47, %max3A_47 : vector<1000x1024xf32>
    %reduce_sum3A_51 = arith.constant dense<0.000000e+00> : vector<1024xf32>
    %reduce_sum3A_52 = vector.multi_reduction <add>, %mul3A, %reduce_sum3A_51 [0] : vector<1000x1024xf32> to vector<1024xf32>
    %broadcast_in_dim3A_53 = vector.shape_cast %reduce_sum3A_52 : vector<1024xf32> to vector<1x1024xf32>
    %eq3A = arith.constant 0 : i32
    %eq3A_54 = arith.cmpi eq, %arg0, %eq3A : i32
    %convert_element_type3A_55 = arith.extui %eq3A_54 : i1 to i32
    %cond3A = arith.constant 0 : i32
    %cond3A_56 = arith.cmpi ne, %convert_element_type3A_55, %cond3A : i32
    scf.if %cond3A_56 {
      %swap3A_61 = arith.constant 0 : index
      %swap3A_62 = arith.constant 0 : index
      %swap3A_63 = vector.load %arg10[%swap3A_61, %swap3A_62] : memref<1x1024xf32, #tpu.memory_space<vmem>>, vector<1x1024xf32>
      tpu.vector_store %arg10[%swap3A_61, %swap3A_62], %broadcast_in_dim3A {strides = array<i32>} : memref<1x1024xf32, #tpu.memory_space<vmem>>, vector<1x1024xf32>,
      %swap3A_64 = arith.constant 0 : index
      %swap3A_65 = arith.constant 0 : index
      %swap3A_66 = vector.load %arg11[%swap3A_64, %swap3A_65] : memref<1x1024xf32, #tpu.memory_space<vmem>>, vector<1x1024xf32>
      tpu.vector_store %arg11[%swap3A_64, %swap3A_65], %broadcast_in_dim3A_53 {strides = array<i32>} : memref<1x1024xf32, #tpu.memory_space<vmem>>, vector<1x1024xf32>,
    } else {
    }
    %gt3A = arith.constant 0 : i32
    %gt3A_57 = arith.cmpi sgt, %arg0, %gt3A : i32
    %convert_element_type3A_58 = arith.extui %gt3A_57 : i1 to i32
    %cond3A_59 = arith.constant 0 : i32
    %cond3A_60 = arith.cmpi ne, %convert_element_type3A_58, %cond3A_59 : i32
    scf.if %cond3A_60 {
      %get3A_61 = arith.constant 0 : index
      %get3A_62 = arith.constant 0 : index
      %get3A_63 = vector.load %arg10[%get3A_61, %get3A_62] : memref<1x1024xf32, #tpu.memory_space<vmem>>, vector<1x1024xf32>
      %add3A_64 = arith.addf %get3A_63, %broadcast_in_dim3A : vector<1x1024xf32>
      %swap3A_65 = arith.constant 0 : index
      %swap3A_66 = arith.constant 0 : index
      %swap3A_67 = vector.load %arg10[%swap3A_65, %swap3A_66] : memref<1x1024xf32, #tpu.memory_space<vmem>>, vector<1x1024xf32>
      tpu.vector_store %arg10[%swap3A_65, %swap3A_66], %add3A_64 {strides = array<i32>} : memref<1x1024xf32, #tpu.memory_space<vmem>>, vector<1x1024xf32>,
      %get3A_68 = arith.constant 0 : index
      %get3A_69 = arith.constant 0 : index
      %get3A_70 = vector.load %arg11[%get3A_68, %get3A_69] : memref<1x1024xf32, #tpu.memory_space<vmem>>, vector<1x1024xf32>
      %add3A_71 = arith.addf %get3A_70, %broadcast_in_dim3A_53 : vector<1x1024xf32>
      %swap3A_72 = arith.constant 0 : index
      %swap3A_73 = arith.constant 0 : index
      %swap3A_74 = vector.load %arg11[%swap3A_72, %swap3A_73] : memref<1x1024xf32, #tpu.memory_space<vmem>>, vector<1x1024xf32>
      tpu.vector_store %arg11[%swap3A_72, %swap3A_73], %add3A_71 {strides = array<i32>} : memref<1x1024xf32, #tpu.memory_space<vmem>>, vector<1x1024xf32>,
    } else {
    }
    return
  }
  func.func @transform_0(%arg0: i32) -> (i32, i32) {
    %c0_i32 = arith.constant 0 : i32
    %c0_i32_0 = arith.constant 0 : i32
    return %arg0, %c0_i32 : i32, i32
  }
  func.func @transform_1(%arg0: i32) -> (i32, i32) {
    %c0_i32 = arith.constant 0 : i32
    %c0_i32_0 = arith.constant 0 : i32
    return %arg0, %c0_i32 : i32, i32
  }
  func.func @transform_2(%arg0: i32) -> (i32, i32) {
    %c0_i32 = arith.constant 0 : i32
    %c0_i32_0 = arith.constant 0 : i32
    %c0_i32_1 = arith.constant 0 : i32
    return %c0_i32, %c0_i32_0 : i32, i32
  }
  func.func @transform_3(%arg0: i32) -> (i32, i32) {
    %c0_i32 = arith.constant 0 : i32
    %c0_i32_0 = arith.constant 0 : i32
    %c0_i32_1 = arith.constant 0 : i32
    return %c0_i32, %c0_i32_0 : i32, i32
  }
  func.func @transform_4(%arg0: i32) -> (i32, i32) {
    %c0_i32 = arith.constant 0 : i32
    %c0_i32_0 = arith.constant 0 : i32
    %c0_i32_1 = arith.constant 0 : i32
    return %c0_i32, %c0_i32_0 : i32, i32
  }
  func.func @transform_5(%arg0: i32) -> (i32, i32) {
    %c0_i32 = arith.constant 0 : i32
    %c0_i32_0 = arith.constant 0 : i32
    %c0_i32_1 = arith.constant 0 : i32
    return %c0_i32, %c0_i32_0 : i32, i32
  }
  func.func @transform_6(%arg0: i32) -> (i32, i32) {
    %c0_i32 = arith.constant 0 : i32
    %c0_i32_0 = arith.constant 0 : i32
    %c0_i32_1 = arith.constant 0 : i32
    return %c0_i32, %c0_i32_0 : i32, i32
  }
  func.func @transform_7(%arg0: i32) -> (i32, i32) {
    %c0_i32 = arith.constant 0 : i32
    %c0_i32_0 = arith.constant 0 : i32
    %c0_i32_1 = arith.constant 0 : i32
    return %c0_i32, %c0_i32_0 : i32, i32
  }
  func.func @transform_8(%arg0: i32) -> (i32, i32) {
    %c0_i32 = arith.constant 0 : i32
    %c0_i32_0 = arith.constant 0 : i32
    return %arg0, %c0_i32 : i32, i32
  }
  func.func @transform_9(%arg0: i32) -> (i32, i32) {
    %c0_i32 = arith.constant 0 : i32
    %c0_i32_0 = arith.constant 0 : i32
    %c0_i32_1 = arith.constant 0 : i32
    return %c0_i32, %c0_i32_0 : i32, i32
  }
  func.func @transform_10(%arg0: i32) -> (i32, i32) {
    %c0_i32 = arith.constant 0 : i32
    %c0_i32_0 = arith.constant 0 : i32
    %c0_i32_1 = arith.constant 0 : i32
    return %c0_i32, %c0_i32_0 : i32, i32
  }
}

module attributes {stable_mosaic.version = 14 : i64} {
  func.func @_mlp_het_body(%arg0: i32, %arg1: memref<1000x128xf32, #tpu.memory_space<vmem>>, %arg2: memref<1000x128xf32, #tpu.memory_space<vmem>>, %arg3: memref<1000x128xf32, #tpu.memory_space<vmem>>, %arg4: memref<1000x128xf32, #tpu.memory_space<vmem>>, %arg5: memref<1000x1xf32, #tpu.memory_space<vmem>>, %arg6: memref<1x256xf32, #tpu.memory_space<vmem>>, %arg7: memref<1x256xf32, #tpu.memory_space<vmem>>, %arg8: memref<1x256xf32, #tpu.memory_space<vmem>>, %arg9: memref<1x256xf32, #tpu.memory_space<vmem>>, %arg10: memref<256x1024xbf16, #tpu.memory_space<vmem>>, %arg11: memref<1x1024xf32, #tpu.memory_space<vmem>>, %arg12: memref<1024x1024xbf16, #tpu.memory_space<vmem>>, %arg13: memref<1x1024xf32, #tpu.memory_space<vmem>>, %arg14: memref<1024x1024xbf16, #tpu.memory_space<vmem>>, %arg15: memref<1x1024xf32, #tpu.memory_space<vmem>>, %arg16: memref<1000x1024xf32, #tpu.memory_space<vmem>>, %arg17: memref<1x1024xf32, #tpu.memory_space<vmem>>, %arg18: memref<1x1024xf32, #tpu.memory_space<vmem>>) attributes {dimension_semantics = [#tpu.dimension_semantics<arbitrary>], iteration_bounds = array<i64: 10>, scalar_prefetch = 0 : i64, scratch_operands = 0 : i64, tpu.core_type = #tpu.core_type<tc>, window_params = [{transform_indices = @transform_0, window_bounds = array<i64: 1000, 128>}, {transform_indices = @transform_1, window_bounds = array<i64: 1000, 128>}, {transform_indices = @transform_2, window_bounds = array<i64: 1000, 128>}, {transform_indices = @transform_3, window_bounds = array<i64: 1000, 128>}, {transform_indices = @transform_4, window_bounds = array<i64: 1000, 1>}, {pipeline_mode = #tpu.pipeline_mode<synchronous>, transform_indices = @transform_5, window_bounds = array<i64: 1, 256>}, {pipeline_mode = #tpu.pipeline_mode<synchronous>, transform_indices = @transform_6, window_bounds = array<i64: 1, 256>}, {pipeline_mode = #tpu.pipeline_mode<synchronous>, transform_indices = @transform_7, window_bounds = array<i64: 1, 256>}, {pipeline_mode = #tpu.pipeline_mode<synchronous>, transform_indices = @transform_8, window_bounds = array<i64: 1, 256>}, {pipeline_mode = #tpu.pipeline_mode<synchronous>, transform_indices = @transform_9, window_bounds = array<i64: 256, 1024>}, {pipeline_mode = #tpu.pipeline_mode<synchronous>, transform_indices = @transform_10, window_bounds = array<i64: 1, 1024>}, {pipeline_mode = #tpu.pipeline_mode<synchronous>, transform_indices = @transform_11, window_bounds = array<i64: 1024, 1024>}, {pipeline_mode = #tpu.pipeline_mode<synchronous>, transform_indices = @transform_12, window_bounds = array<i64: 1, 1024>}, {pipeline_mode = #tpu.pipeline_mode<synchronous>, transform_indices = @transform_13, window_bounds = array<i64: 1024, 1024>}, {pipeline_mode = #tpu.pipeline_mode<synchronous>, transform_indices = @transform_14, window_bounds = array<i64: 1, 1024>}, {transform_indices = @transform_15, window_bounds = array<i64: 1000, 1024>}, {pipeline_mode = #tpu.pipeline_mode<synchronous>, transform_indices = @transform_16, window_bounds = array<i64: 1, 1024>}, {pipeline_mode = #tpu.pipeline_mode<synchronous>, transform_indices = @transform_17, window_bounds = array<i64: 1, 1024>}]} {
    %get3A = arith.constant 0 : index
    %get3A_0 = arith.constant 0 : index
    %get3A_1 = vector.load %arg5[%get3A, %get3A_0] : memref<1000x1xf32, #tpu.memory_space<vmem>>, vector<1000x1xf32>
    %max3A = arith.constant 1.000000e+00 : f32
    %max3A_2 = vector.broadcast %max3A : f32 to vector<1000x1xf32>
    %max3A_3 = arith.maximumf %get3A_1, %max3A_2 : vector<1000x1xf32>
    %div3A = arith.constant 1.000000e+00 : f32
    %div3A_4 = vector.broadcast %div3A : f32 to vector<1000x1xf32>
    %div3A_5 = arith.divf %div3A_4, %max3A_3 : vector<1000x1xf32>
    %gt3A = arith.constant 0.000000e+00 : f32
    %gt3A_6 = vector.broadcast %gt3A : f32 to vector<1000x1xf32>
    %gt3A_7 = arith.cmpf ogt, %get3A_1, %gt3A_6 : vector<1000x1xf32>
    %convert_element_type3A = arith.extui %gt3A_7 : vector<1000x1xi1> to vector<1000x1xi32>
    %convert_element_type3A_8 = arith.sitofp %convert_element_type3A : vector<1000x1xi32> to vector<1000x1xf32>
    %get3A_9 = arith.constant 0 : index
    %get3A_10 = arith.constant 0 : index
    %get3A_11 = vector.load %arg6[%get3A_9, %get3A_10] : memref<1x256xf32, #tpu.memory_space<vmem>>, vector<1x256xf32>
    %div3A_12 = arith.constant 1.000000e+04 : f32
    %div3A_13 = vector.broadcast %div3A_12 : f32 to vector<1x256xf32>
    %div3A_14 = arith.divf %get3A_11, %div3A_13 : vector<1x256xf32>
    %get3A_15 = arith.constant 0 : index
    %get3A_16 = arith.constant 0 : index
    %get3A_17 = vector.load %arg7[%get3A_15, %get3A_16] : memref<1x256xf32, #tpu.memory_space<vmem>>, vector<1x256xf32>
    %div3A_18 = arith.constant 1.000000e+04 : f32
    %div3A_19 = vector.broadcast %div3A_18 : f32 to vector<1x256xf32>
    %div3A_20 = arith.divf %get3A_17, %div3A_19 : vector<1x256xf32>
    %mul3A = arith.mulf %div3A_14, %div3A_14 : vector<1x256xf32>
    %sub3A = arith.subf %div3A_20, %mul3A : vector<1x256xf32>
    %get3A_21 = arith.constant 0 : index
    %get3A_22 = arith.constant 0 : index
    %get3A_23 = vector.load %arg8[%get3A_21, %get3A_22] : memref<1x256xf32, #tpu.memory_space<vmem>>, vector<1x256xf32>
    %add3A = arith.constant 9.99999974E-6 : f32
    %add3A_24 = vector.broadcast %add3A : f32 to vector<1x256xf32>
    %add3A_25 = arith.addf %sub3A, %add3A_24 : vector<1x256xf32>
    %rsqrt3A = math.rsqrt %add3A_25 : vector<1x256xf32>
    %mul3A_26 = arith.mulf %get3A_23, %rsqrt3A : vector<1x256xf32>
    %get3A_27 = arith.constant 0 : index
    %get3A_28 = arith.constant 0 : index
    %get3A_29 = vector.load %arg9[%get3A_27, %get3A_28] : memref<1x256xf32, #tpu.memory_space<vmem>>, vector<1x256xf32>
    %mul3A_30 = arith.mulf %div3A_14, %mul3A_26 : vector<1x256xf32>
    %sub3A_31 = arith.subf %get3A_29, %mul3A_30 : vector<1x256xf32>
    %get3A_32 = arith.constant 0 : index
    %get3A_33 = arith.constant 0 : index
    %get3A_34 = vector.load %arg1[%get3A_32, %get3A_33] : memref<1000x128xf32, #tpu.memory_space<vmem>>, vector<1000x128xf32>
    %get3A_35 = arith.constant 0 : index
    %get3A_36 = arith.constant 0 : index
    %get3A_37 = vector.load %arg3[%get3A_35, %get3A_36] : memref<1000x128xf32, #tpu.memory_space<vmem>>, vector<1000x128xf32>
    %mul3A_38 = vector.broadcast %div3A_5 : vector<1000x1xf32> to vector<1000x128xf32>
    %mul3A_39 = arith.mulf %get3A_37, %mul3A_38 : vector<1000x128xf32>
    %slice3A = vector.extract_strided_slice %mul3A_26 {offsets = [0, 0], sizes = [1, 128], strides = [1, 1]} : vector<1x256xf32> to vector<1x128xf32>
    %mul3A_40 = vector.broadcast %slice3A : vector<1x128xf32> to vector<1000x128xf32>
    %mul3A_41 = arith.mulf %mul3A_39, %mul3A_40 : vector<1000x128xf32>
    %slice3A_42 = vector.extract_strided_slice %sub3A_31 {offsets = [0, 0], sizes = [1, 128], strides = [1, 1]} : vector<1x256xf32> to vector<1x128xf32>
    %mul3A_43 = vector.broadcast %convert_element_type3A_8 : vector<1000x1xf32> to vector<1000x128xf32>
    %mul3A_44 = vector.broadcast %slice3A_42 : vector<1x128xf32> to vector<1000x128xf32>
    %mul3A_45 = arith.mulf %mul3A_43, %mul3A_44 : vector<1000x128xf32>
    %add3A_46 = arith.addf %mul3A_41, %mul3A_45 : vector<1000x128xf32>
    %sub3A_47 = arith.subf %get3A_34, %add3A_46 : vector<1000x128xf32>
    %get3A_48 = arith.constant 0 : index
    %get3A_49 = arith.constant 0 : index
    %get3A_50 = vector.load %arg2[%get3A_48, %get3A_49] : memref<1000x128xf32, #tpu.memory_space<vmem>>, vector<1000x128xf32>
    %get3A_51 = arith.constant 0 : index
    %get3A_52 = arith.constant 0 : index
    %get3A_53 = vector.load %arg4[%get3A_51, %get3A_52] : memref<1000x128xf32, #tpu.memory_space<vmem>>, vector<1000x128xf32>
    %mul3A_54 = vector.broadcast %div3A_5 : vector<1000x1xf32> to vector<1000x128xf32>
    %mul3A_55 = arith.mulf %get3A_53, %mul3A_54 : vector<1000x128xf32>
    %slice3A_56 = vector.extract_strided_slice %mul3A_26 {offsets = [0, 128], sizes = [1, 128], strides = [1, 1]} : vector<1x256xf32> to vector<1x128xf32>
    %mul3A_57 = vector.broadcast %slice3A_56 : vector<1x128xf32> to vector<1000x128xf32>
    %mul3A_58 = arith.mulf %mul3A_55, %mul3A_57 : vector<1000x128xf32>
    %slice3A_59 = vector.extract_strided_slice %sub3A_31 {offsets = [0, 128], sizes = [1, 128], strides = [1, 1]} : vector<1x256xf32> to vector<1x128xf32>
    %mul3A_60 = vector.broadcast %convert_element_type3A_8 : vector<1000x1xf32> to vector<1000x128xf32>
    %mul3A_61 = vector.broadcast %slice3A_59 : vector<1x128xf32> to vector<1000x128xf32>
    %mul3A_62 = arith.mulf %mul3A_60, %mul3A_61 : vector<1000x128xf32>
    %add3A_63 = arith.addf %mul3A_58, %mul3A_62 : vector<1000x128xf32>
    %sub3A_64 = arith.subf %get3A_50, %add3A_63 : vector<1000x128xf32>
    %get3A_65 = arith.constant 0 : index
    %get3A_66 = arith.constant 0 : index
    %get3A_67 = vector.load %arg10[%get3A_65, %get3A_66] : memref<256x1024xbf16, #tpu.memory_space<vmem>>, vector<256x1024xbf16>
    %get3A_68 = arith.constant 0 : index
    %get3A_69 = arith.constant 0 : index
    %get3A_70 = vector.load %arg11[%get3A_68, %get3A_69] : memref<1x1024xf32, #tpu.memory_space<vmem>>, vector<1x1024xf32>
    %convert_element_type3A_71 = arith.truncf %sub3A_47 : vector<1000x128xf32> to vector<1000x128xbf16>
    %slice3A_72 = vector.extract_strided_slice %get3A_67 {offsets = [0, 0], sizes = [128, 1024], strides = [1, 1]} : vector<256x1024xbf16> to vector<128x1024xbf16>
    %dot_general3A = arith.constant dense<0.000000e+00> : vector<1000x1024xf32>
    %dot_general3A_73 = tpu.matmul %convert_element_type3A_71, %slice3A_72, %dot_general3A {dimension_numbers = #tpu.dot_dimension_numbers<[1], [0], [0], [1], [0, 0, 1, 1], [], []>, transpose_lhs_hint = false} : vector<1000x128xbf16>, vector<128x1024xbf16>, vector<1000x1024xf32> -> vector<1000x1024xf32>
    %add3A_74 = vector.broadcast %get3A_70 : vector<1x1024xf32> to vector<1000x1024xf32>
    %add3A_75 = arith.addf %add3A_74, %dot_general3A_73 : vector<1000x1024xf32>
    %convert_element_type3A_76 = arith.truncf %sub3A_64 : vector<1000x128xf32> to vector<1000x128xbf16>
    %slice3A_77 = vector.extract_strided_slice %get3A_67 {offsets = [128, 0], sizes = [128, 1024], strides = [1, 1]} : vector<256x1024xbf16> to vector<128x1024xbf16>
    %dot_general3A_78 = arith.constant dense<0.000000e+00> : vector<1000x1024xf32>
    %dot_general3A_79 = tpu.matmul %convert_element_type3A_76, %slice3A_77, %dot_general3A_78 {dimension_numbers = #tpu.dot_dimension_numbers<[1], [0], [0], [1], [0, 0, 1, 1], [], []>, transpose_lhs_hint = false} : vector<1000x128xbf16>, vector<128x1024xbf16>, vector<1000x1024xf32> -> vector<1000x1024xf32>
    %add3A_80 = arith.addf %add3A_75, %dot_general3A_79 : vector<1000x1024xf32>
    %max3A_81 = arith.constant 0.000000e+00 : f32
    %max3A_82 = vector.broadcast %max3A_81 : f32 to vector<1000x1024xf32>
    %max3A_83 = arith.maximumf %add3A_80, %max3A_82 : vector<1000x1024xf32>
    %convert_element_type3A_84 = arith.truncf %max3A_83 : vector<1000x1024xf32> to vector<1000x1024xbf16>
    %get3A_85 = arith.constant 0 : index
    %get3A_86 = arith.constant 0 : index
    %get3A_87 = vector.load %arg12[%get3A_85, %get3A_86] : memref<1024x1024xbf16, #tpu.memory_space<vmem>>, vector<1024x1024xbf16>
    %dot_general3A_88 = arith.constant dense<0.000000e+00> : vector<1000x1024xf32>
    %dot_general3A_89 = tpu.matmul %convert_element_type3A_84, %get3A_87, %dot_general3A_88 {dimension_numbers = #tpu.dot_dimension_numbers<[1], [0], [0], [1], [0, 0, 1, 1], [], []>, transpose_lhs_hint = false} : vector<1000x1024xbf16>, vector<1024x1024xbf16>, vector<1000x1024xf32> -> vector<1000x1024xf32>
    %get3A_90 = arith.constant 0 : index
    %get3A_91 = arith.constant 0 : index
    %get3A_92 = vector.load %arg13[%get3A_90, %get3A_91] : memref<1x1024xf32, #tpu.memory_space<vmem>>, vector<1x1024xf32>
    %add3A_93 = vector.broadcast %get3A_92 : vector<1x1024xf32> to vector<1000x1024xf32>
    %add3A_94 = arith.addf %dot_general3A_89, %add3A_93 : vector<1000x1024xf32>
    %max3A_95 = arith.constant 0.000000e+00 : f32
    %max3A_96 = vector.broadcast %max3A_95 : f32 to vector<1000x1024xf32>
    %max3A_97 = arith.maximumf %add3A_94, %max3A_96 : vector<1000x1024xf32>
    %convert_element_type3A_98 = arith.truncf %max3A_97 : vector<1000x1024xf32> to vector<1000x1024xbf16>
    %get3A_99 = arith.constant 0 : index
    %get3A_100 = arith.constant 0 : index
    %get3A_101 = vector.load %arg14[%get3A_99, %get3A_100] : memref<1024x1024xbf16, #tpu.memory_space<vmem>>, vector<1024x1024xbf16>
    %dot_general3A_102 = arith.constant dense<0.000000e+00> : vector<1000x1024xf32>
    %dot_general3A_103 = tpu.matmul %convert_element_type3A_98, %get3A_101, %dot_general3A_102 {dimension_numbers = #tpu.dot_dimension_numbers<[1], [0], [0], [1], [0, 0, 1, 1], [], []>, transpose_lhs_hint = false} : vector<1000x1024xbf16>, vector<1024x1024xbf16>, vector<1000x1024xf32> -> vector<1000x1024xf32>
    %get3A_104 = arith.constant 0 : index
    %get3A_105 = arith.constant 0 : index
    %get3A_106 = vector.load %arg15[%get3A_104, %get3A_105] : memref<1x1024xf32, #tpu.memory_space<vmem>>, vector<1x1024xf32>
    %add3A_107 = vector.broadcast %get3A_106 : vector<1x1024xf32> to vector<1000x1024xf32>
    %add3A_108 = arith.addf %dot_general3A_103, %add3A_107 : vector<1000x1024xf32>
    %max3A_109 = arith.constant 0.000000e+00 : f32
    %max3A_110 = vector.broadcast %max3A_109 : f32 to vector<1000x1024xf32>
    %max3A_111 = arith.maximumf %add3A_108, %max3A_110 : vector<1000x1024xf32>
    %swap3A = arith.constant 0 : index
    %swap3A_112 = arith.constant 0 : index
    %swap3A_113 = vector.load %arg16[%swap3A, %swap3A_112] : memref<1000x1024xf32, #tpu.memory_space<vmem>>, vector<1000x1024xf32>
    tpu.vector_store %arg16[%swap3A, %swap3A_112], %max3A_111 {strides = array<i32>} : memref<1000x1024xf32, #tpu.memory_space<vmem>>, vector<1000x1024xf32>,
    %reduce_sum3A = arith.constant dense<0.000000e+00> : vector<1024xf32>
    %reduce_sum3A_114 = vector.multi_reduction <add>, %max3A_111, %reduce_sum3A [0] : vector<1000x1024xf32> to vector<1024xf32>
    %broadcast_in_dim3A = vector.shape_cast %reduce_sum3A_114 : vector<1024xf32> to vector<1x1024xf32>
    %mul3A_115 = arith.mulf %max3A_111, %max3A_111 : vector<1000x1024xf32>
    %reduce_sum3A_116 = arith.constant dense<0.000000e+00> : vector<1024xf32>
    %reduce_sum3A_117 = vector.multi_reduction <add>, %mul3A_115, %reduce_sum3A_116 [0] : vector<1000x1024xf32> to vector<1024xf32>
    %broadcast_in_dim3A_118 = vector.shape_cast %reduce_sum3A_117 : vector<1024xf32> to vector<1x1024xf32>
    %eq3A = arith.constant 0 : i32
    %eq3A_119 = arith.cmpi eq, %arg0, %eq3A : i32
    %convert_element_type3A_120 = arith.extui %eq3A_119 : i1 to i32
    %cond3A = arith.constant 0 : i32
    %cond3A_121 = arith.cmpi ne, %convert_element_type3A_120, %cond3A : i32
    scf.if %cond3A_121 {
      %swap3A_127 = arith.constant 0 : index
      %swap3A_128 = arith.constant 0 : index
      %swap3A_129 = vector.load %arg17[%swap3A_127, %swap3A_128] : memref<1x1024xf32, #tpu.memory_space<vmem>>, vector<1x1024xf32>
      tpu.vector_store %arg17[%swap3A_127, %swap3A_128], %broadcast_in_dim3A {strides = array<i32>} : memref<1x1024xf32, #tpu.memory_space<vmem>>, vector<1x1024xf32>,
      %swap3A_130 = arith.constant 0 : index
      %swap3A_131 = arith.constant 0 : index
      %swap3A_132 = vector.load %arg18[%swap3A_130, %swap3A_131] : memref<1x1024xf32, #tpu.memory_space<vmem>>, vector<1x1024xf32>
      tpu.vector_store %arg18[%swap3A_130, %swap3A_131], %broadcast_in_dim3A_118 {strides = array<i32>} : memref<1x1024xf32, #tpu.memory_space<vmem>>, vector<1x1024xf32>,
    } else {
    }
    %gt3A_122 = arith.constant 0 : i32
    %gt3A_123 = arith.cmpi sgt, %arg0, %gt3A_122 : i32
    %convert_element_type3A_124 = arith.extui %gt3A_123 : i1 to i32
    %cond3A_125 = arith.constant 0 : i32
    %cond3A_126 = arith.cmpi ne, %convert_element_type3A_124, %cond3A_125 : i32
    scf.if %cond3A_126 {
      %get3A_127 = arith.constant 0 : index
      %get3A_128 = arith.constant 0 : index
      %get3A_129 = vector.load %arg17[%get3A_127, %get3A_128] : memref<1x1024xf32, #tpu.memory_space<vmem>>, vector<1x1024xf32>
      %add3A_130 = arith.addf %get3A_129, %broadcast_in_dim3A : vector<1x1024xf32>
      %swap3A_131 = arith.constant 0 : index
      %swap3A_132 = arith.constant 0 : index
      %swap3A_133 = vector.load %arg17[%swap3A_131, %swap3A_132] : memref<1x1024xf32, #tpu.memory_space<vmem>>, vector<1x1024xf32>
      tpu.vector_store %arg17[%swap3A_131, %swap3A_132], %add3A_130 {strides = array<i32>} : memref<1x1024xf32, #tpu.memory_space<vmem>>, vector<1x1024xf32>,
      %get3A_134 = arith.constant 0 : index
      %get3A_135 = arith.constant 0 : index
      %get3A_136 = vector.load %arg18[%get3A_134, %get3A_135] : memref<1x1024xf32, #tpu.memory_space<vmem>>, vector<1x1024xf32>
      %add3A_137 = arith.addf %get3A_136, %broadcast_in_dim3A_118 : vector<1x1024xf32>
      %swap3A_138 = arith.constant 0 : index
      %swap3A_139 = arith.constant 0 : index
      %swap3A_140 = vector.load %arg18[%swap3A_138, %swap3A_139] : memref<1x1024xf32, #tpu.memory_space<vmem>>, vector<1x1024xf32>
      tpu.vector_store %arg18[%swap3A_138, %swap3A_139], %add3A_137 {strides = array<i32>} : memref<1x1024xf32, #tpu.memory_space<vmem>>, vector<1x1024xf32>,
    } else {
    }
    return
  }
  func.func @transform_0(%arg0: i32) -> (i32, i32) {
    %c0_i32 = arith.constant 0 : i32
    %c0_i32_0 = arith.constant 0 : i32
    return %arg0, %c0_i32 : i32, i32
  }
  func.func @transform_1(%arg0: i32) -> (i32, i32) {
    %c0_i32 = arith.constant 0 : i32
    %c0_i32_0 = arith.constant 0 : i32
    return %arg0, %c0_i32 : i32, i32
  }
  func.func @transform_2(%arg0: i32) -> (i32, i32) {
    %c0_i32 = arith.constant 0 : i32
    %c0_i32_0 = arith.constant 0 : i32
    return %arg0, %c0_i32 : i32, i32
  }
  func.func @transform_3(%arg0: i32) -> (i32, i32) {
    %c0_i32 = arith.constant 0 : i32
    %c0_i32_0 = arith.constant 0 : i32
    return %arg0, %c0_i32 : i32, i32
  }
  func.func @transform_4(%arg0: i32) -> (i32, i32) {
    %c0_i32 = arith.constant 0 : i32
    %c0_i32_0 = arith.constant 0 : i32
    return %arg0, %c0_i32 : i32, i32
  }
  func.func @transform_5(%arg0: i32) -> (i32, i32) {
    %c0_i32 = arith.constant 0 : i32
    %c0_i32_0 = arith.constant 0 : i32
    %c0_i32_1 = arith.constant 0 : i32
    return %c0_i32, %c0_i32_0 : i32, i32
  }
  func.func @transform_6(%arg0: i32) -> (i32, i32) {
    %c0_i32 = arith.constant 0 : i32
    %c0_i32_0 = arith.constant 0 : i32
    %c0_i32_1 = arith.constant 0 : i32
    return %c0_i32, %c0_i32_0 : i32, i32
  }
  func.func @transform_7(%arg0: i32) -> (i32, i32) {
    %c0_i32 = arith.constant 0 : i32
    %c0_i32_0 = arith.constant 0 : i32
    %c0_i32_1 = arith.constant 0 : i32
    return %c0_i32, %c0_i32_0 : i32, i32
  }
  func.func @transform_8(%arg0: i32) -> (i32, i32) {
    %c0_i32 = arith.constant 0 : i32
    %c0_i32_0 = arith.constant 0 : i32
    %c0_i32_1 = arith.constant 0 : i32
    return %c0_i32, %c0_i32_0 : i32, i32
  }
  func.func @transform_9(%arg0: i32) -> (i32, i32) {
    %c0_i32 = arith.constant 0 : i32
    %c0_i32_0 = arith.constant 0 : i32
    %c0_i32_1 = arith.constant 0 : i32
    return %c0_i32, %c0_i32_0 : i32, i32
  }
  func.func @transform_10(%arg0: i32) -> (i32, i32) {
    %c0_i32 = arith.constant 0 : i32
    %c0_i32_0 = arith.constant 0 : i32
    %c0_i32_1 = arith.constant 0 : i32
    return %c0_i32, %c0_i32_0 : i32, i32
  }
  func.func @transform_11(%arg0: i32) -> (i32, i32) {
    %c0_i32 = arith.constant 0 : i32
    %c0_i32_0 = arith.constant 0 : i32
    %c0_i32_1 = arith.constant 0 : i32
    return %c0_i32, %c0_i32_0 : i32, i32
  }
  func.func @transform_12(%arg0: i32) -> (i32, i32) {
    %c0_i32 = arith.constant 0 : i32
    %c0_i32_0 = arith.constant 0 : i32
    %c0_i32_1 = arith.constant 0 : i32
    return %c0_i32, %c0_i32_0 : i32, i32
  }
  func.func @transform_13(%arg0: i32) -> (i32, i32) {
    %c0_i32 = arith.constant 0 : i32
    %c0_i32_0 = arith.constant 0 : i32
    %c0_i32_1 = arith.constant 0 : i32
    return %c0_i32, %c0_i32_0 : i32, i32
  }
  func.func @transform_14(%arg0: i32) -> (i32, i32) {
    %c0_i32 = arith.constant 0 : i32
    %c0_i32_0 = arith.constant 0 : i32
    %c0_i32_1 = arith.constant 0 : i32
    return %c0_i32, %c0_i32_0 : i32, i32
  }
  func.func @transform_15(%arg0: i32) -> (i32, i32) {
    %c0_i32 = arith.constant 0 : i32
    %c0_i32_0 = arith.constant 0 : i32
    return %arg0, %c0_i32 : i32, i32
  }
  func.func @transform_16(%arg0: i32) -> (i32, i32) {
    %c0_i32 = arith.constant 0 : i32
    %c0_i32_0 = arith.constant 0 : i32
    %c0_i32_1 = arith.constant 0 : i32
    return %c0_i32, %c0_i32_0 : i32, i32
  }
  func.func @transform_17(%arg0: i32) -> (i32, i32) {
    %c0_i32 = arith.constant 0 : i32
    %c0_i32_0 = arith.constant 0 : i32
    %c0_i32_1 = arith.constant 0 : i32
    return %c0_i32, %c0_i32_0 : i32, i32
  }
}

module attributes {stable_mosaic.version = 14 : i64} {
  func.func @_mlp_hom_body(%arg0: i32, %arg1: memref<1000x128xf32, #tpu.memory_space<vmem>>, %arg2: memref<1000x128xf32, #tpu.memory_space<vmem>>, %arg3: memref<1000x1xf32, #tpu.memory_space<vmem>>, %arg4: memref<1x256xf32, #tpu.memory_space<vmem>>, %arg5: memref<1x256xf32, #tpu.memory_space<vmem>>, %arg6: memref<1x256xf32, #tpu.memory_space<vmem>>, %arg7: memref<1x256xf32, #tpu.memory_space<vmem>>, %arg8: memref<256x1024xbf16, #tpu.memory_space<vmem>>, %arg9: memref<1x1024xf32, #tpu.memory_space<vmem>>, %arg10: memref<1024x1024xbf16, #tpu.memory_space<vmem>>, %arg11: memref<1x1024xf32, #tpu.memory_space<vmem>>, %arg12: memref<1024x1024xbf16, #tpu.memory_space<vmem>>, %arg13: memref<1x1024xf32, #tpu.memory_space<vmem>>, %arg14: memref<1000x1024xf32, #tpu.memory_space<vmem>>, %arg15: memref<1x1024xf32, #tpu.memory_space<vmem>>, %arg16: memref<1x1024xf32, #tpu.memory_space<vmem>>) attributes {dimension_semantics = [#tpu.dimension_semantics<arbitrary>], iteration_bounds = array<i64: 10>, scalar_prefetch = 0 : i64, scratch_operands = 0 : i64, tpu.core_type = #tpu.core_type<tc>, window_params = [{transform_indices = @transform_0, window_bounds = array<i64: 1000, 128>}, {transform_indices = @transform_1, window_bounds = array<i64: 1000, 128>}, {transform_indices = @transform_2, window_bounds = array<i64: 1000, 1>}, {pipeline_mode = #tpu.pipeline_mode<synchronous>, transform_indices = @transform_3, window_bounds = array<i64: 1, 256>}, {pipeline_mode = #tpu.pipeline_mode<synchronous>, transform_indices = @transform_4, window_bounds = array<i64: 1, 256>}, {pipeline_mode = #tpu.pipeline_mode<synchronous>, transform_indices = @transform_5, window_bounds = array<i64: 1, 256>}, {pipeline_mode = #tpu.pipeline_mode<synchronous>, transform_indices = @transform_6, window_bounds = array<i64: 1, 256>}, {pipeline_mode = #tpu.pipeline_mode<synchronous>, transform_indices = @transform_7, window_bounds = array<i64: 256, 1024>}, {pipeline_mode = #tpu.pipeline_mode<synchronous>, transform_indices = @transform_8, window_bounds = array<i64: 1, 1024>}, {pipeline_mode = #tpu.pipeline_mode<synchronous>, transform_indices = @transform_9, window_bounds = array<i64: 1024, 1024>}, {pipeline_mode = #tpu.pipeline_mode<synchronous>, transform_indices = @transform_10, window_bounds = array<i64: 1, 1024>}, {pipeline_mode = #tpu.pipeline_mode<synchronous>, transform_indices = @transform_11, window_bounds = array<i64: 1024, 1024>}, {pipeline_mode = #tpu.pipeline_mode<synchronous>, transform_indices = @transform_12, window_bounds = array<i64: 1, 1024>}, {transform_indices = @transform_13, window_bounds = array<i64: 1000, 1024>}, {pipeline_mode = #tpu.pipeline_mode<synchronous>, transform_indices = @transform_14, window_bounds = array<i64: 1, 1024>}, {pipeline_mode = #tpu.pipeline_mode<synchronous>, transform_indices = @transform_15, window_bounds = array<i64: 1, 1024>}]} {
    %get3A = arith.constant 0 : index
    %get3A_0 = arith.constant 0 : index
    %get3A_1 = vector.load %arg3[%get3A, %get3A_0] : memref<1000x1xf32, #tpu.memory_space<vmem>>, vector<1000x1xf32>
    %max3A = arith.constant 1.000000e+00 : f32
    %max3A_2 = vector.broadcast %max3A : f32 to vector<1000x1xf32>
    %max3A_3 = arith.maximumf %get3A_1, %max3A_2 : vector<1000x1xf32>
    %div3A = arith.constant 1.000000e+00 : f32
    %div3A_4 = vector.broadcast %div3A : f32 to vector<1000x1xf32>
    %div3A_5 = arith.divf %div3A_4, %max3A_3 : vector<1000x1xf32>
    %gt3A = arith.constant 0.000000e+00 : f32
    %gt3A_6 = vector.broadcast %gt3A : f32 to vector<1000x1xf32>
    %gt3A_7 = arith.cmpf ogt, %get3A_1, %gt3A_6 : vector<1000x1xf32>
    %convert_element_type3A = arith.extui %gt3A_7 : vector<1000x1xi1> to vector<1000x1xi32>
    %convert_element_type3A_8 = arith.sitofp %convert_element_type3A : vector<1000x1xi32> to vector<1000x1xf32>
    %get3A_9 = arith.constant 0 : index
    %get3A_10 = arith.constant 0 : index
    %get3A_11 = vector.load %arg4[%get3A_9, %get3A_10] : memref<1x256xf32, #tpu.memory_space<vmem>>, vector<1x256xf32>
    %div3A_12 = arith.constant 1.000000e+04 : f32
    %div3A_13 = vector.broadcast %div3A_12 : f32 to vector<1x256xf32>
    %div3A_14 = arith.divf %get3A_11, %div3A_13 : vector<1x256xf32>
    %get3A_15 = arith.constant 0 : index
    %get3A_16 = arith.constant 0 : index
    %get3A_17 = vector.load %arg5[%get3A_15, %get3A_16] : memref<1x256xf32, #tpu.memory_space<vmem>>, vector<1x256xf32>
    %div3A_18 = arith.constant 1.000000e+04 : f32
    %div3A_19 = vector.broadcast %div3A_18 : f32 to vector<1x256xf32>
    %div3A_20 = arith.divf %get3A_17, %div3A_19 : vector<1x256xf32>
    %mul3A = arith.mulf %div3A_14, %div3A_14 : vector<1x256xf32>
    %sub3A = arith.subf %div3A_20, %mul3A : vector<1x256xf32>
    %get3A_21 = arith.constant 0 : index
    %get3A_22 = arith.constant 0 : index
    %get3A_23 = vector.load %arg6[%get3A_21, %get3A_22] : memref<1x256xf32, #tpu.memory_space<vmem>>, vector<1x256xf32>
    %add3A = arith.constant 9.99999974E-6 : f32
    %add3A_24 = vector.broadcast %add3A : f32 to vector<1x256xf32>
    %add3A_25 = arith.addf %sub3A, %add3A_24 : vector<1x256xf32>
    %rsqrt3A = math.rsqrt %add3A_25 : vector<1x256xf32>
    %mul3A_26 = arith.mulf %get3A_23, %rsqrt3A : vector<1x256xf32>
    %get3A_27 = arith.constant 0 : index
    %get3A_28 = arith.constant 0 : index
    %get3A_29 = vector.load %arg7[%get3A_27, %get3A_28] : memref<1x256xf32, #tpu.memory_space<vmem>>, vector<1x256xf32>
    %mul3A_30 = arith.mulf %div3A_14, %mul3A_26 : vector<1x256xf32>
    %sub3A_31 = arith.subf %get3A_29, %mul3A_30 : vector<1x256xf32>
    %get3A_32 = arith.constant 0 : index
    %get3A_33 = arith.constant 0 : index
    %get3A_34 = vector.load %arg1[%get3A_32, %get3A_33] : memref<1000x128xf32, #tpu.memory_space<vmem>>, vector<1000x128xf32>
    %mul3A_35 = vector.broadcast %div3A_5 : vector<1000x1xf32> to vector<1000x128xf32>
    %mul3A_36 = arith.mulf %get3A_34, %mul3A_35 : vector<1000x128xf32>
    %slice3A = vector.extract_strided_slice %mul3A_26 {offsets = [0, 0], sizes = [1, 128], strides = [1, 1]} : vector<1x256xf32> to vector<1x128xf32>
    %mul3A_37 = vector.broadcast %slice3A : vector<1x128xf32> to vector<1000x128xf32>
    %mul3A_38 = arith.mulf %mul3A_36, %mul3A_37 : vector<1000x128xf32>
    %slice3A_39 = vector.extract_strided_slice %sub3A_31 {offsets = [0, 0], sizes = [1, 128], strides = [1, 1]} : vector<1x256xf32> to vector<1x128xf32>
    %mul3A_40 = vector.broadcast %convert_element_type3A_8 : vector<1000x1xf32> to vector<1000x128xf32>
    %mul3A_41 = vector.broadcast %slice3A_39 : vector<1x128xf32> to vector<1000x128xf32>
    %mul3A_42 = arith.mulf %mul3A_40, %mul3A_41 : vector<1000x128xf32>
    %add3A_43 = arith.addf %mul3A_38, %mul3A_42 : vector<1000x128xf32>
    %get3A_44 = arith.constant 0 : index
    %get3A_45 = arith.constant 0 : index
    %get3A_46 = vector.load %arg2[%get3A_44, %get3A_45] : memref<1000x128xf32, #tpu.memory_space<vmem>>, vector<1000x128xf32>
    %mul3A_47 = vector.broadcast %div3A_5 : vector<1000x1xf32> to vector<1000x128xf32>
    %mul3A_48 = arith.mulf %get3A_46, %mul3A_47 : vector<1000x128xf32>
    %slice3A_49 = vector.extract_strided_slice %mul3A_26 {offsets = [0, 128], sizes = [1, 128], strides = [1, 1]} : vector<1x256xf32> to vector<1x128xf32>
    %mul3A_50 = vector.broadcast %slice3A_49 : vector<1x128xf32> to vector<1000x128xf32>
    %mul3A_51 = arith.mulf %mul3A_48, %mul3A_50 : vector<1000x128xf32>
    %slice3A_52 = vector.extract_strided_slice %sub3A_31 {offsets = [0, 128], sizes = [1, 128], strides = [1, 1]} : vector<1x256xf32> to vector<1x128xf32>
    %mul3A_53 = vector.broadcast %convert_element_type3A_8 : vector<1000x1xf32> to vector<1000x128xf32>
    %mul3A_54 = vector.broadcast %slice3A_52 : vector<1x128xf32> to vector<1000x128xf32>
    %mul3A_55 = arith.mulf %mul3A_53, %mul3A_54 : vector<1000x128xf32>
    %add3A_56 = arith.addf %mul3A_51, %mul3A_55 : vector<1000x128xf32>
    %get3A_57 = arith.constant 0 : index
    %get3A_58 = arith.constant 0 : index
    %get3A_59 = vector.load %arg8[%get3A_57, %get3A_58] : memref<256x1024xbf16, #tpu.memory_space<vmem>>, vector<256x1024xbf16>
    %get3A_60 = arith.constant 0 : index
    %get3A_61 = arith.constant 0 : index
    %get3A_62 = vector.load %arg9[%get3A_60, %get3A_61] : memref<1x1024xf32, #tpu.memory_space<vmem>>, vector<1x1024xf32>
    %convert_element_type3A_63 = arith.truncf %add3A_43 : vector<1000x128xf32> to vector<1000x128xbf16>
    %slice3A_64 = vector.extract_strided_slice %get3A_59 {offsets = [0, 0], sizes = [128, 1024], strides = [1, 1]} : vector<256x1024xbf16> to vector<128x1024xbf16>
    %dot_general3A = arith.constant dense<0.000000e+00> : vector<1000x1024xf32>
    %dot_general3A_65 = tpu.matmul %convert_element_type3A_63, %slice3A_64, %dot_general3A {dimension_numbers = #tpu.dot_dimension_numbers<[1], [0], [0], [1], [0, 0, 1, 1], [], []>, transpose_lhs_hint = false} : vector<1000x128xbf16>, vector<128x1024xbf16>, vector<1000x1024xf32> -> vector<1000x1024xf32>
    %add3A_66 = vector.broadcast %get3A_62 : vector<1x1024xf32> to vector<1000x1024xf32>
    %add3A_67 = arith.addf %add3A_66, %dot_general3A_65 : vector<1000x1024xf32>
    %convert_element_type3A_68 = arith.truncf %add3A_56 : vector<1000x128xf32> to vector<1000x128xbf16>
    %slice3A_69 = vector.extract_strided_slice %get3A_59 {offsets = [128, 0], sizes = [128, 1024], strides = [1, 1]} : vector<256x1024xbf16> to vector<128x1024xbf16>
    %dot_general3A_70 = arith.constant dense<0.000000e+00> : vector<1000x1024xf32>
    %dot_general3A_71 = tpu.matmul %convert_element_type3A_68, %slice3A_69, %dot_general3A_70 {dimension_numbers = #tpu.dot_dimension_numbers<[1], [0], [0], [1], [0, 0, 1, 1], [], []>, transpose_lhs_hint = false} : vector<1000x128xbf16>, vector<128x1024xbf16>, vector<1000x1024xf32> -> vector<1000x1024xf32>
    %add3A_72 = arith.addf %add3A_67, %dot_general3A_71 : vector<1000x1024xf32>
    %max3A_73 = arith.constant 0.000000e+00 : f32
    %max3A_74 = vector.broadcast %max3A_73 : f32 to vector<1000x1024xf32>
    %max3A_75 = arith.maximumf %add3A_72, %max3A_74 : vector<1000x1024xf32>
    %convert_element_type3A_76 = arith.truncf %max3A_75 : vector<1000x1024xf32> to vector<1000x1024xbf16>
    %get3A_77 = arith.constant 0 : index
    %get3A_78 = arith.constant 0 : index
    %get3A_79 = vector.load %arg10[%get3A_77, %get3A_78] : memref<1024x1024xbf16, #tpu.memory_space<vmem>>, vector<1024x1024xbf16>
    %dot_general3A_80 = arith.constant dense<0.000000e+00> : vector<1000x1024xf32>
    %dot_general3A_81 = tpu.matmul %convert_element_type3A_76, %get3A_79, %dot_general3A_80 {dimension_numbers = #tpu.dot_dimension_numbers<[1], [0], [0], [1], [0, 0, 1, 1], [], []>, transpose_lhs_hint = false} : vector<1000x1024xbf16>, vector<1024x1024xbf16>, vector<1000x1024xf32> -> vector<1000x1024xf32>
    %get3A_82 = arith.constant 0 : index
    %get3A_83 = arith.constant 0 : index
    %get3A_84 = vector.load %arg11[%get3A_82, %get3A_83] : memref<1x1024xf32, #tpu.memory_space<vmem>>, vector<1x1024xf32>
    %add3A_85 = vector.broadcast %get3A_84 : vector<1x1024xf32> to vector<1000x1024xf32>
    %add3A_86 = arith.addf %dot_general3A_81, %add3A_85 : vector<1000x1024xf32>
    %max3A_87 = arith.constant 0.000000e+00 : f32
    %max3A_88 = vector.broadcast %max3A_87 : f32 to vector<1000x1024xf32>
    %max3A_89 = arith.maximumf %add3A_86, %max3A_88 : vector<1000x1024xf32>
    %convert_element_type3A_90 = arith.truncf %max3A_89 : vector<1000x1024xf32> to vector<1000x1024xbf16>
    %get3A_91 = arith.constant 0 : index
    %get3A_92 = arith.constant 0 : index
    %get3A_93 = vector.load %arg12[%get3A_91, %get3A_92] : memref<1024x1024xbf16, #tpu.memory_space<vmem>>, vector<1024x1024xbf16>
    %dot_general3A_94 = arith.constant dense<0.000000e+00> : vector<1000x1024xf32>
    %dot_general3A_95 = tpu.matmul %convert_element_type3A_90, %get3A_93, %dot_general3A_94 {dimension_numbers = #tpu.dot_dimension_numbers<[1], [0], [0], [1], [0, 0, 1, 1], [], []>, transpose_lhs_hint = false} : vector<1000x1024xbf16>, vector<1024x1024xbf16>, vector<1000x1024xf32> -> vector<1000x1024xf32>
    %get3A_96 = arith.constant 0 : index
    %get3A_97 = arith.constant 0 : index
    %get3A_98 = vector.load %arg13[%get3A_96, %get3A_97] : memref<1x1024xf32, #tpu.memory_space<vmem>>, vector<1x1024xf32>
    %add3A_99 = vector.broadcast %get3A_98 : vector<1x1024xf32> to vector<1000x1024xf32>
    %add3A_100 = arith.addf %dot_general3A_95, %add3A_99 : vector<1000x1024xf32>
    %max3A_101 = arith.constant 0.000000e+00 : f32
    %max3A_102 = vector.broadcast %max3A_101 : f32 to vector<1000x1024xf32>
    %max3A_103 = arith.maximumf %add3A_100, %max3A_102 : vector<1000x1024xf32>
    %swap3A = arith.constant 0 : index
    %swap3A_104 = arith.constant 0 : index
    %swap3A_105 = vector.load %arg14[%swap3A, %swap3A_104] : memref<1000x1024xf32, #tpu.memory_space<vmem>>, vector<1000x1024xf32>
    tpu.vector_store %arg14[%swap3A, %swap3A_104], %max3A_103 {strides = array<i32>} : memref<1000x1024xf32, #tpu.memory_space<vmem>>, vector<1000x1024xf32>,
    %reduce_sum3A = arith.constant dense<0.000000e+00> : vector<1024xf32>
    %reduce_sum3A_106 = vector.multi_reduction <add>, %max3A_103, %reduce_sum3A [0] : vector<1000x1024xf32> to vector<1024xf32>
    %broadcast_in_dim3A = vector.shape_cast %reduce_sum3A_106 : vector<1024xf32> to vector<1x1024xf32>
    %mul3A_107 = arith.mulf %max3A_103, %max3A_103 : vector<1000x1024xf32>
    %reduce_sum3A_108 = arith.constant dense<0.000000e+00> : vector<1024xf32>
    %reduce_sum3A_109 = vector.multi_reduction <add>, %mul3A_107, %reduce_sum3A_108 [0] : vector<1000x1024xf32> to vector<1024xf32>
    %broadcast_in_dim3A_110 = vector.shape_cast %reduce_sum3A_109 : vector<1024xf32> to vector<1x1024xf32>
    %eq3A = arith.constant 0 : i32
    %eq3A_111 = arith.cmpi eq, %arg0, %eq3A : i32
    %convert_element_type3A_112 = arith.extui %eq3A_111 : i1 to i32
    %cond3A = arith.constant 0 : i32
    %cond3A_113 = arith.cmpi ne, %convert_element_type3A_112, %cond3A : i32
    scf.if %cond3A_113 {
      %swap3A_119 = arith.constant 0 : index
      %swap3A_120 = arith.constant 0 : index
      %swap3A_121 = vector.load %arg15[%swap3A_119, %swap3A_120] : memref<1x1024xf32, #tpu.memory_space<vmem>>, vector<1x1024xf32>
      tpu.vector_store %arg15[%swap3A_119, %swap3A_120], %broadcast_in_dim3A {strides = array<i32>} : memref<1x1024xf32, #tpu.memory_space<vmem>>, vector<1x1024xf32>,
      %swap3A_122 = arith.constant 0 : index
      %swap3A_123 = arith.constant 0 : index
      %swap3A_124 = vector.load %arg16[%swap3A_122, %swap3A_123] : memref<1x1024xf32, #tpu.memory_space<vmem>>, vector<1x1024xf32>
      tpu.vector_store %arg16[%swap3A_122, %swap3A_123], %broadcast_in_dim3A_110 {strides = array<i32>} : memref<1x1024xf32, #tpu.memory_space<vmem>>, vector<1x1024xf32>,
    } else {
    }
    %gt3A_114 = arith.constant 0 : i32
    %gt3A_115 = arith.cmpi sgt, %arg0, %gt3A_114 : i32
    %convert_element_type3A_116 = arith.extui %gt3A_115 : i1 to i32
    %cond3A_117 = arith.constant 0 : i32
    %cond3A_118 = arith.cmpi ne, %convert_element_type3A_116, %cond3A_117 : i32
    scf.if %cond3A_118 {
      %get3A_119 = arith.constant 0 : index
      %get3A_120 = arith.constant 0 : index
      %get3A_121 = vector.load %arg15[%get3A_119, %get3A_120] : memref<1x1024xf32, #tpu.memory_space<vmem>>, vector<1x1024xf32>
      %add3A_122 = arith.addf %get3A_121, %broadcast_in_dim3A : vector<1x1024xf32>
      %swap3A_123 = arith.constant 0 : index
      %swap3A_124 = arith.constant 0 : index
      %swap3A_125 = vector.load %arg15[%swap3A_123, %swap3A_124] : memref<1x1024xf32, #tpu.memory_space<vmem>>, vector<1x1024xf32>
      tpu.vector_store %arg15[%swap3A_123, %swap3A_124], %add3A_122 {strides = array<i32>} : memref<1x1024xf32, #tpu.memory_space<vmem>>, vector<1x1024xf32>,
      %get3A_126 = arith.constant 0 : index
      %get3A_127 = arith.constant 0 : index
      %get3A_128 = vector.load %arg16[%get3A_126, %get3A_127] : memref<1x1024xf32, #tpu.memory_space<vmem>>, vector<1x1024xf32>
      %add3A_129 = arith.addf %get3A_128, %broadcast_in_dim3A_110 : vector<1x1024xf32>
      %swap3A_130 = arith.constant 0 : index
      %swap3A_131 = arith.constant 0 : index
      %swap3A_132 = vector.load %arg16[%swap3A_130, %swap3A_131] : memref<1x1024xf32, #tpu.memory_space<vmem>>, vector<1x1024xf32>
      tpu.vector_store %arg16[%swap3A_130, %swap3A_131], %add3A_129 {strides = array<i32>} : memref<1x1024xf32, #tpu.memory_space<vmem>>, vector<1x1024xf32>,
    } else {
    }
    return
  }
  func.func @transform_0(%arg0: i32) -> (i32, i32) {
    %c0_i32 = arith.constant 0 : i32
    %c0_i32_0 = arith.constant 0 : i32
    return %arg0, %c0_i32 : i32, i32
  }
  func.func @transform_1(%arg0: i32) -> (i32, i32) {
    %c0_i32 = arith.constant 0 : i32
    %c0_i32_0 = arith.constant 0 : i32
    return %arg0, %c0_i32 : i32, i32
  }
  func.func @transform_2(%arg0: i32) -> (i32, i32) {
    %c0_i32 = arith.constant 0 : i32
    %c0_i32_0 = arith.constant 0 : i32
    return %arg0, %c0_i32 : i32, i32
  }
  func.func @transform_3(%arg0: i32) -> (i32, i32) {
    %c0_i32 = arith.constant 0 : i32
    %c0_i32_0 = arith.constant 0 : i32
    %c0_i32_1 = arith.constant 0 : i32
    return %c0_i32, %c0_i32_0 : i32, i32
  }
  func.func @transform_4(%arg0: i32) -> (i32, i32) {
    %c0_i32 = arith.constant 0 : i32
    %c0_i32_0 = arith.constant 0 : i32
    %c0_i32_1 = arith.constant 0 : i32
    return %c0_i32, %c0_i32_0 : i32, i32
  }
  func.func @transform_5(%arg0: i32) -> (i32, i32) {
    %c0_i32 = arith.constant 0 : i32
    %c0_i32_0 = arith.constant 0 : i32
    %c0_i32_1 = arith.constant 0 : i32
    return %c0_i32, %c0_i32_0 : i32, i32
  }
  func.func @transform_6(%arg0: i32) -> (i32, i32) {
    %c0_i32 = arith.constant 0 : i32
    %c0_i32_0 = arith.constant 0 : i32
    %c0_i32_1 = arith.constant 0 : i32
    return %c0_i32, %c0_i32_0 : i32, i32
  }
  func.func @transform_7(%arg0: i32) -> (i32, i32) {
    %c0_i32 = arith.constant 0 : i32
    %c0_i32_0 = arith.constant 0 : i32
    %c0_i32_1 = arith.constant 0 : i32
    return %c0_i32, %c0_i32_0 : i32, i32
  }
  func.func @transform_8(%arg0: i32) -> (i32, i32) {
    %c0_i32 = arith.constant 0 : i32
    %c0_i32_0 = arith.constant 0 : i32
    %c0_i32_1 = arith.constant 0 : i32
    return %c0_i32, %c0_i32_0 : i32, i32
  }
  func.func @transform_9(%arg0: i32) -> (i32, i32) {
    %c0_i32 = arith.constant 0 : i32
    %c0_i32_0 = arith.constant 0 : i32
    %c0_i32_1 = arith.constant 0 : i32
    return %c0_i32, %c0_i32_0 : i32, i32
  }
  func.func @transform_10(%arg0: i32) -> (i32, i32) {
    %c0_i32 = arith.constant 0 : i32
    %c0_i32_0 = arith.constant 0 : i32
    %c0_i32_1 = arith.constant 0 : i32
    return %c0_i32, %c0_i32_0 : i32, i32
  }
  func.func @transform_11(%arg0: i32) -> (i32, i32) {
    %c0_i32 = arith.constant 0 : i32
    %c0_i32_0 = arith.constant 0 : i32
    %c0_i32_1 = arith.constant 0 : i32
    return %c0_i32, %c0_i32_0 : i32, i32
  }
  func.func @transform_12(%arg0: i32) -> (i32, i32) {
    %c0_i32 = arith.constant 0 : i32
    %c0_i32_0 = arith.constant 0 : i32
    %c0_i32_1 = arith.constant 0 : i32
    return %c0_i32, %c0_i32_0 : i32, i32
  }
  func.func @transform_13(%arg0: i32) -> (i32, i32) {
    %c0_i32 = arith.constant 0 : i32
    %c0_i32_0 = arith.constant 0 : i32
    return %arg0, %c0_i32 : i32, i32
  }
  func.func @transform_14(%arg0: i32) -> (i32, i32) {
    %c0_i32 = arith.constant 0 : i32
    %c0_i32_0 = arith.constant 0 : i32
    %c0_i32_1 = arith.constant 0 : i32
    return %c0_i32, %c0_i32_0 : i32, i32
  }
  func.func @transform_15(%arg0: i32) -> (i32, i32) {
    %c0_i32 = arith.constant 0 : i32
    %c0_i32_0 = arith.constant 0 : i32
    %c0_i32_1 = arith.constant 0 : i32
    return %c0_i32, %c0_i32_0 : i32, i32
  }
}

module attributes {stable_mosaic.version = 14 : i64} {
  func.func @_combine_body(%arg0: i32, %arg1: memref<400x1024xf32, #tpu.memory_space<vmem>>, %arg2: memref<400x1024xf32, #tpu.memory_space<vmem>>, %arg3: memref<400x1024xf32, #tpu.memory_space<vmem>>, %arg4: memref<1x1024xf32, #tpu.memory_space<vmem>>, %arg5: memref<1x1024xf32, #tpu.memory_space<vmem>>, %arg6: memref<1x1024xf32, #tpu.memory_space<vmem>>, %arg7: memref<1x1024xf32, #tpu.memory_space<vmem>>, %arg8: memref<1x1024xf32, #tpu.memory_space<vmem>>, %arg9: memref<1x1024xf32, #tpu.memory_space<vmem>>, %arg10: memref<1x1024xf32, #tpu.memory_space<vmem>>, %arg11: memref<1x1024xf32, #tpu.memory_space<vmem>>, %arg12: memref<1x1024xf32, #tpu.memory_space<vmem>>, %arg13: memref<1x1024xf32, #tpu.memory_space<vmem>>, %arg14: memref<1x1024xf32, #tpu.memory_space<vmem>>, %arg15: memref<1x1024xf32, #tpu.memory_space<vmem>>, %arg16: memref<400x256xf32, #tpu.memory_space<vmem>>, %arg17: memref<256x128xf32, #tpu.memory_space<vmem>>, %arg18: memref<1x128xf32, #tpu.memory_space<vmem>>, %arg19: memref<1024x40xf32, #tpu.memory_space<vmem>>, %arg20: memref<1x40xf32, #tpu.memory_space<vmem>>, %arg21: memref<400x40xf32, #tpu.memory_space<vmem>>, %arg22: memref<400x1xi32, #tpu.memory_space<vmem>>, %arg23: memref<400x1xf32, #tpu.memory_space<vmem>>, %arg24: memref<400x40xf32, #tpu.memory_space<vmem>>, %arg25: memref<1x1xf32, #tpu.memory_space<vmem>>, %arg26: memref<1x1xf32, #tpu.memory_space<vmem>>, %arg27: memref<1x1xf32, #tpu.memory_space<vmem>>, %arg28: memref<1x1xf32, #tpu.memory_space<vmem>>, %arg29: memref<1x1xf32, #tpu.memory_space<vmem>>, %arg30: memref<1x1xf32, #tpu.memory_space<vmem>>) attributes {dimension_semantics = [#tpu.dimension_semantics<arbitrary>], iteration_bounds = array<i64: 25>, scalar_prefetch = 0 : i64, scratch_operands = 0 : i64, tpu.core_type = #tpu.core_type<tc>, window_params = [{transform_indices = @transform_0, window_bounds = array<i64: 400, 1024>}, {transform_indices = @transform_1, window_bounds = array<i64: 400, 1024>}, {transform_indices = @transform_2, window_bounds = array<i64: 400, 1024>}, {pipeline_mode = #tpu.pipeline_mode<synchronous>, transform_indices = @transform_3, window_bounds = array<i64: 1, 1024>}, {pipeline_mode = #tpu.pipeline_mode<synchronous>, transform_indices = @transform_4, window_bounds = array<i64: 1, 1024>}, {pipeline_mode = #tpu.pipeline_mode<synchronous>, transform_indices = @transform_5, window_bounds = array<i64: 1, 1024>}, {pipeline_mode = #tpu.pipeline_mode<synchronous>, transform_indices = @transform_6, window_bounds = array<i64: 1, 1024>}, {pipeline_mode = #tpu.pipeline_mode<synchronous>, transform_indices = @transform_7, window_bounds = array<i64: 1, 1024>}, {pipeline_mode = #tpu.pipeline_mode<synchronous>, transform_indices = @transform_8, window_bounds = array<i64: 1, 1024>}, {pipeline_mode = #tpu.pipeline_mode<synchronous>, transform_indices = @transform_9, window_bounds = array<i64: 1, 1024>}, {pipeline_mode = #tpu.pipeline_mode<synchronous>, transform_indices = @transform_10, window_bounds = array<i64: 1, 1024>}, {pipeline_mode = #tpu.pipeline_mode<synchronous>, transform_indices = @transform_11, window_bounds = array<i64: 1, 1024>}, {pipeline_mode = #tpu.pipeline_mode<synchronous>, transform_indices = @transform_12, window_bounds = array<i64: 1, 1024>}, {pipeline_mode = #tpu.pipeline_mode<synchronous>, transform_indices = @transform_13, window_bounds = array<i64: 1, 1024>}, {pipeline_mode = #tpu.pipeline_mode<synchronous>, transform_indices = @transform_14, window_bounds = array<i64: 1, 1024>}, {transform_indices = @transform_15, window_bounds = array<i64: 400, 256>}, {pipeline_mode = #tpu.pipeline_mode<synchronous>, transform_indices = @transform_16, window_bounds = array<i64: 256, 128>}, {pipeline_mode = #tpu.pipeline_mode<synchronous>, transform_indices = @transform_17, window_bounds = array<i64: 1, 128>}, {pipeline_mode = #tpu.pipeline_mode<synchronous>, transform_indices = @transform_18, window_bounds = array<i64: 1024, 40>}, {pipeline_mode = #tpu.pipeline_mode<synchronous>, transform_indices = @transform_19, window_bounds = array<i64: 1, 40>}, {transform_indices = @transform_20, window_bounds = array<i64: 400, 40>}, {transform_indices = @transform_21, window_bounds = array<i64: 400, 1>}, {transform_indices = @transform_22, window_bounds = array<i64: 400, 1>}, {transform_indices = @transform_23, window_bounds = array<i64: 400, 40>}, {pipeline_mode = #tpu.pipeline_mode<synchronous>, transform_indices = @transform_24, window_bounds = array<i64: 1, 1>}, {pipeline_mode = #tpu.pipeline_mode<synchronous>, transform_indices = @transform_25, window_bounds = array<i64: 1, 1>}, {pipeline_mode = #tpu.pipeline_mode<synchronous>, transform_indices = @transform_26, window_bounds = array<i64: 1, 1>}, {pipeline_mode = #tpu.pipeline_mode<synchronous>, transform_indices = @transform_27, window_bounds = array<i64: 1, 1>}, {pipeline_mode = #tpu.pipeline_mode<synchronous>, transform_indices = @transform_28, window_bounds = array<i64: 1, 1>}, {pipeline_mode = #tpu.pipeline_mode<synchronous>, transform_indices = @transform_29, window_bounds = array<i64: 1, 1>}]} {
    %get3A = arith.constant 0 : index
    %get3A_0 = arith.constant 0 : index
    %get3A_1 = vector.load %arg4[%get3A, %get3A_0] : memref<1x1024xf32, #tpu.memory_space<vmem>>, vector<1x1024xf32>
    %div3A = arith.constant 1.000000e+04 : f32
    %div3A_2 = vector.broadcast %div3A : f32 to vector<1x1024xf32>
    %div3A_3 = arith.divf %get3A_1, %div3A_2 : vector<1x1024xf32>
    %get3A_4 = arith.constant 0 : index
    %get3A_5 = arith.constant 0 : index
    %get3A_6 = vector.load %arg5[%get3A_4, %get3A_5] : memref<1x1024xf32, #tpu.memory_space<vmem>>, vector<1x1024xf32>
    %div3A_7 = arith.constant 1.000000e+04 : f32
    %div3A_8 = vector.broadcast %div3A_7 : f32 to vector<1x1024xf32>
    %div3A_9 = arith.divf %get3A_6, %div3A_8 : vector<1x1024xf32>
    %mul3A = arith.mulf %div3A_3, %div3A_3 : vector<1x1024xf32>
    %sub3A = arith.subf %div3A_9, %mul3A : vector<1x1024xf32>
    %get3A_10 = arith.constant 0 : index
    %get3A_11 = arith.constant 0 : index
    %get3A_12 = vector.load %arg10[%get3A_10, %get3A_11] : memref<1x1024xf32, #tpu.memory_space<vmem>>, vector<1x1024xf32>
    %add3A = arith.constant 9.99999974E-6 : f32
    %add3A_13 = vector.broadcast %add3A : f32 to vector<1x1024xf32>
    %add3A_14 = arith.addf %sub3A, %add3A_13 : vector<1x1024xf32>
    %rsqrt3A = math.rsqrt %add3A_14 : vector<1x1024xf32>
    %mul3A_15 = arith.mulf %get3A_12, %rsqrt3A : vector<1x1024xf32>
    %get3A_16 = arith.constant 0 : index
    %get3A_17 = arith.constant 0 : index
    %get3A_18 = vector.load %arg1[%get3A_16, %get3A_17] : memref<400x1024xf32, #tpu.memory_space<vmem>>, vector<400x1024xf32>
    %mul3A_19 = vector.broadcast %mul3A_15 : vector<1x1024xf32> to vector<400x1024xf32>
    %mul3A_20 = arith.mulf %get3A_18, %mul3A_19 : vector<400x1024xf32>
    %get3A_21 = arith.constant 0 : index
    %get3A_22 = arith.constant 0 : index
    %get3A_23 = vector.load %arg11[%get3A_21, %get3A_22] : memref<1x1024xf32, #tpu.memory_space<vmem>>, vector<1x1024xf32>
    %mul3A_24 = arith.mulf %div3A_3, %mul3A_15 : vector<1x1024xf32>
    %sub3A_25 = arith.subf %get3A_23, %mul3A_24 : vector<1x1024xf32>
    %add3A_26 = vector.broadcast %sub3A_25 : vector<1x1024xf32> to vector<400x1024xf32>
    %add3A_27 = arith.addf %mul3A_20, %add3A_26 : vector<400x1024xf32>
    %get3A_28 = arith.constant 0 : index
    %get3A_29 = arith.constant 0 : index
    %get3A_30 = vector.load %arg6[%get3A_28, %get3A_29] : memref<1x1024xf32, #tpu.memory_space<vmem>>, vector<1x1024xf32>
    %div3A_31 = arith.constant 1.000000e+04 : f32
    %div3A_32 = vector.broadcast %div3A_31 : f32 to vector<1x1024xf32>
    %div3A_33 = arith.divf %get3A_30, %div3A_32 : vector<1x1024xf32>
    %get3A_34 = arith.constant 0 : index
    %get3A_35 = arith.constant 0 : index
    %get3A_36 = vector.load %arg7[%get3A_34, %get3A_35] : memref<1x1024xf32, #tpu.memory_space<vmem>>, vector<1x1024xf32>
    %div3A_37 = arith.constant 1.000000e+04 : f32
    %div3A_38 = vector.broadcast %div3A_37 : f32 to vector<1x1024xf32>
    %div3A_39 = arith.divf %get3A_36, %div3A_38 : vector<1x1024xf32>
    %mul3A_40 = arith.mulf %div3A_33, %div3A_33 : vector<1x1024xf32>
    %sub3A_41 = arith.subf %div3A_39, %mul3A_40 : vector<1x1024xf32>
    %get3A_42 = arith.constant 0 : index
    %get3A_43 = arith.constant 0 : index
    %get3A_44 = vector.load %arg12[%get3A_42, %get3A_43] : memref<1x1024xf32, #tpu.memory_space<vmem>>, vector<1x1024xf32>
    %add3A_45 = arith.constant 9.99999974E-6 : f32
    %add3A_46 = vector.broadcast %add3A_45 : f32 to vector<1x1024xf32>
    %add3A_47 = arith.addf %sub3A_41, %add3A_46 : vector<1x1024xf32>
    %rsqrt3A_48 = math.rsqrt %add3A_47 : vector<1x1024xf32>
    %mul3A_49 = arith.mulf %get3A_44, %rsqrt3A_48 : vector<1x1024xf32>
    %get3A_50 = arith.constant 0 : index
    %get3A_51 = arith.constant 0 : index
    %get3A_52 = vector.load %arg2[%get3A_50, %get3A_51] : memref<400x1024xf32, #tpu.memory_space<vmem>>, vector<400x1024xf32>
    %mul3A_53 = vector.broadcast %mul3A_49 : vector<1x1024xf32> to vector<400x1024xf32>
    %mul3A_54 = arith.mulf %get3A_52, %mul3A_53 : vector<400x1024xf32>
    %get3A_55 = arith.constant 0 : index
    %get3A_56 = arith.constant 0 : index
    %get3A_57 = vector.load %arg13[%get3A_55, %get3A_56] : memref<1x1024xf32, #tpu.memory_space<vmem>>, vector<1x1024xf32>
    %mul3A_58 = arith.mulf %div3A_33, %mul3A_49 : vector<1x1024xf32>
    %sub3A_59 = arith.subf %get3A_57, %mul3A_58 : vector<1x1024xf32>
    %add3A_60 = vector.broadcast %sub3A_59 : vector<1x1024xf32> to vector<400x1024xf32>
    %add3A_61 = arith.addf %mul3A_54, %add3A_60 : vector<400x1024xf32>
    %get3A_62 = arith.constant 0 : index
    %get3A_63 = arith.constant 0 : index
    %get3A_64 = vector.load %arg8[%get3A_62, %get3A_63] : memref<1x1024xf32, #tpu.memory_space<vmem>>, vector<1x1024xf32>
    %div3A_65 = arith.constant 1.000000e+04 : f32
    %div3A_66 = vector.broadcast %div3A_65 : f32 to vector<1x1024xf32>
    %div3A_67 = arith.divf %get3A_64, %div3A_66 : vector<1x1024xf32>
    %get3A_68 = arith.constant 0 : index
    %get3A_69 = arith.constant 0 : index
    %get3A_70 = vector.load %arg9[%get3A_68, %get3A_69] : memref<1x1024xf32, #tpu.memory_space<vmem>>, vector<1x1024xf32>
    %div3A_71 = arith.constant 1.000000e+04 : f32
    %div3A_72 = vector.broadcast %div3A_71 : f32 to vector<1x1024xf32>
    %div3A_73 = arith.divf %get3A_70, %div3A_72 : vector<1x1024xf32>
    %mul3A_74 = arith.mulf %div3A_67, %div3A_67 : vector<1x1024xf32>
    %sub3A_75 = arith.subf %div3A_73, %mul3A_74 : vector<1x1024xf32>
    %get3A_76 = arith.constant 0 : index
    %get3A_77 = arith.constant 0 : index
    %get3A_78 = vector.load %arg14[%get3A_76, %get3A_77] : memref<1x1024xf32, #tpu.memory_space<vmem>>, vector<1x1024xf32>
    %add3A_79 = arith.constant 9.99999974E-6 : f32
    %add3A_80 = vector.broadcast %add3A_79 : f32 to vector<1x1024xf32>
    %add3A_81 = arith.addf %sub3A_75, %add3A_80 : vector<1x1024xf32>
    %rsqrt3A_82 = math.rsqrt %add3A_81 : vector<1x1024xf32>
    %mul3A_83 = arith.mulf %get3A_78, %rsqrt3A_82 : vector<1x1024xf32>
    %get3A_84 = arith.constant 0 : index
    %get3A_85 = arith.constant 0 : index
    %get3A_86 = vector.load %arg3[%get3A_84, %get3A_85] : memref<400x1024xf32, #tpu.memory_space<vmem>>, vector<400x1024xf32>
    %mul3A_87 = vector.broadcast %mul3A_83 : vector<1x1024xf32> to vector<400x1024xf32>
    %mul3A_88 = arith.mulf %get3A_86, %mul3A_87 : vector<400x1024xf32>
    %get3A_89 = arith.constant 0 : index
    %get3A_90 = arith.constant 0 : index
    %get3A_91 = vector.load %arg15[%get3A_89, %get3A_90] : memref<1x1024xf32, #tpu.memory_space<vmem>>, vector<1x1024xf32>
    %mul3A_92 = arith.mulf %div3A_67, %mul3A_83 : vector<1x1024xf32>
    %sub3A_93 = arith.subf %get3A_91, %mul3A_92 : vector<1x1024xf32>
    %add3A_94 = vector.broadcast %sub3A_93 : vector<1x1024xf32> to vector<400x1024xf32>
    %add3A_95 = arith.addf %mul3A_88, %add3A_94 : vector<400x1024xf32>
    %get3A_96 = arith.constant 0 : index
    %get3A_97 = arith.constant 0 : index
    %get3A_98 = vector.load %arg16[%get3A_96, %get3A_97] : memref<400x256xf32, #tpu.memory_space<vmem>>, vector<400x256xf32>
    %get3A_99 = arith.constant 0 : index
    %get3A_100 = arith.constant 0 : index
    %get3A_101 = vector.load %arg17[%get3A_99, %get3A_100] : memref<256x128xf32, #tpu.memory_space<vmem>>, vector<256x128xf32>
    %dot_general3A = arith.constant dense<0.000000e+00> : vector<400x128xf32>
    %dot_general3A_102 = tpu.matmul %get3A_98, %get3A_101, %dot_general3A {dimension_numbers = #tpu.dot_dimension_numbers<[1], [0], [0], [1], [0, 0, 1, 1], [], []>, transpose_lhs_hint = false} : vector<400x256xf32>, vector<256x128xf32>, vector<400x128xf32> -> vector<400x128xf32>
    %get3A_103 = arith.constant 0 : index
    %get3A_104 = arith.constant 0 : index
    %get3A_105 = vector.load %arg18[%get3A_103, %get3A_104] : memref<1x128xf32, #tpu.memory_space<vmem>>, vector<1x128xf32>
    %add3A_106 = vector.broadcast %get3A_105 : vector<1x128xf32> to vector<400x128xf32>
    %add3A_107 = arith.addf %dot_general3A_102, %add3A_106 : vector<400x128xf32>
    %reduce_max3A = arith.constant dense<0xFF800000> : vector<400xf32>
    %reduce_max3A_108 = vector.multi_reduction <maximumf>, %add3A_107, %reduce_max3A [1] : vector<400x128xf32> to vector<400xf32>
    %broadcast_in_dim3A = vector.shape_cast %reduce_max3A_108 : vector<400xf32> to vector<400x1xf32>
    %sub3A_109 = vector.broadcast %broadcast_in_dim3A : vector<400x1xf32> to vector<400x128xf32>
    %sub3A_110 = arith.subf %add3A_107, %sub3A_109 : vector<400x128xf32>
    %exp3A = math.exp %sub3A_110 : vector<400x128xf32>
    %reduce_sum3A = arith.constant dense<0.000000e+00> : vector<400xf32>
    %reduce_sum3A_111 = vector.multi_reduction <add>, %exp3A, %reduce_sum3A [1] : vector<400x128xf32> to vector<400xf32>
    %broadcast_in_dim3A_112 = vector.shape_cast %reduce_sum3A_111 : vector<400xf32> to vector<400x1xf32>
    %div3A_113 = vector.broadcast %broadcast_in_dim3A_112 : vector<400x1xf32> to vector<400x128xf32>
    %div3A_114 = arith.divf %exp3A, %div3A_113 : vector<400x128xf32>
    %slice3A = vector.extract_strided_slice %div3A_114 {offsets = [0, 0], sizes = [400, 1], strides = [1, 1]} : vector<400x128xf32> to vector<400x1xf32>
    %slice3A_115 = vector.extract_strided_slice %div3A_114 {offsets = [0, 1], sizes = [400, 1], strides = [1, 1]} : vector<400x128xf32> to vector<400x1xf32>
    %slice3A_116 = vector.extract_strided_slice %div3A_114 {offsets = [0, 2], sizes = [400, 1], strides = [1, 1]} : vector<400x128xf32> to vector<400x1xf32>
    %min3A = arith.minimumf %slice3A_115, %slice3A_116 : vector<400x1xf32>
    %min3A_117 = arith.minimumf %slice3A, %min3A : vector<400x1xf32>
    %le3A = arith.cmpf ole, %slice3A_116, %min3A_117 : vector<400x1xf32>
    %not3A = arith.constant dense<true> : vector<400x1xi1>
    %not3A_118 = arith.xori %le3A, %not3A : vector<400x1xi1>
    %le3A_119 = arith.cmpf ole, %slice3A_115, %min3A_117 : vector<400x1xf32>
    %and3A = arith.andi %not3A_118, %le3A_119 : vector<400x1xi1>
    %not3A_120 = arith.constant dense<true> : vector<400x1xi1>
    %not3A_121 = arith.xori %le3A, %not3A_120 : vector<400x1xi1>
    %not3A_122 = arith.constant dense<true> : vector<400x1xi1>
    %not3A_123 = arith.xori %and3A, %not3A_122 : vector<400x1xi1>
    %and3A_124 = arith.andi %not3A_121, %not3A_123 : vector<400x1xi1>
    %mul3A_125 = arith.constant -1.000000e+05 : f32
    %mul3A_126 = vector.broadcast %mul3A_125 : f32 to vector<400x1xf32>
    %mul3A_127 = arith.mulf %slice3A, %mul3A_126 : vector<400x1xf32>
    %select_n3A = arith.select %and3A_124, %mul3A_127, %slice3A : vector<400x1xi1>, vector<400x1xf32>
    %mul3A_128 = arith.constant -1.000000e+05 : f32
    %mul3A_129 = vector.broadcast %mul3A_128 : f32 to vector<400x1xf32>
    %mul3A_130 = arith.mulf %slice3A_115, %mul3A_129 : vector<400x1xf32>
    %select_n3A_131 = arith.select %and3A, %mul3A_130, %slice3A_115 : vector<400x1xi1>, vector<400x1xf32>
    %mul3A_132 = arith.constant -1.000000e+05 : f32
    %mul3A_133 = vector.broadcast %mul3A_132 : f32 to vector<400x1xf32>
    %mul3A_134 = arith.mulf %slice3A_116, %mul3A_133 : vector<400x1xf32>
    %select_n3A_135 = arith.select %le3A, %mul3A_134, %slice3A_116 : vector<400x1xi1>, vector<400x1xf32>
    %max3A = arith.maximumf %select_n3A_131, %select_n3A_135 : vector<400x1xf32>
    %max3A_136 = arith.maximumf %select_n3A, %max3A : vector<400x1xf32>
    %sub3A_137 = arith.subf %select_n3A, %max3A_136 : vector<400x1xf32>
    %exp3A_138 = math.exp %sub3A_137 : vector<400x1xf32>
    %sub3A_139 = arith.subf %select_n3A_131, %max3A_136 : vector<400x1xf32>
    %exp3A_140 = math.exp %sub3A_139 : vector<400x1xf32>
    %sub3A_141 = arith.subf %select_n3A_135, %max3A_136 : vector<400x1xf32>
    %exp3A_142 = math.exp %sub3A_141 : vector<400x1xf32>
    %add3A_143 = arith.addf %exp3A_138, %exp3A_140 : vector<400x1xf32>
    %add3A_144 = arith.addf %add3A_143, %exp3A_142 : vector<400x1xf32>
    %div3A_145 = arith.divf %exp3A_138, %add3A_144 : vector<400x1xf32>
    %div3A_146 = arith.divf %exp3A_140, %add3A_144 : vector<400x1xf32>
    %div3A_147 = arith.divf %exp3A_142, %add3A_144 : vector<400x1xf32>
    %mul3A_148 = vector.broadcast %div3A_145 : vector<400x1xf32> to vector<400x1024xf32>
    %mul3A_149 = arith.mulf %mul3A_148, %add3A_27 : vector<400x1024xf32>
    %mul3A_150 = vector.broadcast %div3A_146 : vector<400x1xf32> to vector<400x1024xf32>
    %mul3A_151 = arith.mulf %mul3A_150, %add3A_61 : vector<400x1024xf32>
    %add3A_152 = arith.addf %mul3A_149, %mul3A_151 : vector<400x1024xf32>
    %mul3A_153 = vector.broadcast %div3A_147 : vector<400x1xf32> to vector<400x1024xf32>
    %mul3A_154 = arith.mulf %mul3A_153, %add3A_95 : vector<400x1024xf32>
    %add3A_155 = arith.addf %add3A_152, %mul3A_154 : vector<400x1024xf32>
    %get3A_156 = arith.constant 0 : index
    %get3A_157 = arith.constant 0 : index
    %get3A_158 = vector.load %arg19[%get3A_156, %get3A_157] : memref<1024x40xf32, #tpu.memory_space<vmem>>, vector<1024x40xf32>
    %dot_general3A_159 = arith.constant dense<0.000000e+00> : vector<400x40xf32>
    %dot_general3A_160 = tpu.matmul %add3A_155, %get3A_158, %dot_general3A_159 {dimension_numbers = #tpu.dot_dimension_numbers<[1], [0], [0], [1], [0, 0, 1, 1], [], []>, transpose_lhs_hint = false} : vector<400x1024xf32>, vector<1024x40xf32>, vector<400x40xf32> -> vector<400x40xf32>
    %get3A_161 = arith.constant 0 : index
    %get3A_162 = arith.constant 0 : index
    %get3A_163 = vector.load %arg20[%get3A_161, %get3A_162] : memref<1x40xf32, #tpu.memory_space<vmem>>, vector<1x40xf32>
    %add3A_164 = vector.broadcast %get3A_163 : vector<1x40xf32> to vector<400x40xf32>
    %add3A_165 = arith.addf %dot_general3A_160, %add3A_164 : vector<400x40xf32>
    %reduce_max3A_166 = arith.constant dense<0xFF800000> : vector<400xf32>
    %reduce_max3A_167 = vector.multi_reduction <maximumf>, %add3A_165, %reduce_max3A_166 [1] : vector<400x40xf32> to vector<400xf32>
    %broadcast_in_dim3A_168 = vector.shape_cast %reduce_max3A_167 : vector<400xf32> to vector<400x1xf32>
    %sub3A_169 = vector.broadcast %broadcast_in_dim3A_168 : vector<400x1xf32> to vector<400x40xf32>
    %sub3A_170 = arith.subf %add3A_165, %sub3A_169 : vector<400x40xf32>
    %exp3A_171 = math.exp %sub3A_170 : vector<400x40xf32>
    %reduce_sum3A_172 = arith.constant dense<0.000000e+00> : vector<400xf32>
    %reduce_sum3A_173 = vector.multi_reduction <add>, %exp3A_171, %reduce_sum3A_172 [1] : vector<400x40xf32> to vector<400xf32>
    %broadcast_in_dim3A_174 = vector.shape_cast %reduce_sum3A_173 : vector<400xf32> to vector<400x1xf32>
    %div3A_175 = vector.broadcast %broadcast_in_dim3A_174 : vector<400x1xf32> to vector<400x40xf32>
    %div3A_176 = arith.divf %exp3A_171, %div3A_175 : vector<400x40xf32>
    %swap3A = arith.constant 0 : index
    %swap3A_177 = arith.constant 0 : index
    %swap3A_178 = vector.load %arg24[%swap3A, %swap3A_177] : memref<400x40xf32, #tpu.memory_space<vmem>>, vector<400x40xf32>
    tpu.vector_store %arg24[%swap3A, %swap3A_177], %div3A_176 {strides = array<i32>} : memref<400x40xf32, #tpu.memory_space<vmem>>, vector<400x40xf32>,
    %div3A_179 = arith.constant 1.000000e+00 : f32
    %div3A_180 = vector.broadcast %div3A_179 : f32 to vector<400x40xf32>
    %div3A_181 = arith.divf %div3A_176, %div3A_180 : vector<400x40xf32>
    %log3A = math.log %div3A_181 : vector<400x40xf32>
    %get3A_182 = arith.constant 0 : index
    %get3A_183 = arith.constant 0 : index
    %get3A_184 = vector.load %arg21[%get3A_182, %get3A_183] : memref<400x40xf32, #tpu.memory_space<vmem>>, vector<400x40xf32>
    %div3A_185 = arith.constant 1.000000e+00 : f32
    %div3A_186 = vector.broadcast %div3A_185 : f32 to vector<400x40xf32>
    %div3A_187 = arith.divf %get3A_184, %div3A_186 : vector<400x40xf32>
    %sub3A_188 = arith.subf %log3A, %div3A_187 : vector<400x40xf32>
    %mul3A_189 = arith.mulf %div3A_181, %sub3A_188 : vector<400x40xf32>
    %reduce_sum3A_190 = vector.shape_cast %mul3A_189 : vector<400x40xf32> to vector<1x400x40xf32>
    %reduce_sum3A_191 = arith.constant dense<0.000000e+00> : vector<1xf32>
    %reduce_sum3A_192 = vector.multi_reduction <add>, %reduce_sum3A_190, %reduce_sum3A_191 [1, 2] : vector<1x400x40xf32> to vector<1xf32>
    %reduce_sum3A_193 = vector.shape_cast %reduce_sum3A_192 : vector<1xf32> to vector<1x1x1xf32>
    %reduce_sum3A_194 = vector.extract %reduce_sum3A_193[0, 0, 0] : f32 from vector<1x1x1xf32>
    %reshape3A = vector.broadcast %reduce_sum3A_194 : f32 to vector<1x1xf32>
    %reduce_max3A_195 = arith.constant dense<0xFF800000> : vector<400xf32>
    %reduce_max3A_196 = vector.multi_reduction <maximumf>, %div3A_176, %reduce_max3A_195 [1] : vector<400x40xf32> to vector<400xf32>
    %broadcast_in_dim3A_197 = vector.shape_cast %reduce_max3A_196 : vector<400xf32> to vector<400x1xf32>
    %sub3A_198 = vector.broadcast %broadcast_in_dim3A_197 : vector<400x1xf32> to vector<400x40xf32>
    %sub3A_199 = arith.subf %div3A_176, %sub3A_198 : vector<400x40xf32>
    %sub3A_200 = vector.broadcast %broadcast_in_dim3A_197 : vector<400x1xf32> to vector<400x40xf32>
    %sub3A_201 = arith.subf %div3A_176, %sub3A_200 : vector<400x40xf32>
    %exp3A_202 = math.exp %sub3A_201 : vector<400x40xf32>
    %reduce_sum3A_203 = arith.constant dense<0.000000e+00> : vector<400xf32>
    %reduce_sum3A_204 = vector.multi_reduction <add>, %exp3A_202, %reduce_sum3A_203 [1] : vector<400x40xf32> to vector<400xf32>
    %broadcast_in_dim3A_205 = vector.shape_cast %reduce_sum3A_204 : vector<400xf32> to vector<400x1xf32>
    %log3A_206 = math.log %broadcast_in_dim3A_205 : vector<400x1xf32>
    %sub3A_207 = vector.broadcast %log3A_206 : vector<400x1xf32> to vector<400x40xf32>
    %sub3A_208 = arith.subf %sub3A_199, %sub3A_207 : vector<400x40xf32>
    %iota3A = tpu.iota {dimensions = array<i32: 1>} : vector<400x40xi32>
    %get3A_209 = arith.constant 0 : index
    %get3A_210 = arith.constant 0 : index
    %get3A_211 = vector.load %arg22[%get3A_209, %get3A_210] : memref<400x1xi32, #tpu.memory_space<vmem>>, vector<400x1xi32>
    %eq3A = vector.broadcast %get3A_211 : vector<400x1xi32> to vector<400x40xi32>
    %eq3A_212 = arith.cmpi eq, %iota3A, %eq3A : vector<400x40xi32>
    %jit3A = arith.constant 0.000000e+00 : f32
    %broadcast_in_dim3A_213 = vector.broadcast %jit3A : f32 to vector<400x40xf32>
    %select_n3A_214 = arith.select %eq3A_212, %sub3A_208, %broadcast_in_dim3A_213 : vector<400x40xi1>, vector<400x40xf32>
    %reduce_sum3A_215 = arith.constant dense<0.000000e+00> : vector<400xf32>
    %reduce_sum3A_216 = vector.multi_reduction <add>, %select_n3A_214, %reduce_sum3A_215 [1] : vector<400x40xf32> to vector<400xf32>
    %broadcast_in_dim3A_217 = vector.shape_cast %reduce_sum3A_216 : vector<400xf32> to vector<400x1xf32>
    %get3A_218 = arith.constant 0 : index
    %get3A_219 = arith.constant 0 : index
    %get3A_220 = vector.load %arg23[%get3A_218, %get3A_219] : memref<400x1xf32, #tpu.memory_space<vmem>>, vector<400x1xf32>
    %mul3A_221 = arith.mulf %get3A_220, %broadcast_in_dim3A_217 : vector<400x1xf32>
    %reduce_sum3A_222 = vector.shape_cast %mul3A_221 : vector<400x1xf32> to vector<1x400x1xf32>
    %reduce_sum3A_223 = arith.constant dense<0.000000e+00> : vector<1xf32>
    %reduce_sum3A_224 = vector.multi_reduction <add>, %reduce_sum3A_222, %reduce_sum3A_223 [1, 2] : vector<1x400x1xf32> to vector<1xf32>
    %reduce_sum3A_225 = vector.shape_cast %reduce_sum3A_224 : vector<1xf32> to vector<1x1x1xf32>
    %reduce_sum3A_226 = vector.extract %reduce_sum3A_225[0, 0, 0] : f32 from vector<1x1x1xf32>
    %neg3A = arith.constant 0.000000e+00 : f32
    %neg3A_227 = arith.subf %neg3A, %reduce_sum3A_226 : f32
    %reshape3A_228 = vector.broadcast %neg3A_227 : f32 to vector<1x1xf32>
    %reduce_sum3A_229 = vector.shape_cast %div3A_145 : vector<400x1xf32> to vector<1x400x1xf32>
    %reduce_sum3A_230 = arith.constant dense<0.000000e+00> : vector<1xf32>
    %reduce_sum3A_231 = vector.multi_reduction <add>, %reduce_sum3A_229, %reduce_sum3A_230 [1, 2] : vector<1x400x1xf32> to vector<1xf32>
    %reduce_sum3A_232 = vector.shape_cast %reduce_sum3A_231 : vector<1xf32> to vector<1x1x1xf32>
    %reduce_sum3A_233 = vector.extract %reduce_sum3A_232[0, 0, 0] : f32 from vector<1x1x1xf32>
    %reshape3A_234 = vector.broadcast %reduce_sum3A_233 : f32 to vector<1x1xf32>
    %reduce_sum3A_235 = vector.shape_cast %div3A_146 : vector<400x1xf32> to vector<1x400x1xf32>
    %reduce_sum3A_236 = arith.constant dense<0.000000e+00> : vector<1xf32>
    %reduce_sum3A_237 = vector.multi_reduction <add>, %reduce_sum3A_235, %reduce_sum3A_236 [1, 2] : vector<1x400x1xf32> to vector<1xf32>
    %reduce_sum3A_238 = vector.shape_cast %reduce_sum3A_237 : vector<1xf32> to vector<1x1x1xf32>
    %reduce_sum3A_239 = vector.extract %reduce_sum3A_238[0, 0, 0] : f32 from vector<1x1x1xf32>
    %reshape3A_240 = vector.broadcast %reduce_sum3A_239 : f32 to vector<1x1xf32>
    %reduce_sum3A_241 = vector.shape_cast %div3A_147 : vector<400x1xf32> to vector<1x400x1xf32>
    %reduce_sum3A_242 = arith.constant dense<0.000000e+00> : vector<1xf32>
    %reduce_sum3A_243 = vector.multi_reduction <add>, %reduce_sum3A_241, %reduce_sum3A_242 [1, 2] : vector<1x400x1xf32> to vector<1xf32>
    %reduce_sum3A_244 = vector.shape_cast %reduce_sum3A_243 : vector<1xf32> to vector<1x1x1xf32>
    %reduce_sum3A_245 = vector.extract %reduce_sum3A_244[0, 0, 0] : f32 from vector<1x1x1xf32>
    %reshape3A_246 = vector.broadcast %reduce_sum3A_245 : f32 to vector<1x1xf32>
    %eq3A_247 = arith.constant 0 : i32
    %eq3A_248 = arith.cmpi eq, %arg0, %eq3A_247 : i32
    %convert_element_type3A = arith.extui %eq3A_248 : i1 to i32
    %cond3A = arith.constant 0 : i32
    %cond3A_249 = arith.cmpi ne, %convert_element_type3A, %cond3A : i32
    scf.if %cond3A_249 {
      %swap3A_259 = arith.constant 0 : index
      %swap3A_260 = arith.constant 0 : index
      %swap3A_261 = vector.load %arg25[%swap3A_259, %swap3A_260] : memref<1x1xf32, #tpu.memory_space<vmem>>, vector<1x1xf32>
      tpu.vector_store %arg25[%swap3A_259, %swap3A_260], %reshape3A {strides = array<i32>} : memref<1x1xf32, #tpu.memory_space<vmem>>, vector<1x1xf32>,
      %swap3A_262 = arith.constant 0 : index
      %swap3A_263 = arith.constant 0 : index
      %swap3A_264 = vector.load %arg26[%swap3A_262, %swap3A_263] : memref<1x1xf32, #tpu.memory_space<vmem>>, vector<1x1xf32>
      tpu.vector_store %arg26[%swap3A_262, %swap3A_263], %reshape3A_228 {strides = array<i32>} : memref<1x1xf32, #tpu.memory_space<vmem>>, vector<1x1xf32>,
      %swap3A_265 = arith.constant 0 : index
      %swap3A_266 = arith.constant 0 : index
      %swap3A_267 = vector.load %arg27[%swap3A_265, %swap3A_266] : memref<1x1xf32, #tpu.memory_space<vmem>>, vector<1x1xf32>
      tpu.vector_store %arg27[%swap3A_265, %swap3A_266], %reshape3A_234 {strides = array<i32>} : memref<1x1xf32, #tpu.memory_space<vmem>>, vector<1x1xf32>,
      %swap3A_268 = arith.constant 0 : index
      %swap3A_269 = arith.constant 0 : index
      %swap3A_270 = vector.load %arg28[%swap3A_268, %swap3A_269] : memref<1x1xf32, #tpu.memory_space<vmem>>, vector<1x1xf32>
      tpu.vector_store %arg28[%swap3A_268, %swap3A_269], %reshape3A_240 {strides = array<i32>} : memref<1x1xf32, #tpu.memory_space<vmem>>, vector<1x1xf32>,
      %swap3A_271 = arith.constant 0 : index
      %swap3A_272 = arith.constant 0 : index
      %swap3A_273 = vector.load %arg29[%swap3A_271, %swap3A_272] : memref<1x1xf32, #tpu.memory_space<vmem>>, vector<1x1xf32>
      tpu.vector_store %arg29[%swap3A_271, %swap3A_272], %reshape3A_246 {strides = array<i32>} : memref<1x1xf32, #tpu.memory_space<vmem>>, vector<1x1xf32>,
    } else {
    }
    %gt3A = arith.constant 0 : i32
    %gt3A_250 = arith.cmpi sgt, %arg0, %gt3A : i32
    %convert_element_type3A_251 = arith.extui %gt3A_250 : i1 to i32
    %cond3A_252 = arith.constant 0 : i32
    %cond3A_253 = arith.cmpi ne, %convert_element_type3A_251, %cond3A_252 : i32
    scf.if %cond3A_253 {
      %get3A_259 = arith.constant 0 : index
      %get3A_260 = arith.constant 0 : index
      %get3A_261 = vector.load %arg25[%get3A_259, %get3A_260] : memref<1x1xf32, #tpu.memory_space<vmem>>, vector<1x1xf32>
      %add3A_262 = arith.addf %get3A_261, %reshape3A : vector<1x1xf32>
      %swap3A_263 = arith.constant 0 : index
      %swap3A_264 = arith.constant 0 : index
      %swap3A_265 = vector.load %arg25[%swap3A_263, %swap3A_264] : memref<1x1xf32, #tpu.memory_space<vmem>>, vector<1x1xf32>
      tpu.vector_store %arg25[%swap3A_263, %swap3A_264], %add3A_262 {strides = array<i32>} : memref<1x1xf32, #tpu.memory_space<vmem>>, vector<1x1xf32>,
      %get3A_266 = arith.constant 0 : index
      %get3A_267 = arith.constant 0 : index
      %get3A_268 = vector.load %arg26[%get3A_266, %get3A_267] : memref<1x1xf32, #tpu.memory_space<vmem>>, vector<1x1xf32>
      %add3A_269 = arith.addf %get3A_268, %reshape3A_228 : vector<1x1xf32>
      %swap3A_270 = arith.constant 0 : index
      %swap3A_271 = arith.constant 0 : index
      %swap3A_272 = vector.load %arg26[%swap3A_270, %swap3A_271] : memref<1x1xf32, #tpu.memory_space<vmem>>, vector<1x1xf32>
      tpu.vector_store %arg26[%swap3A_270, %swap3A_271], %add3A_269 {strides = array<i32>} : memref<1x1xf32, #tpu.memory_space<vmem>>, vector<1x1xf32>,
      %get3A_273 = arith.constant 0 : index
      %get3A_274 = arith.constant 0 : index
      %get3A_275 = vector.load %arg27[%get3A_273, %get3A_274] : memref<1x1xf32, #tpu.memory_space<vmem>>, vector<1x1xf32>
      %add3A_276 = arith.addf %get3A_275, %reshape3A_234 : vector<1x1xf32>
      %swap3A_277 = arith.constant 0 : index
      %swap3A_278 = arith.constant 0 : index
      %swap3A_279 = vector.load %arg27[%swap3A_277, %swap3A_278] : memref<1x1xf32, #tpu.memory_space<vmem>>, vector<1x1xf32>
      tpu.vector_store %arg27[%swap3A_277, %swap3A_278], %add3A_276 {strides = array<i32>} : memref<1x1xf32, #tpu.memory_space<vmem>>, vector<1x1xf32>,
      %get3A_280 = arith.constant 0 : index
      %get3A_281 = arith.constant 0 : index
      %get3A_282 = vector.load %arg28[%get3A_280, %get3A_281] : memref<1x1xf32, #tpu.memory_space<vmem>>, vector<1x1xf32>
      %add3A_283 = arith.addf %get3A_282, %reshape3A_240 : vector<1x1xf32>
      %swap3A_284 = arith.constant 0 : index
      %swap3A_285 = arith.constant 0 : index
      %swap3A_286 = vector.load %arg28[%swap3A_284, %swap3A_285] : memref<1x1xf32, #tpu.memory_space<vmem>>, vector<1x1xf32>
      tpu.vector_store %arg28[%swap3A_284, %swap3A_285], %add3A_283 {strides = array<i32>} : memref<1x1xf32, #tpu.memory_space<vmem>>, vector<1x1xf32>,
      %get3A_287 = arith.constant 0 : index
      %get3A_288 = arith.constant 0 : index
      %get3A_289 = vector.load %arg29[%get3A_287, %get3A_288] : memref<1x1xf32, #tpu.memory_space<vmem>>, vector<1x1xf32>
      %add3A_290 = arith.addf %get3A_289, %reshape3A_246 : vector<1x1xf32>
      %swap3A_291 = arith.constant 0 : index
      %swap3A_292 = arith.constant 0 : index
      %swap3A_293 = vector.load %arg29[%swap3A_291, %swap3A_292] : memref<1x1xf32, #tpu.memory_space<vmem>>, vector<1x1xf32>
      tpu.vector_store %arg29[%swap3A_291, %swap3A_292], %add3A_290 {strides = array<i32>} : memref<1x1xf32, #tpu.memory_space<vmem>>, vector<1x1xf32>,
    } else {
    }
    %eq3A_254 = arith.constant 24 : i32
    %eq3A_255 = arith.cmpi eq, %arg0, %eq3A_254 : i32
    %convert_element_type3A_256 = arith.extui %eq3A_255 : i1 to i32
    %cond3A_257 = arith.constant 0 : i32
    %cond3A_258 = arith.cmpi ne, %convert_element_type3A_256, %cond3A_257 : i32
    scf.if %cond3A_258 {
      %get3A_259 = arith.constant 0 : index
      %get3A_260 = arith.constant 0 : index
      %get3A_261 = vector.load %arg25[%get3A_259, %get3A_260] : memref<1x1xf32, #tpu.memory_space<vmem>>, vector<1x1xf32>
      %div3A_262 = arith.constant 1.000000e+04 : f32
      %div3A_263 = vector.broadcast %div3A_262 : f32 to vector<1x1xf32>
      %div3A_264 = arith.divf %get3A_261, %div3A_263 : vector<1x1xf32>
      %get3A_265 = arith.constant 0 : index
      %get3A_266 = arith.constant 0 : index
      %get3A_267 = vector.load %arg26[%get3A_265, %get3A_266] : memref<1x1xf32, #tpu.memory_space<vmem>>, vector<1x1xf32>
      %div3A_268 = arith.constant 2.000000e+03 : f32
      %div3A_269 = vector.broadcast %div3A_268 : f32 to vector<1x1xf32>
      %div3A_270 = arith.divf %get3A_267, %div3A_269 : vector<1x1xf32>
      %get3A_271 = arith.constant 0 : index
      %get3A_272 = arith.constant 0 : index
      %get3A_273 = vector.load %arg27[%get3A_271, %get3A_272] : memref<1x1xf32, #tpu.memory_space<vmem>>, vector<1x1xf32>
      %div3A_274 = arith.constant 1.000000e+04 : f32
      %div3A_275 = vector.broadcast %div3A_274 : f32 to vector<1x1xf32>
      %div3A_276 = arith.divf %get3A_273, %div3A_275 : vector<1x1xf32>
      %sub3A_277 = arith.constant 0.333333343 : f32
      %sub3A_278 = vector.broadcast %sub3A_277 : f32 to vector<1x1xf32>
      %sub3A_279 = arith.subf %div3A_276, %sub3A_278 : vector<1x1xf32>
      %abs3A = math.absf %sub3A_279 : vector<1x1xf32>
      %get3A_280 = arith.constant 0 : index
      %get3A_281 = arith.constant 0 : index
      %get3A_282 = vector.load %arg28[%get3A_280, %get3A_281] : memref<1x1xf32, #tpu.memory_space<vmem>>, vector<1x1xf32>
      %div3A_283 = arith.constant 1.000000e+04 : f32
      %div3A_284 = vector.broadcast %div3A_283 : f32 to vector<1x1xf32>
      %div3A_285 = arith.divf %get3A_282, %div3A_284 : vector<1x1xf32>
      %sub3A_286 = arith.constant 0.333333343 : f32
      %sub3A_287 = vector.broadcast %sub3A_286 : f32 to vector<1x1xf32>
      %sub3A_288 = arith.subf %div3A_285, %sub3A_287 : vector<1x1xf32>
      %abs3A_289 = math.absf %sub3A_288 : vector<1x1xf32>
      %add3A_290 = arith.addf %abs3A, %abs3A_289 : vector<1x1xf32>
      %get3A_291 = arith.constant 0 : index
      %get3A_292 = arith.constant 0 : index
      %get3A_293 = vector.load %arg29[%get3A_291, %get3A_292] : memref<1x1xf32, #tpu.memory_space<vmem>>, vector<1x1xf32>
      %div3A_294 = arith.constant 1.000000e+04 : f32
      %div3A_295 = vector.broadcast %div3A_294 : f32 to vector<1x1xf32>
      %div3A_296 = arith.divf %get3A_293, %div3A_295 : vector<1x1xf32>
      %sub3A_297 = arith.constant 0.333333343 : f32
      %sub3A_298 = vector.broadcast %sub3A_297 : f32 to vector<1x1xf32>
      %sub3A_299 = arith.subf %div3A_296, %sub3A_298 : vector<1x1xf32>
      %abs3A_300 = math.absf %sub3A_299 : vector<1x1xf32>
      %add3A_301 = arith.addf %add3A_290, %abs3A_300 : vector<1x1xf32>
      %mul3A_302 = arith.constant 5.000000e-01 : f32
      %mul3A_303 = vector.broadcast %mul3A_302 : f32 to vector<1x1xf32>
      %mul3A_304 = arith.mulf %mul3A_303, %div3A_264 : vector<1x1xf32>
      %mul3A_305 = arith.constant 5.000000e-01 : f32
      %mul3A_306 = vector.broadcast %mul3A_305 : f32 to vector<1x1xf32>
      %mul3A_307 = arith.mulf %mul3A_306, %div3A_270 : vector<1x1xf32>
      %add3A_308 = arith.addf %mul3A_304, %mul3A_307 : vector<1x1xf32>
      %mul3A_309 = arith.constant 3.000000e-01 : f32
      %mul3A_310 = vector.broadcast %mul3A_309 : f32 to vector<1x1xf32>
      %mul3A_311 = arith.mulf %mul3A_310, %add3A_301 : vector<1x1xf32>
      %add3A_312 = arith.addf %add3A_308, %mul3A_311 : vector<1x1xf32>
      %swap3A_313 = arith.constant 0 : index
      %swap3A_314 = arith.constant 0 : index
      %swap3A_315 = vector.load %arg30[%swap3A_313, %swap3A_314] : memref<1x1xf32, #tpu.memory_space<vmem>>, vector<1x1xf32>
      tpu.vector_store %arg30[%swap3A_313, %swap3A_314], %add3A_312 {strides = array<i32>} : memref<1x1xf32, #tpu.memory_space<vmem>>, vector<1x1xf32>,
    } else {
    }
    return
  }
  func.func @transform_0(%arg0: i32) -> (i32, i32) {
    %c0_i32 = arith.constant 0 : i32
    %c0_i32_0 = arith.constant 0 : i32
    return %arg0, %c0_i32 : i32, i32
  }
  func.func @transform_1(%arg0: i32) -> (i32, i32) {
    %c0_i32 = arith.constant 0 : i32
    %c0_i32_0 = arith.constant 0 : i32
    return %arg0, %c0_i32 : i32, i32
  }
  func.func @transform_2(%arg0: i32) -> (i32, i32) {
    %c0_i32 = arith.constant 0 : i32
    %c0_i32_0 = arith.constant 0 : i32
    return %arg0, %c0_i32 : i32, i32
  }
  func.func @transform_3(%arg0: i32) -> (i32, i32) {
    %c0_i32 = arith.constant 0 : i32
    %c0_i32_0 = arith.constant 0 : i32
    %c0_i32_1 = arith.constant 0 : i32
    return %c0_i32, %c0_i32_0 : i32, i32
  }
  func.func @transform_4(%arg0: i32) -> (i32, i32) {
    %c0_i32 = arith.constant 0 : i32
    %c0_i32_0 = arith.constant 0 : i32
    %c0_i32_1 = arith.constant 0 : i32
    return %c0_i32, %c0_i32_0 : i32, i32
  }
  func.func @transform_5(%arg0: i32) -> (i32, i32) {
    %c0_i32 = arith.constant 0 : i32
    %c0_i32_0 = arith.constant 0 : i32
    %c0_i32_1 = arith.constant 0 : i32
    return %c0_i32, %c0_i32_0 : i32, i32
  }
  func.func @transform_6(%arg0: i32) -> (i32, i32) {
    %c0_i32 = arith.constant 0 : i32
    %c0_i32_0 = arith.constant 0 : i32
    %c0_i32_1 = arith.constant 0 : i32
    return %c0_i32, %c0_i32_0 : i32, i32
  }
  func.func @transform_7(%arg0: i32) -> (i32, i32) {
    %c0_i32 = arith.constant 0 : i32
    %c0_i32_0 = arith.constant 0 : i32
    %c0_i32_1 = arith.constant 0 : i32
    return %c0_i32, %c0_i32_0 : i32, i32
  }
  func.func @transform_8(%arg0: i32) -> (i32, i32) {
    %c0_i32 = arith.constant 0 : i32
    %c0_i32_0 = arith.constant 0 : i32
    %c0_i32_1 = arith.constant 0 : i32
    return %c0_i32, %c0_i32_0 : i32, i32
  }
  func.func @transform_9(%arg0: i32) -> (i32, i32) {
    %c0_i32 = arith.constant 0 : i32
    %c0_i32_0 = arith.constant 0 : i32
    %c0_i32_1 = arith.constant 0 : i32
    return %c0_i32, %c0_i32_0 : i32, i32
  }
  func.func @transform_10(%arg0: i32) -> (i32, i32) {
    %c0_i32 = arith.constant 0 : i32
    %c0_i32_0 = arith.constant 0 : i32
    %c0_i32_1 = arith.constant 0 : i32
    return %c0_i32, %c0_i32_0 : i32, i32
  }
  func.func @transform_11(%arg0: i32) -> (i32, i32) {
    %c0_i32 = arith.constant 0 : i32
    %c0_i32_0 = arith.constant 0 : i32
    %c0_i32_1 = arith.constant 0 : i32
    return %c0_i32, %c0_i32_0 : i32, i32
  }
  func.func @transform_12(%arg0: i32) -> (i32, i32) {
    %c0_i32 = arith.constant 0 : i32
    %c0_i32_0 = arith.constant 0 : i32
    %c0_i32_1 = arith.constant 0 : i32
    return %c0_i32, %c0_i32_0 : i32, i32
  }
  func.func @transform_13(%arg0: i32) -> (i32, i32) {
    %c0_i32 = arith.constant 0 : i32
    %c0_i32_0 = arith.constant 0 : i32
    %c0_i32_1 = arith.constant 0 : i32
    return %c0_i32, %c0_i32_0 : i32, i32
  }
  func.func @transform_14(%arg0: i32) -> (i32, i32) {
    %c0_i32 = arith.constant 0 : i32
    %c0_i32_0 = arith.constant 0 : i32
    %c0_i32_1 = arith.constant 0 : i32
    return %c0_i32, %c0_i32_0 : i32, i32
  }
  func.func @transform_15(%arg0: i32) -> (i32, i32) {
    %c0_i32 = arith.constant 0 : i32
    %c0_i32_0 = arith.constant 0 : i32
    return %arg0, %c0_i32 : i32, i32
  }
  func.func @transform_16(%arg0: i32) -> (i32, i32) {
    %c0_i32 = arith.constant 0 : i32
    %c0_i32_0 = arith.constant 0 : i32
    %c0_i32_1 = arith.constant 0 : i32
    return %c0_i32, %c0_i32_0 : i32, i32
  }
  func.func @transform_17(%arg0: i32) -> (i32, i32) {
    %c0_i32 = arith.constant 0 : i32
    %c0_i32_0 = arith.constant 0 : i32
    %c0_i32_1 = arith.constant 0 : i32
    return %c0_i32, %c0_i32_0 : i32, i32
  }
  func.func @transform_18(%arg0: i32) -> (i32, i32) {
    %c0_i32 = arith.constant 0 : i32
    %c0_i32_0 = arith.constant 0 : i32
    %c0_i32_1 = arith.constant 0 : i32
    return %c0_i32, %c0_i32_0 : i32, i32
  }
  func.func @transform_19(%arg0: i32) -> (i32, i32) {
    %c0_i32 = arith.constant 0 : i32
    %c0_i32_0 = arith.constant 0 : i32
    %c0_i32_1 = arith.constant 0 : i32
    return %c0_i32, %c0_i32_0 : i32, i32
  }
  func.func @transform_20(%arg0: i32) -> (i32, i32) {
    %c0_i32 = arith.constant 0 : i32
    %c0_i32_0 = arith.constant 0 : i32
    return %arg0, %c0_i32 : i32, i32
  }
  func.func @transform_21(%arg0: i32) -> (i32, i32) {
    %c0_i32 = arith.constant 0 : i32
    %c0_i32_0 = arith.constant 0 : i32
    return %arg0, %c0_i32 : i32, i32
  }
  func.func @transform_22(%arg0: i32) -> (i32, i32) {
    %c0_i32 = arith.constant 0 : i32
    %c0_i32_0 = arith.constant 0 : i32
    return %arg0, %c0_i32 : i32, i32
  }
  func.func @transform_23(%arg0: i32) -> (i32, i32) {
    %c0_i32 = arith.constant 0 : i32
    %c0_i32_0 = arith.constant 0 : i32
    return %arg0, %c0_i32 : i32, i32
  }
  func.func @transform_24(%arg0: i32) -> (i32, i32) {
    %c0_i32 = arith.constant 0 : i32
    %c0_i32_0 = arith.constant 0 : i32
    %c0_i32_1 = arith.constant 0 : i32
    return %c0_i32, %c0_i32_0 : i32, i32
  }
  func.func @transform_25(%arg0: i32) -> (i32, i32) {
    %c0_i32 = arith.constant 0 : i32
    %c0_i32_0 = arith.constant 0 : i32
    %c0_i32_1 = arith.constant 0 : i32
    return %c0_i32, %c0_i32_0 : i32, i32
  }
  func.func @transform_26(%arg0: i32) -> (i32, i32) {
    %c0_i32 = arith.constant 0 : i32
    %c0_i32_0 = arith.constant 0 : i32
    %c0_i32_1 = arith.constant 0 : i32
    return %c0_i32, %c0_i32_0 : i32, i32
  }
  func.func @transform_27(%arg0: i32) -> (i32, i32) {
    %c0_i32 = arith.constant 0 : i32
    %c0_i32_0 = arith.constant 0 : i32
    %c0_i32_1 = arith.constant 0 : i32
    return %c0_i32, %c0_i32_0 : i32, i32
  }
  func.func @transform_28(%arg0: i32) -> (i32, i32) {
    %c0_i32 = arith.constant 0 : i32
    %c0_i32_0 = arith.constant 0 : i32
    %c0_i32_1 = arith.constant 0 : i32
    return %c0_i32, %c0_i32_0 : i32, i32
  }
  func.func @transform_29(%arg0: i32) -> (i32, i32) {
    %c0_i32 = arith.constant 0 : i32
    %c0_i32_0 = arith.constant 0 : i32
    %c0_i32_1 = arith.constant 0 : i32
    return %c0_i32, %c0_i32_0 : i32, i32
  }
}

</mosaic_0001>

<sc_bundles>
// kernel: kernel.11.cloned.1.call-start
scs
__scs_entry_jumppad:
0x0: {  	(pc) =	sbr.rel $0x88, $3  }
0x1: {  	(tag) =	ssettag $0x0;
	lr =	simm.s32 $0x1  }
0x2: {  	[smem:$0x3F7E] =	sst lr;
	_ =	strace $0xD0000000  }
0x3: {  	_ = 	snop  }
0x4: {  	_ = 	snop  }
0x5: {  	_ = 	snop  }
0x6: {  	_ = 	snop  }
0x7: {  	_ = 	snop  }
__scs_overlays_trampoline_lowered:
0x8: {  	[smem:$0x3F8D] =	sst s0  }
0x9: {  	[smem:$0x3F8E] =	sst s1  }
0xa: {  	[smem:$0x3F8F] =	sst s2  }
0xb: {  	[smem:$0x3F90] =	sst s3  }
0xc: {  	[smem:$0x3F91] =	sst s4  }
0xd: {  	[smem:$0x3F92] =	sst s5  }
0xe: {  	[smem:$0x3F93] =	sst s6  }
0xf: {  	[smem:$0x3F94] =	sst s7  }
0x10: {  	[smem:$0x3F95] =	sst s8  }
0x11: {  	[smem:$0x3F96] =	sst s9;
	s0 =	simm.s32 @!p0 $0x0  }
0x12: {  	s1 =	sld [smem:$0x3F7C];
	s0 =	simm.s32 @p0 $0x1  }
0x13: {  	[smem:$0x3F97] =	sst s0;
	s0 =	simm.s32 @!p1 $0x0  }
0x14: {  	s2 =	sld [smem:$0x3F7B];
	s0 =	simm.s32 @p1 $0x1  }
0x15: {  	[smem:$0x3F98] =	sst s0;
	s0 =	simm.s32 @!p2 $0x0  }
0x16: {  	s3 =	sld [smem:$0x3FDB];
	s0 =	simm.s32 @p2 $0x1  }
0x17: {  	s4 =	simm.s32 $0x1BF5;
	[smem:$0x3F9A] =	sst s0  }
0x18: {  	s0 =	sld [smem:$0x3F7D];
	_ =	swait.ge [sflag:s4], $0x0  }
0x19: {  	s7 =	sld [smem:$0x3F7E]  }
0x1a: {  	s8 =	sadd.s32 $0xFFFFE003, lr  }
0x1b: {  	s9 =	sadd.s32 $0xFFFFFEF7, lr;
	s5 =	simm.s32 $0xFFFFFFFF;
	p2 =	slt.u32 s8, $0xFFFFF086  }
0x1c: {  	p1 =	slt.u32 s9, $0xF7A;
	s5 =	simm.s32 @!p2 $0x0  }
0x1d: {  	s5 =	simm.s32 @p1 $0x1;
	p0 =	seq.s32 s7, s2  }
0x1e: {  	s7 =	smul.u32 @!p0 $0xF7A, s2;
	p2 =	seq.s32 @!p0 s5, $0x0  }
0x1f: {  	s9 =	smul.u32 $0xF7A, s1;
	s8 =	simm.s32 @!p0 $0x1BF5;
	p2 =	por !p2, p0  }
0x20: {  	[sflag:s8] =	ssyncset.s32 @!p0 $0xFFFFF086;
	s6 =	sadd.s32 @!p0 s3, s7;
	s7 =	simm.s32 @!p0 $0x108  }
0x21: {  	s3 =	sadd.s32 s3, s9;
	s6 =	sadd.s32 @!p0 $0x88, s6;
	s7 =	simm.s32 @p2 $0x1082  }
0x22: {  	[simem:s7], [sflag:s8] =	dma.local @!p0 [hbm:s6], $0xF7A  }
0x23: {  	s9 =	sor.u32 $0xD0000000, s2;
	s6 =	simm.s32 $0x108;
	_ =	swait.ge @!p0 [sflag:s8], $0x0  }
0x24: {  	s3 =	sadd.s32 $0x88, s3;
	s6 =	simm.s32 @!p1 $0x1082;
	[sflag:s4] =	ssyncset.s32 $0xFFFFF086  }
0x25: {  	[simem:s6], [sflag:s4] =	dma.local [hbm:s3], $0xF7A  }
0x26: {  	[smem:$0x3F7E] =	sst s1;
	(tag) =	ssettag s2;
	_ =	strace s9  }
0x27: {  	s1 =	sld [smem:$0x3F8E]  }
0x28: {  	s2 =	sld [smem:$0x3F8F]  }
0x29: {  	s4 =	sld [smem:$0x3F91]  }
0x2a: {  	p0 =	seq.s32 s5, $0x0;
	s5 =	sld [smem:$0x3F92]  }
0x2b: {  	s6 =	sld [smem:$0x3F93]  }
0x2c: {  	s7 =	sld [smem:$0x3F94]  }
0x2d: {  	s3 =	simm.s32 $0x108;
	s8 =	sld [smem:$0x3F95]  }
0x2e: {  	s3 =	simm.s32 @!p0 $0x1082;
	s9 =	sld [smem:$0x3F96]  }
0x2f: {  	lr =	sadd.s32 s0, s3;
	s0 =	sld [smem:$0x3F8D]  }
0x30: {  	s3 =	sld [smem:$0x3F90]  }
0x31: {  	[smem:$0x3F99] =	sst s10  }
0x32: {  	s10 =	sld [smem:$0x3F97];
	_ =	sdelay $0x3  }
0x33: {  	p0 =	seq.s32 s10, $0x1;
	s10 =	sld [smem:$0x3F99];
	_ =	sdelay $0x3  }
0x34: {  	[smem:$0x3F99] =	sst s10  }
0x35: {  	s10 =	sld [smem:$0x3F98];
	_ =	sdelay $0x3  }
0x36: {  	p1 =	seq.s32 s10, $0x1;
	s10 =	sld [smem:$0x3F99];
	_ =	sdelay $0x3  }
0x37: {  	[smem:$0x3F99] =	sst s10  }
0x38: {  	s10 =	sld [smem:$0x3F9A]  }
0x39: {  	_ = 	snop;
	(pc) =	sbr.ind lr, $3  }
0x3a: {  	_ = 	snop  }
0x3b: {  	_ = 	snop  }
0x3c: {  	p2 =	seq.s32 s10, $0x1;
	s10 =	sld [smem:$0x3F99]  }
0x3d: {  	_ =	shalt  }
0x3e: {  	_ =	shalt  }
0x3f: {  	_ =	shalt  }
0x40: {  	_ =	shalt  }
0x41: {  	_ =	shalt  }
0x42: {  	_ =	shalt  }
0x43: {  	_ =	shalt  }
0x44: {  	_ =	shalt  }
0x45: {  	_ =	shalt  }
0x46: {  	_ =	shalt  }
0x47: {  	_ =	shalt  }
0x48: {  	_ =	shalt  }
0x49: {  	_ =	shalt  }
0x4a: {  	_ =	shalt  }
0x4b: {  	_ =	shalt  }
0x4c: {  	_ =	shalt  }
0x4d: {  	_ =	shalt  }
0x4e: {  	_ =	shalt  }
0x4f: {  	_ =	shalt  }
0x50: {  	_ =	shalt  }
0x51: {  	_ =	shalt  }
0x52: {  	_ =	shalt  }
0x53: {  	_ =	shalt  }
0x54: {  	_ =	shalt  }
0x55: {  	_ =	shalt  }
0x56: {  	_ =	shalt  }
0x57: {  	_ =	shalt  }
0x58: {  	_ =	shalt  }
0x59: {  	_ =	shalt  }
0x5a: {  	_ =	shalt  }
0x5b: {  	_ =	shalt  }
0x5c: {  	_ =	shalt  }
0x5d: {  	_ =	shalt  }
0x5e: {  	_ =	shalt  }
0x5f: {  	_ =	shalt  }
0x60: {  	_ =	shalt  }
0x61: {  	_ =	shalt  }
0x62: {  	_ =	shalt  }
0x63: {  	_ =	shalt  }
0x64: {  	_ =	shalt  }
0x65: {  	_ =	shalt  }
0x66: {  	_ =	shalt  }
0x67: {  	_ =	shalt  }
0x68: {  	_ =	shalt  }
0x69: {  	_ =	shalt  }
0x6a: {  	_ =	shalt  }
0x6b: {  	_ =	shalt  }
0x6c: {  	_ =	shalt  }
0x6d: {  	_ =	shalt  }
0x6e: {  	_ =	shalt  }
0x6f: {  	_ =	shalt  }
0x70: {  	_ =	shalt  }
0x71: {  	_ =	shalt  }
0x72: {  	_ =	shalt  }
0x73: {  	_ =	shalt  }
0x74: {  	_ =	shalt  }
0x75: {  	_ =	shalt  }
0x76: {  	_ =	shalt  }
0x77: {  	_ =	shalt  }
0x78: {  	_ =	shalt  }
0x79: {  	_ =	shalt  }
0x7a: {  	_ =	shalt  }
0x7b: {  	_ =	shalt  }
0x7c: {  	_ =	shalt  }
0x7d: {  	_ =	shalt  }
0x7e: {  	_ =	shalt  }
0x7f: {  	_ =	shalt  }
0x80: {  	_ =	shalt  }
0x81: {  	_ =	shalt  }
0x82: {  	_ =	shalt  }
0x83: {  	_ =	shalt  }
0x84: {  	_ =	shalt  }
0x85: {  	_ =	shalt  }
0x86: {  	_ =	shalt  }
0x87: {  	_ =	shalt  }
.Lfunc_end0:
.L_simem_size_0:
called_computation_lowered:
.L_overlay_start_0:
0x88: {  	s2 =	sld [smem:$0x3FD9]  }
0x89: {  	s3 =	sld [smem:$0x3FFE];
	_ =	sdelay $0x1  }
0x8a: {  	s1 =	srdreg.scid  }
0x8b: {  	s0 =	sand.u32 $0x1, s1  }
0x8c: {  	s14 =	sshll.u32 s0, $0xA;
	s2 =	sadd.s32 s3, s2  }
0x8d: {  	s2 =	sadd.s32 s2, s14  }
0x8e: {  	[smem:$0x3FA5] =	sst s2  }
0x8f: {  	_ = 	snop  }
0x90: {  	s2 =	sld [smem:$0x3FD0];
	_ =	sdelay $0x2  }
0x91: {  	s15 =	simm.s32 $0xA;
	s4 =	simm.s32 $0x10  }
0x92: {  	[smem:s4], [sflag:s15] =	dma.local [hbm:s2], $0x1  }
0x93: {  	_ =	swait.eq [sflag:s15], $0x1  }
0x94: {  	[sflag:s15] =	ssyncset.done $0x0  }
0x95: {  	[sflag:s15] =	ssyncadd.s32 $0xFFFFFFFF  }
0x96: {  	s16 =	sld [smem:$0x10];
	(tm) =	ssettm $0x1  }
0x97: {  	s17 =	sld [smem:$0x3FFB];
	_ =	sdelay $0x3  }
0x98: {  	_ =	strace s17  }
0x99: {  	s3 =	sld [smem:$0x3FFC];
	_ =	sdelay $0x3  }
0x9a: {  	_ =	strace s3  }
0x9b: {  	s3 =	sld [smem:$0x3FFD];
	_ =	sdelay $0x3  }
0x9c: {  	_ =	strace s3  }
0x9d: {  	_ =	strace $0x8FFFFFFF  }
0x9e: {  	s18 =	sld [smem:$0x3FDB];
	_ =	sdelay $0x1  }
0x9f: {  	s19 =	simm.s32 $_scs_section_size  }
0xa0: {  	s5 =	simm.s32 $_size__tile_overlayer_lowered;
	s6 =	simm.s32 $_tile_overlayer_lowered  }
0xa1: {  	s22 =	simm.s32 $0x1BFF;
	s21 =	sshll.u32 s6, $0x1;
	s3 =	sadd.s32 s19, s18  }
0xa2: {  	s7 =	simm.s32 $0x0;
	s20 =	sshll.u32 s5, $0x1;
	s5 =	sadd.s32 s21, s3  }
0xa3: {  	[timem:s7], [sflag:s22] =	dma.local [hbm:s5], s20  }
0xa4: {  	_ =	swait.ge [sflag:s22], s20  }
0xa5: {  	s4 =	ssub.s32 $0x0, s20;
	[sflag:s22] =	ssyncset.done $0x0  }
0xa6: {  	[sflag:s22] =	ssyncadd.s32 s4;
	_ =	sdelay $0x1  }
0xa7: {  	s23 =	simm.s32 $0x1B8B  }
0xa8: {  	_ =	swait.ge [sflag:s23], $0x1  }
0xa9: {  	[sflag:s23] =	ssyncset.done $0x0  }
0xaa: {  	s25 =	simm.s32 $0x1B8E;
	s24 =	sld [smem:$0x3FFE];
	[sflag:s23] =	ssyncadd.s32 $0xFFFFFFFF  }
0xab: {  	s26 =	simm.s32 $execute0_lowered;
	[smem:$0x3FD2] =	sst s25  }
0xac: {  	s5 =	sshll.u32 s26, $0x1;
	_ =	strace $0x80000046;
	[dreg:$0x1] =	wrdreg $0xFFFFFFFF  }
0xad: {  	s28 =	simm.s32 $_size_execute0_lowered;
	s3 =	sadd.s32 s3, s5;
	[dreg:$0x0] =	wrdreg $0x0  }
0xae: {  	s5 =	sshll.u32 s28, $0x1;
	[dreg:$0x2] =	wrdreg s3  }
0xaf: {  	[dreg:$0x3] =	wrdreg s5  }
0xb0: {  	[dreg:$0x4] =	wrdreg $0xC0  }
0xb1: {  	_ =	task [dreg:s7], $0x5FFFF  }
0xb2: {  	[dreg:$0x1] =	wrdreg $0xFFFFFFFF  }
0xb3: {  	[dreg:$0x0] =	wrdreg $0x60  }
0xb4: {  	[dreg:$0x2] =	wrdreg s24  }
0xb5: {  	[dreg:$0x3] =	wrdreg s16  }
0xb6: {  	[dreg:$0x4] =	wrdreg $0x4A000  }
0xb7: {  	[dreg:$0x5] =	wrdreg $0x9  }
0xb8: {  	_ =	task.clear_ibuf [dreg:s7], $0x6FFFF;
	_ =	strace $0x90000046  }
0xb9: {  	s29 =	simm.s32 $0x9;
	_ =	strace $0x80000048  }
0xba: {  	_ =	swait.ge [sflag:s29], $0x1  }
0xbb: {  	[sflag:s29] =	ssyncadd.s32 $0xFFFFFFFF  }
0xbc: {  	_ =	strace $0x90000048  }
0xbd: {  	_ =	sfence  }
0xbe: {  	s30 =	sld [smem:$0x0];
	_ =	sdelay $0x2  }
0xbf: {  	s31 =	sshll.u32 s1, $0xD;
	s1 =	sshrl.u32 s1, $0x2  }
0xc0: {  	s3 =	sand.u32 $0x4000, s31;
	s1 =	sadd.s32 s1, s30  }
0xc1: {  	s0 =	sor.u32 s3, s0;
	s1 =	sshll.u32 s1, $0x11  }
0xc2: {  	s0 =	sor.u32 s1, s0  }
0xc3: {  	s0 =	sadd.s32 $0x8F2B, s0  }
0xc4: {  	[sflag:s0] =	ssyncadd.remote.s32 $0x1  }
0xc5: {  	_ =	sfence.sel $0xFFFF  }
0xc6: {  	[dreg:$0x0] =	wrdreg $0xFFFFFFFF;
	(pc) =	sbr.abs _section_cstart, $3  }
0xc7: {  	[dreg:$0x1] =	wrdreg $0xFFFFFFFF  }
0xc8: {  	_ =	task.clear_ibuf [dreg:s7], $0x2FFFF;
	_ =	strace $0x9FFFFFFF  }
0xc9: {  	(tm) =	ssettm $0x7FFFFFFF  }
tec
execute0_lowered:
.L_overlay_start_1:
0x0: {  	(tag) =	ssettag $0x1  }
0x1: {  	s6 =	rddreg [dreg:$0x0]  }
0x2: {  	s13 =	rddreg [dreg:$0x1]  }
0x3: {  	s1 =	rddreg [dreg:$0x2]  }
0x4: {  	s2 =	simm.s32 $0x0;
	s5 =	srdreg.scid;
	s3 =	stileid.u32  }
0x5: {  	s17 =	simm.s32 $0x80;
	s18 =	simm.s32 $0x40;
	s19 =	simm.s32 $0x100  }
0x6: {  	s20 =	simm.s32 $0x2100;
	s21 =	simm.s32 $0x2180;
	s22 =	simm.s32 $0x2200  }
0x7: {  	s23 =	simm.s32 $0x1;
	s24 =	simm.s32 $0x2;
	s25 =	simm.s32 $0x0  }
0x8: {  	[smem:$0x7FF] =	sst s2;
	s4 =	sadd.s32 $0x7E00, s6;
	s16 =	sand.u32 $0x1, s5  }
0x9: {  	s5 =	sadd.s32 $0x2F000, s6;
	s8 =	smul.u32 $0x2800, s3;
	s12 =	sadd.s32 $0x56200, s6  }
0xa: {  	s9 =	sshll.u32 s3, $0x7;
	s11 =	sshll.u32 s3, $0xA;
	s14 =	smul.u32 $0x500, s3  }
0xb: {  	_ =	strace $0x80000047;
	s7 =	ssub.s32 $0x2, s16;
	s15 =	sadd.s32 s9, s6  }
0xc: {  	s11 =	sadd.s32 s11, s1;
	p0 =	sne.s32 s16, $0x0;
	s16 =	simm.s32 $0x3  }
.Ltmp0:
0xd: {  	s10 =	sshrl.u32 s7, $0x1;
	s31 =	sshrl.u32 s8, $0x3;
	(pc) =	sbr.rel .LBB2_1-.Ltmp0, $4  }
0xe: {  	s30 =	ssub.s32 s7, s10;
	s0 =	sadd.s32 s13, s31;
	s7 =	sadd.s32 s12, s31  }
0xf: {  	s10 =	sadd.s32 $0x4F8, s31;
	[dreg:$0x4] =	wrdreg s0;
	s8 =	smax.u32 s30, $0x1  }
0x10: {  	s9 =	sadd.s32 s13, s10;
	s10 =	sadd.s32 s12, s10;
	s12 =	sadd.s32 s14, s12  }
0x11: {  	v0 =	vimm.f32 $0.0e+00;
	s13 =	sadd.s32 s14, s13;
	s14 =	sadd.s32 $0x82400, s15;
	s15 =	sadd.s32 $0x5B200, s15  }
.LBB2_15:
0x12: {  	s0 =	simm.s32 @!p2 $0x4600  }
0x13: {  	s6 =	simm.s32 @!p2 $0x4;
	[sflag:s30] =	ssyncadd.s32 @!p1 $0xFFFFFC00;
	p1 =	por p2, p2  }
0x14: {  	[tilespmem:s0], [sflag:$0x4] =	stream.linear.gather @!p1 [spmem:s29], $0x400, $0x38;
	[tilespmem:$0x182C0] =	vst v63  }
0x15: {  	_ =	swait.ge @!p1 [sflag:s6], $0x400  }
0x16: {  	[sflag:s6] =	ssyncset.done @!p1 $0x0  }
0x17: {  	s28 =	simm.s32 @!p1 $0x3;
	[sflag:s6] =	ssyncadd.s32 @!p1 $0xFFFFFC00;
	s6 =	simm.s32 @!p1 $0x0  }
0x18: {  	[hbm4b:s26+s6] =	stream.linear.scatter @!p1 [tilespmem:s0], [sflag:$0x3], $0x400, $0x38;
	[tilespmem:$0x182C0] =	vst v63  }
0x19: {  	_ =	swait.ge @!p1 [sflag:s28], $0x400  }
0x1a: {  	[sflag:s28] =	ssyncset.done @!p1 $0x0  }
0x1b: {  	[sflag:s28] =	ssyncadd.s32 @!p1 $0xFFFFFC00  }
.LBB2_16:
0x1c: {  	s25 =	sadd.s32 $0x1, s25  }
0x1d: {  	p1 =	sne.s32 s25, s8  }
.Ltmp1:
0x1e: {  	_ = 	snop;
	(pc) =	sbr.rel @!p1 .LBB2_17-.Ltmp1, $1  }
0x1f: {  	_ =	sdelay $0x3  }
.LBB2_1:
0x20: {  	s26 =	simm.s32 $0x0;
	s28 =	simm.s32 $0x0  }
.LBB2_2:
0x21: {  	p1 =	sne.s32 s28, $0xFC0  }
.Ltmp2:
0x22: {  	_ = 	snop;
	(pc) =	sbr.rel @p1 .LBB2_2-.Ltmp2, $4  }
0x23: {  	s29 =	sand.u32 $0xE00, s28  }
0x24: {  	s30 =	sand.u32 $0x70, s26;
	s29 =	sshrl.u32 s29, $0x2  }
0x25: {  	s29 =	sor.u32 s30, s29  }
0x26: {  	s26 =	sadd.s32 $0x10, s26;
	s28 =	sadd.s32 $0x40, s28;
	[tilespmem:s29+$0x4200] =	vst v0  }
0x27: {  	s26 =	sadd.s32 $0x0, s3  }
0x28: {  	p1 =	sgt.u32 s26, $0x4E1  }
0x29: {  	s26 =	simm.s32 @!p1 $0x4200;
	s30 =	simm.s32 @!p1 $0x3  }
0x2a: {  	[spmem:s11] =	stream.linear.scatter @!p1 [tilespmem:s26], [sflag:$0x3], $0x400, $0x38;
	[tilespmem:$0x182C0] =	vst v63  }
0x2b: {  	s28 =	simm.s32 $0x10;
	_ =	swait.ge @!p1 [sflag:s30], $0x400  }
0x2c: {  	s29 =	simm.s32 $0x20;
	s26 =	sadd.s32 $0x4000, s11;
	[sflag:s30] =	ssyncset.done @!p1 $0x0  }
.LBB2_4:
0x2d: {  	s31 =	sadd.s32 s28, s3;
	s28 =	smov.u32 s29;
	s29 =	sadd.s32 $0x10, s29  }
0x2e: {  	[sflag:s30] =	ssyncadd.s32 @!p1 $0xFFFFFC00;
	p2 =	sne.s32 s29, $0x4F0  }
.Ltmp3:
0x2f: {  	p1 =	sgt.u32 s31, $0x4E1;
	(pc) =	sbr.rel @p2 .LBB2_4-.Ltmp3, $4  }
0x30: {  	s31 =	simm.s32 @!p1 $0x4200;
	s30 =	simm.s32 @!p1 $0x3  }
0x31: {  	[spmem:s26] =	stream.linear.scatter @!p1 [tilespmem:s31], [sflag:$0x3], $0x400, $0x38;
	[tilespmem:$0x182C0] =	vst v63  }
0x32: {  	_ =	swait.ge @!p1 [sflag:s30], $0x400  }
0x33: {  	s26 =	sadd.s32 $0x4000, s26;
	[sflag:s30] =	ssyncset.done @!p1 $0x0  }
0x34: {  	s28 =	sadd.s32 s28, s3  }
0x35: {  	p2 =	sgt.u32 s28, $0x4E1  }
0x36: {  	[sflag:s30] =	ssyncadd.s32 @!p1 $0xFFFFFC00;
	s28 =	simm.s32 @!p2 $0x4200;
	s29 =	simm.s32 @!p2 $0x3  }
0x37: {  	[spmem:s26] =	stream.linear.scatter @!p2 [tilespmem:s28], [sflag:$0x3], $0x400, $0x38;
	[tilespmem:$0x182C0] =	vst v63  }
0x38: {  	_ =	swait.ge @!p2 [sflag:s29], $0x400  }
0x39: {  	[sflag:s29] =	ssyncset.done @!p2 $0x0  }
0x3a: {  	[sflag:s29] =	ssyncadd.s32 @!p2 $0xFFFFFC00  }
0x3b: {  	[bflag:$0x0] =	sbarrier.arrive $0xFFFF  }
0x3c: {  	s0 =	rddreg [dreg:$0x4]  }
0x3d: {  	[tilespmem:s2], [sflag:$0x3] =	stream.linear.gather [hbm4b:s0+s2], $0x40, $0x38;
	[tilespmem:$0x182C0] =	vst v63  }
0x3e: {  	_ =	swait.ge [sflag:s16], $0x40  }
0x3f: {  	[sflag:s16] =	ssyncset.done $0x0  }
.Ltmp4:
0x40: {  	[sflag:s16] =	ssyncadd.s32 $0xFFFFFFC0;
	(pc) =	sbr.rel @p0 .LBB2_11-.Ltmp4, $4  }
0x41: {  	[tilespmem:s17], [sflag:$0x3] =	stream.linear.gather [hbm4b:s7+s2], $0x40, $0x38;
	[tilespmem:$0x182C0] =	vst v63  }
0x42: {  	_ =	swait.ge [sflag:s16], $0x40  }
0x43: {  	[sflag:s16] =	ssyncset.done $0x0  }
0x44: {  	[sflag:s16] =	ssyncadd.s32 $0xFFFFFFC0  }
0x45: {  	[tilespmem:s19], [sflag:$0x1] =	stream.indirect.gather [hbm4b:s4+s18], $0x80, s2, s18, $0xb8;
	[tilespmem:$0x182C0] =	vst v63  }
0x46: {  	s26 =	sadd.s32 $0xFFFFFB10, s13  }
0x47: {  	s28 =	sadd.s32 $0x4F8, s26  }
0x48: {  	[tilespmem:s20], [sflag:$0x3] =	stream.linear.gather [hbm4b:s28+s2], $0x40, $0x38;
	[tilespmem:$0x182C0] =	vst v63  }
0x49: {  	_ =	swait.ge [sflag:s16], $0x40  }
0x4a: {  	s6 =	sadd.s32 $0xFFFFFB10, s12;
	[sflag:s16] =	ssyncset.done $0x0  }
0x4b: {  	s29 =	sadd.s32 $0x4F8, s6;
	[sflag:s16] =	ssyncadd.s32 $0xFFFFFFC0  }
0x4c: {  	[tilespmem:s21], [sflag:$0x3] =	stream.linear.gather [hbm4b:s29+s2], $0x40, $0x38;
	[tilespmem:$0x182C0] =	vst v63  }
0x4d: {  	_ =	swait.ge [sflag:s16], $0x40  }
0x4e: {  	[sflag:s16] =	ssyncset.done $0x0  }
0x4f: {  	[sflag:s16] =	ssyncadd.s32 $0xFFFFFFC0  }
0x50: {  	[tilespmem:s22], [sflag:$0x2] =	stream.indirect.gather [hbm4b:s4+s18], $0x80, s20, s18, $0xb8;
	[tilespmem:$0x182C0] =	vst v63  }
0x51: {  	_ =	swait.ge [sflag:s23], $0x2000  }
0x52: {  	[sflag:s23] =	ssyncset.done $0x0  }
0x53: {  	[sflag:s23] =	ssyncadd.s32 $0xFFFFE000  }
0x54: {  	[spmem:s1] =	stream.indirect.scatter.add.f32 [tilespmem:s19], [sflag:$0x3], $0x80, s17, s18, $0xb8;
	[tilespmem:$0x182C0] =	vst v63  }
0x55: {  	_ =	swait.ge [sflag:s16], $0x2000  }
0x56: {  	[sflag:s16] =	ssyncset.done $0x0  }
0x57: {  	s26 =	sadd.s32 $0x500, s26;
	[sflag:s16] =	ssyncadd.s32 $0xFFFFE000  }
0x58: {  	[tilespmem:s2], [sflag:$0x3] =	stream.linear.gather [hbm4b:s26+s2], $0x40, $0x38;
	[tilespmem:$0x182C0] =	vst v63  }
0x59: {  	_ =	swait.ge [sflag:s16], $0x40  }
0x5a: {  	[sflag:s16] =	ssyncset.done $0x0  }
0x5b: {  	s31 =	sadd.s32 $0x500, s6;
	[sflag:s16] =	ssyncadd.s32 $0xFFFFFFC0  }
0x5c: {  	[tilespmem:s17], [sflag:$0x3] =	stream.linear.gather [hbm4b:s31+s2], $0x40, $0x38;
	[tilespmem:$0x182C0] =	vst v63  }
0x5d: {  	_ =	swait.ge [sflag:s16], $0x40  }
0x5e: {  	[sflag:s16] =	ssyncset.done $0x0  }
0x5f: {  	[sflag:s16] =	ssyncadd.s32 $0xFFFFFFC0  }
0x60: {  	[tilespmem:s19], [sflag:$0x1] =	stream.indirect.gather [hbm4b:s4+s18], $0x80, s2, s18, $0xb8;
	[tilespmem:$0x182C0] =	vst v63  }
0x61: {  	_ =	swait.ge [sflag:s24], $0x2000  }
0x62: {  	[sflag:s24] =	ssyncset.done $0x0  }
0x63: {  	[sflag:s24] =	ssyncadd.s32 $0xFFFFE000  }
0x64: {  	[spmem:s1] =	stream.indirect.scatter.add.f32 [tilespmem:s22], [sflag:$0x3], $0x80, s21, s18, $0xb8;
	[tilespmem:$0x182C0] =	vst v63  }
0x65: {  	s30 =	simm.s32 $0xFFFFFB30;
	_ =	swait.ge [sflag:s16], $0x2000  }
0x66: {  	s29 =	sadd.s32 $0xFFFFFB20, s13;
	s26 =	simm.s32 $0xFFFFFB20;
	[sflag:s16] =	ssyncset.done $0x0  }
.LBB2_7:
0x67: {  	s31 =	sadd.s32 $0x4F8, s29  }
0x68: {  	[sflag:s16] =	ssyncadd.s32 $0xFFFFE000;
	s0 =	smov.u32 s30;
	s28 =	sadd.s32 $0x10, s30  }
0x69: {  	[tilespmem:s20], [sflag:$0x3] =	stream.linear.gather [hbm4b:s31+s2], $0x40, $0x38;
	[tilespmem:$0x182C0] =	vst v63  }
0x6a: {  	p1 =	seq.s32 s30, $0xFFFFFFF0;
	_ =	swait.ge [sflag:s16], $0x40  }
0x6b: {  	s30 =	sadd.s32 s26, s12;
	s26 =	smov.u32 s0;
	[sflag:s16] =	ssyncset.done $0x0  }
0x6c: {  	s0 =	sadd.s32 $0x4F8, s30;
	[sflag:s16] =	ssyncadd.s32 $0xFFFFFFC0  }
0x6d: {  	[tilespmem:s21], [sflag:$0x3] =	stream.linear.gather [hbm4b:s0+s2], $0x40, $0x38;
	[tilespmem:$0x182C0] =	vst v63  }
0x6e: {  	_ =	swait.ge [sflag:s16], $0x40  }
0x6f: {  	[sflag:s16] =	ssyncset.done $0x0  }
0x70: {  	[sflag:s16] =	ssyncadd.s32 $0xFFFFFFC0  }
0x71: {  	[tilespmem:s22], [sflag:$0x2] =	stream.indirect.gather [hbm4b:s4+s18], $0x80, s20, s18, $0xb8;
	[tilespmem:$0x182C0] =	vst v63  }
0x72: {  	_ =	swait.ge [sflag:s23], $0x2000  }
0x73: {  	[sflag:s23] =	ssyncset.done $0x0  }
0x74: {  	[sflag:s23] =	ssyncadd.s32 $0xFFFFE000  }
0x75: {  	[spmem:s1] =	stream.indirect.scatter.add.f32 [tilespmem:s19], [sflag:$0x3], $0x80, s17, s18, $0xb8;
	[tilespmem:$0x182C0] =	vst v63  }
0x76: {  	_ =	swait.ge [sflag:s16], $0x2000  }
0x77: {  	[sflag:s16] =	ssyncset.done $0x0  }
0x78: {  	s0 =	sadd.s32 $0x500, s29;
	[sflag:s16] =	ssyncadd.s32 $0xFFFFE000  }
0x79: {  	[tilespmem:s2], [sflag:$0x3] =	stream.linear.gather [hbm4b:s0+s2], $0x40, $0x38;
	[tilespmem:$0x182C0] =	vst v63  }
0x7a: {  	_ =	swait.ge [sflag:s16], $0x40  }
0x7b: {  	[sflag:s16] =	ssyncset.done $0x0  }
0x7c: {  	s0 =	sadd.s32 $0x500, s30;
	[sflag:s16] =	ssyncadd.s32 $0xFFFFFFC0  }
0x7d: {  	[tilespmem:s17], [sflag:$0x3] =	stream.linear.gather [hbm4b:s0+s2], $0x40, $0x38;
	[tilespmem:$0x182C0] =	vst v63  }
0x7e: {  	_ =	swait.ge [sflag:s16], $0x40  }
0x7f: {  	[sflag:s16] =	ssyncset.done $0x0  }
0x80: {  	[sflag:s16] =	ssyncadd.s32 $0xFFFFFFC0  }
0x81: {  	[tilespmem:s19], [sflag:$0x1] =	stream.indirect.gather [hbm4b:s4+s18], $0x80, s2, s18, $0xb8;
	[tilespmem:$0x182C0] =	vst v63  }
0x82: {  	_ =	swait.ge [sflag:s24], $0x2000  }
.Ltmp5:
0x83: {  	[sflag:s24] =	ssyncset.done $0x0;
	(pc) =	sbr.rel @!p1 .LBB2_7-.Ltmp5, $4  }
0x84: {  	[sflag:s24] =	ssyncadd.s32 $0xFFFFE000  }
0x85: {  	[spmem:s1] =	stream.indirect.scatter.add.f32 [tilespmem:s22], [sflag:$0x3], $0x80, s21, s18, $0xb8;
	[tilespmem:$0x182C0] =	vst v63  }
0x86: {  	_ =	swait.ge [sflag:s16], $0x2000  }
0x87: {  	s29 =	sadd.s32 s26, s13;
	s30 =	smov.u32 s28;
	[sflag:s16] =	ssyncset.done $0x0  }
0x88: {  	s0 =	sadd.s32 $0x4F8, s29;
	[sflag:s16] =	ssyncadd.s32 $0xFFFFE000  }
0x89: {  	[tilespmem:s20], [sflag:$0x3] =	stream.linear.gather [hbm4b:s0+s2], $0x40, $0x38;
	[tilespmem:$0x182C0] =	vst v63  }
0x8a: {  	_ =	swait.ge [sflag:s16], $0x40  }
0x8b: {  	s6 =	sadd.s32 s26, s12;
	[sflag:s16] =	ssyncset.done $0x0  }
0x8c: {  	s26 =	sadd.s32 $0x4F8, s6;
	[sflag:s16] =	ssyncadd.s32 $0xFFFFFFC0  }
0x8d: {  	[tilespmem:s21], [sflag:$0x3] =	stream.linear.gather [hbm4b:s26+s2], $0x40, $0x38;
	[tilespmem:$0x182C0] =	vst v63  }
0x8e: {  	_ =	swait.ge [sflag:s16], $0x40  }
0x8f: {  	[sflag:s16] =	ssyncset.done $0x0  }
0x90: {  	[sflag:s16] =	ssyncadd.s32 $0xFFFFFFC0  }
0x91: {  	[tilespmem:s22], [sflag:$0x2] =	stream.indirect.gather [hbm4b:s4+s18], $0x80, s20, s18, $0xb8;
	[tilespmem:$0x182C0] =	vst v63  }
0x92: {  	_ =	swait.ge [sflag:s23], $0x2000  }
0x93: {  	[sflag:s23] =	ssyncset.done $0x0  }
0x94: {  	[sflag:s23] =	ssyncadd.s32 $0xFFFFE000  }
0x95: {  	[spmem:s1] =	stream.indirect.scatter.add.f32 [tilespmem:s19], [sflag:$0x3], $0x80, s17, s18, $0xb8;
	[tilespmem:$0x182C0] =	vst v63  }
0x96: {  	_ =	swait.ge [sflag:s16], $0x2000  }
0x97: {  	[sflag:s16] =	ssyncset.done $0x0  }
0x98: {  	s31 =	sadd.s32 $0x500, s29;
	[sflag:s16] =	ssyncadd.s32 $0xFFFFE000  }
0x99: {  	[tilespmem:s2], [sflag:$0x3] =	stream.linear.gather [hbm4b:s31+s2], $0x40, $0x38;
	[tilespmem:$0x182C0] =	vst v63  }
0x9a: {  	_ =	swait.ge [sflag:s16], $0x40  }
0x9b: {  	[sflag:s16] =	ssyncset.done $0x0  }
0x9c: {  	s0 =	sadd.s32 $0x500, s6;
	[sflag:s16] =	ssyncadd.s32 $0xFFFFFFC0  }
0x9d: {  	[tilespmem:s17], [sflag:$0x3] =	stream.linear.gather [hbm4b:s0+s2], $0x40, $0x38;
	[tilespmem:$0x182C0] =	vst v63  }
0x9e: {  	_ =	swait.ge [sflag:s16], $0x40  }
0x9f: {  	[sflag:s16] =	ssyncset.done $0x0  }
0xa0: {  	[sflag:s16] =	ssyncadd.s32 $0xFFFFFFC0  }
0xa1: {  	[tilespmem:s19], [sflag:$0x1] =	stream.indirect.gather [hbm4b:s4+s18], $0x80, s2, s18, $0xb8;
	[tilespmem:$0x182C0] =	vst v63  }
0xa2: {  	_ =	swait.ge [sflag:s24], $0x2000  }
0xa3: {  	[sflag:s24] =	ssyncset.done $0x0  }
0xa4: {  	[sflag:s24] =	ssyncadd.s32 $0xFFFFE000  }
0xa5: {  	[spmem:s1] =	stream.indirect.scatter.add.f32 [tilespmem:s22], [sflag:$0x3], $0x80, s21, s18, $0xb8;
	[tilespmem:$0x182C0] =	vst v63  }
0xa6: {  	_ =	swait.ge [sflag:s16], $0x2000  }
0xa7: {  	[sflag:s16] =	ssyncset.done $0x0  }
0xa8: {  	s6 =	simm.s32 $0x0;
	[sflag:s16] =	ssyncadd.s32 $0xFFFFE000  }
0xa9: {  	[tilespmem:s20], [sflag:$0x3] =	stream.linear.gather [hbm4b:s9+s6], $0x40, $0x38;
	[tilespmem:$0x182C0] =	vst v63  }
0xaa: {  	_ =	swait.ge [sflag:s16], $0x40  }
0xab: {  	[sflag:s16] =	ssyncset.done $0x0  }
0xac: {  	[sflag:s16] =	ssyncadd.s32 $0xFFFFFFC0  }
0xad: {  	[tilespmem:s21], [sflag:$0x3] =	stream.linear.gather [hbm4b:s10+s6], $0x40, $0x38;
	[tilespmem:$0x182C0] =	vst v63  }
0xae: {  	_ =	swait.ge [sflag:s16], $0x40  }
0xaf: {  	[sflag:s16] =	ssyncset.done $0x0  }
0xb0: {  	[sflag:s16] =	ssyncadd.s32 $0xFFFFFFC0  }
0xb1: {  	[tilespmem:s22], [sflag:$0x2] =	stream.indirect.gather [hbm4b:s4+s18], $0x80, s20, s18, $0xb8;
	[tilespmem:$0x182C0] =	vst v63  }
0xb2: {  	_ =	swait.ge [sflag:s23], $0x2000  }
0xb3: {  	[sflag:s23] =	ssyncset.done $0x0  }
0xb4: {  	[sflag:s23] =	ssyncadd.s32 $0xFFFFE000  }
0xb5: {  	[spmem:s1] =	stream.indirect.scatter.add.f32 [tilespmem:s19], [sflag:$0x3], $0x80, s17, s18, $0xb8;
	[tilespmem:$0x182C0] =	vst v63  }
0xb6: {  	_ =	swait.ge [sflag:s16], $0x2000  }
0xb7: {  	[sflag:s16] =	ssyncset.done $0x0  }
0xb8: {  	[sflag:s16] =	ssyncadd.s32 $0xFFFFE000  }
0xb9: {  	_ =	swait.ge [sflag:s24], $0x2000  }
0xba: {  	[sflag:s24] =	ssyncset.done $0x0  }
0xbb: {  	[sflag:s24] =	ssyncadd.s32 $0xFFFFE000  }
0xbc: {  	[spmem:s1] =	stream.indirect.scatter.add.f32 [tilespmem:s22], [sflag:$0x3], $0x80, s21, s18, $0xb8;
	[tilespmem:$0x182C0] =	vst v63  }
0xbd: {  	s26 =	sadd.s32 $0x0, s3;
	_ =	swait.ge [sflag:s16], $0x2000  }
0xbe: {  	p1 =	sgt.u32 s26, $0x4E1;
	[sflag:s16] =	ssyncset.done $0x0  }
0xbf: {  	s26 =	simm.s32 @!p1 $0x4;
	[sflag:s16] =	ssyncadd.s32 $0xFFFFE000  }
0xc0: {  	s0 =	simm.s32 @!p1 $0x4600;
	p1 =	por p1, p1;
	[bflag:$0x0] =	sbarrier.arrive $0xFFFF  }
0xc1: {  	[tilespmem:s0], [sflag:$0x4] =	stream.linear.gather @!p1 [spmem:s11], $0x400, $0x38;
	[tilespmem:$0x182C0] =	vst v63  }
0xc2: {  	_ =	swait.ge @!p1 [sflag:s26], $0x400  }
0xc3: {  	s28 =	simm.s32 $0x20;
	[sflag:s26] =	ssyncset.done @!p1 $0x0  }
0xc4: {  	s30 =	simm.s32 @!p1 $0x3;
	[sflag:s26] =	ssyncadd.s32 @!p1 $0xFFFFFC00;
	s26 =	simm.s32 @!p1 $0x0  }
0xc5: {  	[hbm4b:s15+s26] =	stream.linear.scatter @!p1 [tilespmem:s0], [sflag:$0x3], $0x400, $0x38;
	[tilespmem:$0x182C0] =	vst v63  }
0xc6: {  	s29 =	sadd.s32 $0x4000, s11;
	s31 =	sadd.s32 $0x10, s3;
	_ =	swait.ge @!p1 [sflag:s30], $0x400  }
0xc7: {  	p2 =	sgt.u32 s31, $0x4E1;
	s26 =	sadd.s32 $0x800, s15;
	[sflag:s30] =	ssyncset.done @!p1 $0x0  }
.LBB2_9:
0xc8: {  	s0 =	simm.s32 @!p2 $0x4600;
	s31 =	simm.s32 @!p2 $0x4;
	[sflag:s30] =	ssyncadd.s32 @!p1 $0xFFFFFC00  }
0xc9: {  	s6 =	smov.u32 s28;
	p1 =	por p2, p2;
	s28 =	sadd.s32 $0x10, s28  }
0xca: {  	[tilespmem:s0], [sflag:$0x4] =	stream.linear.gather @!p1 [spmem:s29], $0x400, $0x38;
	[tilespmem:$0x182C0] =	vst v63  }
0xcb: {  	p3 =	seq.s32 s28, $0x4F0;
	_ =	swait.ge @!p1 [sflag:s31], $0x400  }
.Ltmp6:
0xcc: {  	[sflag:s31] =	ssyncset.done @!p1 $0x0;
	(pc) =	sbr.rel @!p3 .LBB2_9-.Ltmp6, $4  }
0xcd: {  	s30 =	simm.s32 @!p1 $0x3;
	[sflag:s31] =	ssyncadd.s32 @!p1 $0xFFFFFC00;
	s31 =	simm.s32 @!p1 $0x0  }
0xce: {  	[hbm4b:s26+s31] =	stream.linear.scatter @!p1 [tilespmem:s0], [sflag:$0x3], $0x400, $0x38;
	[tilespmem:$0x182C0] =	vst v63  }
0xcf: {  	s0 =	sadd.s32 s6, s3;
	s26 =	sadd.s32 $0x800, s26;
	_ =	swait.ge @!p1 [sflag:s30], $0x400  }
0xd0: {  	s29 =	sadd.s32 $0x4000, s29;
	p2 =	sgt.u32 s0, $0x4E1;
	[sflag:s30] =	ssyncset.done @!p1 $0x0  }
0xd1: {  	s0 =	simm.s32 @!p2 $0x4600  }
0xd2: {  	s6 =	simm.s32 @!p2 $0x4;
	[sflag:s30] =	ssyncadd.s32 @!p1 $0xFFFFFC00;
	p1 =	por p2, p2  }
0xd3: {  	[tilespmem:s0], [sflag:$0x4] =	stream.linear.gather @!p1 [spmem:s29], $0x400, $0x38;
	[tilespmem:$0x182C0] =	vst v63  }
0xd4: {  	_ =	swait.ge @!p1 [sflag:s6], $0x400  }
0xd5: {  	s28 =	simm.s32 @!p1 $0x3;
	[sflag:s6] =	ssyncset.done @!p1 $0x0  }
.Ltmp7:
0xd6: {  	[sflag:s6] =	ssyncadd.s32 @!p1 $0xFFFFFC00;
	s6 =	simm.s32 @!p1 $0x0;
	(pc) =	sbr.rel .LBB2_16-.Ltmp7, $4  }
0xd7: {  	[hbm4b:s26+s6] =	stream.linear.scatter @!p1 [tilespmem:s0], [sflag:$0x3], $0x400, $0x38;
	[tilespmem:$0x182C0] =	vst v63  }
0xd8: {  	_ =	swait.ge @!p1 [sflag:s28], $0x400  }
0xd9: {  	[sflag:s28] =	ssyncset.done @!p1 $0x0  }
0xda: {  	[sflag:s28] =	ssyncadd.s32 @!p1 $0xFFFFFC00  }
.LBB2_11:
0xdb: {  	[tilespmem:s19], [sflag:$0x1] =	stream.indirect.gather [hbm4b:s5+s18], $0x80, s2, s18, $0xb8;
	[tilespmem:$0x182C0] =	vst v63  }
0xdc: {  	s0 =	sadd.s32 $0xFFFFFB10, s13  }
0xdd: {  	s26 =	sadd.s32 $0x4F8, s0  }
0xde: {  	[tilespmem:s20], [sflag:$0x3] =	stream.linear.gather [hbm4b:s26+s2], $0x40, $0x38;
	[tilespmem:$0x182C0] =	vst v63  }
0xdf: {  	_ =	swait.ge [sflag:s16], $0x40  }
0xe0: {  	s6 =	sadd.s32 $0xFFFFFB10, s12;
	[sflag:s16] =	ssyncset.done $0x0  }
0xe1: {  	s28 =	sadd.s32 $0x4F8, s6;
	[sflag:s16] =	ssyncadd.s32 $0xFFFFFFC0  }
0xe2: {  	[tilespmem:s21], [sflag:$0x3] =	stream.linear.gather [hbm4b:s28+s2], $0x40, $0x38;
	[tilespmem:$0x182C0] =	vst v63  }
0xe3: {  	_ =	swait.ge [sflag:s16], $0x40  }
0xe4: {  	[sflag:s16] =	ssyncset.done $0x0  }
0xe5: {  	[sflag:s16] =	ssyncadd.s32 $0xFFFFFFC0  }
0xe6: {  	[tilespmem:s22], [sflag:$0x2] =	stream.indirect.gather [hbm4b:s5+s18], $0x80, s20, s18, $0xb8;
	[tilespmem:$0x182C0] =	vst v63  }
0xe7: {  	_ =	swait.ge [sflag:s23], $0x2000  }
0xe8: {  	[sflag:s23] =	ssyncset.done $0x0  }
0xe9: {  	[sflag:s23] =	ssyncadd.s32 $0xFFFFE000  }
0xea: {  	[spmem:s1] =	stream.indirect.scatter.add.f32 [tilespmem:s19], [sflag:$0x3], $0x80, s17, s18, $0xb8;
	[tilespmem:$0x182C0] =	vst v63  }
0xeb: {  	_ =	swait.ge [sflag:s16], $0x2000  }
0xec: {  	[sflag:s16] =	ssyncset.done $0x0  }
0xed: {  	s0 =	sadd.s32 $0x500, s0;
	[sflag:s16] =	ssyncadd.s32 $0xFFFFE000  }
0xee: {  	[tilespmem:s2], [sflag:$0x3] =	stream.linear.gather [hbm4b:s0+s2], $0x40, $0x38;
	[tilespmem:$0x182C0] =	vst v63  }
0xef: {  	_ =	swait.ge [sflag:s16], $0x40  }
0xf0: {  	[sflag:s16] =	ssyncset.done $0x0  }
0xf1: {  	s31 =	sadd.s32 $0x500, s6;
	[sflag:s16] =	ssyncadd.s32 $0xFFFFFFC0  }
0xf2: {  	[tilespmem:s17], [sflag:$0x3] =	stream.linear.gather [hbm4b:s31+s2], $0x40, $0x38;
	[tilespmem:$0x182C0] =	vst v63  }
0xf3: {  	_ =	swait.ge [sflag:s16], $0x40  }
0xf4: {  	[sflag:s16] =	ssyncset.done $0x0  }
0xf5: {  	[sflag:s16] =	ssyncadd.s32 $0xFFFFFFC0  }
0xf6: {  	[tilespmem:s19], [sflag:$0x1] =	stream.indirect.gather [hbm4b:s5+s18], $0x80, s2, s18, $0xb8;
	[tilespmem:$0x182C0] =	vst v63  }
0xf7: {  	_ =	swait.ge [sflag:s24], $0x2000  }
0xf8: {  	[sflag:s24] =	ssyncset.done $0x0  }
0xf9: {  	[sflag:s24] =	ssyncadd.s32 $0xFFFFE000  }
0xfa: {  	[spmem:s1] =	stream.indirect.scatter.add.f32 [tilespmem:s22], [sflag:$0x3], $0x80, s21, s18, $0xb8;
	[tilespmem:$0x182C0] =	vst v63  }
0xfb: {  	s30 =	simm.s32 $0xFFFFFB30;
	_ =	swait.ge [sflag:s16], $0x2000  }
0xfc: {  	s29 =	sadd.s32 $0xFFFFFB20, s13;
	s26 =	simm.s32 $0xFFFFFB20;
	[sflag:s16] =	ssyncset.done $0x0  }
.LBB2_12:
0xfd: {  	s0 =	sadd.s32 $0x4F8, s29  }
0xfe: {  	[sflag:s16] =	ssyncadd.s32 $0xFFFFE000;
	s31 =	smov.u32 s30;
	s28 =	sadd.s32 $0x10, s30  }
0xff: {  	[tilespmem:s20], [sflag:$0x3] =	stream.linear.gather [hbm4b:s0+s2], $0x40, $0x38;
	[tilespmem:$0x182C0] =	vst v63  }
0x100: {  	p1 =	seq.s32 s30, $0xFFFFFFF0;
	_ =	swait.ge [sflag:s16], $0x40  }
0x101: {  	s0 =	sadd.s32 s26, s12;
	s26 =	smov.u32 s31;
	[sflag:s16] =	ssyncset.done $0x0  }
0x102: {  	s30 =	sadd.s32 $0x4F8, s0;
	[sflag:s16] =	ssyncadd.s32 $0xFFFFFFC0  }
0x103: {  	[tilespmem:s21], [sflag:$0x3] =	stream.linear.gather [hbm4b:s30+s2], $0x40, $0x38;
	[tilespmem:$0x182C0] =	vst v63  }
0x104: {  	_ =	swait.ge [sflag:s16], $0x40  }
0x105: {  	[sflag:s16] =	ssyncset.done $0x0  }
0x106: {  	[sflag:s16] =	ssyncadd.s32 $0xFFFFFFC0  }
0x107: {  	[tilespmem:s22], [sflag:$0x2] =	stream.indirect.gather [hbm4b:s5+s18], $0x80, s20, s18, $0xb8;
	[tilespmem:$0x182C0] =	vst v63  }
0x108: {  	_ =	swait.ge [sflag:s23], $0x2000  }
0x109: {  	[sflag:s23] =	ssyncset.done $0x0  }
0x10a: {  	[sflag:s23] =	ssyncadd.s32 $0xFFFFE000  }
0x10b: {  	[spmem:s1] =	stream.indirect.scatter.add.f32 [tilespmem:s19], [sflag:$0x3], $0x80, s17, s18, $0xb8;
	[tilespmem:$0x182C0] =	vst v63  }
0x10c: {  	_ =	swait.ge [sflag:s16], $0x2000  }
0x10d: {  	[sflag:s16] =	ssyncset.done $0x0  }
0x10e: {  	s29 =	sadd.s32 $0x500, s29;
	[sflag:s16] =	ssyncadd.s32 $0xFFFFE000  }
0x10f: {  	[tilespmem:s2], [sflag:$0x3] =	stream.linear.gather [hbm4b:s29+s2], $0x40, $0x38;
	[tilespmem:$0x182C0] =	vst v63  }
0x110: {  	_ =	swait.ge [sflag:s16], $0x40  }
0x111: {  	[sflag:s16] =	ssyncset.done $0x0  }
0x112: {  	s0 =	sadd.s32 $0x500, s0;
	[sflag:s16] =	ssyncadd.s32 $0xFFFFFFC0  }
0x113: {  	[tilespmem:s17], [sflag:$0x3] =	stream.linear.gather [hbm4b:s0+s2], $0x40, $0x38;
	[tilespmem:$0x182C0] =	vst v63  }
0x114: {  	_ =	swait.ge [sflag:s16], $0x40  }
0x115: {  	[sflag:s16] =	ssyncset.done $0x0  }
0x116: {  	[sflag:s16] =	ssyncadd.s32 $0xFFFFFFC0  }
0x117: {  	[tilespmem:s19], [sflag:$0x1] =	stream.indirect.gather [hbm4b:s5+s18], $0x80, s2, s18, $0xb8;
	[tilespmem:$0x182C0] =	vst v63  }
0x118: {  	_ =	swait.ge [sflag:s24], $0x2000  }
.Ltmp8:
0x119: {  	[sflag:s24] =	ssyncset.done $0x0;
	(pc) =	sbr.rel @!p1 .LBB2_12-.Ltmp8, $4  }
0x11a: {  	[sflag:s24] =	ssyncadd.s32 $0xFFFFE000  }
0x11b: {  	[spmem:s1] =	stream.indirect.scatter.add.f32 [tilespmem:s22], [sflag:$0x3], $0x80, s21, s18, $0xb8;
	[tilespmem:$0x182C0] =	vst v63  }
0x11c: {  	_ =	swait.ge [sflag:s16], $0x2000  }
0x11d: {  	s30 =	smov.u32 s28;
	s29 =	sadd.s32 s26, s13;
	[sflag:s16] =	ssyncset.done $0x0  }
0x11e: {  	s0 =	sadd.s32 $0x4F8, s29;
	[sflag:s16] =	ssyncadd.s32 $0xFFFFE000  }
0x11f: {  	[tilespmem:s20], [sflag:$0x3] =	stream.linear.gather [hbm4b:s0+s2], $0x40, $0x38;
	[tilespmem:$0x182C0] =	vst v63  }
0x120: {  	_ =	swait.ge [sflag:s16], $0x40  }
0x121: {  	s6 =	sadd.s32 s26, s12;
	[sflag:s16] =	ssyncset.done $0x0  }
0x122: {  	s26 =	sadd.s32 $0x4F8, s6;
	[sflag:s16] =	ssyncadd.s32 $0xFFFFFFC0  }
0x123: {  	[tilespmem:s21], [sflag:$0x3] =	stream.linear.gather [hbm4b:s26+s2], $0x40, $0x38;
	[tilespmem:$0x182C0] =	vst v63  }
0x124: {  	_ =	swait.ge [sflag:s16], $0x40  }
0x125: {  	[sflag:s16] =	ssyncset.done $0x0  }
0x126: {  	[sflag:s16] =	ssyncadd.s32 $0xFFFFFFC0  }
0x127: {  	[tilespmem:s22], [sflag:$0x2] =	stream.indirect.gather [hbm4b:s5+s18], $0x80, s20, s18, $0xb8;
	[tilespmem:$0x182C0] =	vst v63  }
0x128: {  	_ =	swait.ge [sflag:s23], $0x2000  }
0x129: {  	[sflag:s23] =	ssyncset.done $0x0  }
0x12a: {  	[sflag:s23] =	ssyncadd.s32 $0xFFFFE000  }
0x12b: {  	[spmem:s1] =	stream.indirect.scatter.add.f32 [tilespmem:s19], [sflag:$0x3], $0x80, s17, s18, $0xb8;
	[tilespmem:$0x182C0] =	vst v63  }
0x12c: {  	_ =	swait.ge [sflag:s16], $0x2000  }
0x12d: {  	[sflag:s16] =	ssyncset.done $0x0  }
0x12e: {  	s31 =	sadd.s32 $0x500, s29;
	[sflag:s16] =	ssyncadd.s32 $0xFFFFE000  }
0x12f: {  	[tilespmem:s2], [sflag:$0x3] =	stream.linear.gather [hbm4b:s31+s2], $0x40, $0x38;
	[tilespmem:$0x182C0] =	vst v63  }
0x130: {  	_ =	swait.ge [sflag:s16], $0x40  }
0x131: {  	[sflag:s16] =	ssyncset.done $0x0  }
0x132: {  	s0 =	sadd.s32 $0x500, s6;
	[sflag:s16] =	ssyncadd.s32 $0xFFFFFFC0  }
0x133: {  	[tilespmem:s17], [sflag:$0x3] =	stream.linear.gather [hbm4b:s0+s2], $0x40, $0x38;
	[tilespmem:$0x182C0] =	vst v63  }
0x134: {  	_ =	swait.ge [sflag:s16], $0x40  }
0x135: {  	[sflag:s16] =	ssyncset.done $0x0  }
0x136: {  	[sflag:s16] =	ssyncadd.s32 $0xFFFFFFC0  }
0x137: {  	[tilespmem:s19], [sflag:$0x1] =	stream.indirect.gather [hbm4b:s5+s18], $0x80, s2, s18, $0xb8;
	[tilespmem:$0x182C0] =	vst v63  }
0x138: {  	_ =	swait.ge [sflag:s24], $0x2000  }
0x139: {  	[sflag:s24] =	ssyncset.done $0x0  }
0x13a: {  	[sflag:s24] =	ssyncadd.s32 $0xFFFFE000  }
0x13b: {  	[spmem:s1] =	stream.indirect.scatter.add.f32 [tilespmem:s22], [sflag:$0x3], $0x80, s21, s18, $0xb8;
	[tilespmem:$0x182C0] =	vst v63  }
0x13c: {  	_ =	swait.ge [sflag:s16], $0x2000  }
0x13d: {  	[sflag:s16] =	ssyncset.done $0x0  }
0x13e: {  	s6 =	simm.s32 $0x0;
	[sflag:s16] =	ssyncadd.s32 $0xFFFFE000  }
0x13f: {  	[tilespmem:s20], [sflag:$0x3] =	stream.linear.gather [hbm4b:s9+s6], $0x40, $0x38;
	[tilespmem:$0x182C0] =	vst v63  }
0x140: {  	_ =	swait.ge [sflag:s16], $0x40  }
0x141: {  	[sflag:s16] =	ssyncset.done $0x0  }
0x142: {  	[sflag:s16] =	ssyncadd.s32 $0xFFFFFFC0  }
0x143: {  	[tilespmem:s21], [sflag:$0x3] =	stream.linear.gather [hbm4b:s10+s6], $0x40, $0x38;
	[tilespmem:$0x182C0] =	vst v63  }
0x144: {  	_ =	swait.ge [sflag:s16], $0x40  }
0x145: {  	[sflag:s16] =	ssyncset.done $0x0  }
0x146: {  	[sflag:s16] =	ssyncadd.s32 $0xFFFFFFC0  }
0x147: {  	[tilespmem:s22], [sflag:$0x2] =	stream.indirect.gather [hbm4b:s5+s18], $0x80, s20, s18, $0xb8;
	[tilespmem:$0x182C0] =	vst v63  }
0x148: {  	_ =	swait.ge [sflag:s23], $0x2000  }
0x149: {  	[sflag:s23] =	ssyncset.done $0x0  }
0x14a: {  	[sflag:s23] =	ssyncadd.s32 $0xFFFFE000  }
0x14b: {  	[spmem:s1] =	stream.indirect.scatter.add.f32 [tilespmem:s19], [sflag:$0x3], $0x80, s17, s18, $0xb8;
	[tilespmem:$0x182C0] =	vst v63  }
0x14c: {  	_ =	swait.ge [sflag:s16], $0x2000  }
0x14d: {  	[sflag:s16] =	ssyncset.done $0x0  }
0x14e: {  	[sflag:s16] =	ssyncadd.s32 $0xFFFFE000  }
0x14f: {  	_ =	swait.ge [sflag:s24], $0x2000  }
0x150: {  	[sflag:s24] =	ssyncset.done $0x0  }
0x151: {  	[sflag:s24] =	ssyncadd.s32 $0xFFFFE000  }
0x152: {  	[spmem:s1] =	stream.indirect.scatter.add.f32 [tilespmem:s22], [sflag:$0x3], $0x80, s21, s18, $0xb8;
	[tilespmem:$0x182C0] =	vst v63  }
0x153: {  	s26 =	sadd.s32 $0x0, s3;
	_ =	swait.ge [sflag:s16], $0x2000  }
0x154: {  	p1 =	sgt.u32 s26, $0x4E1;
	[sflag:s16] =	ssyncset.done $0x0  }
0x155: {  	s0 =	simm.s32 @!p1 $0x4600;
	[sflag:s16] =	ssyncadd.s32 $0xFFFFE000  }
0x156: {  	s6 =	simm.s32 @!p1 $0x4;
	p1 =	por p1, p1;
	[bflag:$0x0] =	sbarrier.arrive $0xFFFF  }
0x157: {  	[tilespmem:s0], [sflag:$0x4] =	stream.linear.gather @!p1 [spmem:s11], $0x400, $0x38;
	[tilespmem:$0x182C0] =	vst v63  }
0x158: {  	_ =	swait.ge @!p1 [sflag:s6], $0x400  }
0x159: {  	s28 =	simm.s32 $0x20;
	[sflag:s6] =	ssyncset.done @!p1 $0x0  }
0x15a: {  	s30 =	simm.s32 @!p1 $0x3;
	[sflag:s6] =	ssyncadd.s32 @!p1 $0xFFFFFC00;
	s6 =	simm.s32 @!p1 $0x0  }
0x15b: {  	[hbm4b:s14+s6] =	stream.linear.scatter @!p1 [tilespmem:s0], [sflag:$0x3], $0x400, $0x38;
	[tilespmem:$0x182C0] =	vst v63  }
0x15c: {  	s29 =	sadd.s32 $0x4000, s11;
	s31 =	sadd.s32 $0x10, s3;
	_ =	swait.ge @!p1 [sflag:s30], $0x400  }
0x15d: {  	s26 =	sadd.s32 $0x800, s14;
	p2 =	sgt.u32 s31, $0x4E1;
	[sflag:s30] =	ssyncset.done @!p1 $0x0  }
.LBB2_14:
0x15e: {  	s0 =	simm.s32 @!p2 $0x4600;
	s6 =	simm.s32 @!p2 $0x4;
	[sflag:s30] =	ssyncadd.s32 @!p1 $0xFFFFFC00  }
0x15f: {  	s31 =	smov.u32 s28;
	p1 =	por p2, p2;
	s28 =	sadd.s32 $0x10, s28  }
0x160: {  	[tilespmem:s0], [sflag:$0x4] =	stream.linear.gather @!p1 [spmem:s29], $0x400, $0x38;
	[tilespmem:$0x182C0] =	vst v63  }
0x161: {  	p3 =	sne.s32 s28, $0x4F0;
	_ =	swait.ge @!p1 [sflag:s6], $0x400  }
.Ltmp9:
0x162: {  	[sflag:s6] =	ssyncset.done @!p1 $0x0;
	(pc) =	sbr.rel @p3 .LBB2_14-.Ltmp9, $4  }
0x163: {  	s30 =	simm.s32 @!p1 $0x3;
	[sflag:s6] =	ssyncadd.s32 @!p1 $0xFFFFFC00;
	s6 =	simm.s32 @!p1 $0x0  }
0x164: {  	[hbm4b:s26+s6] =	stream.linear.scatter @!p1 [tilespmem:s0], [sflag:$0x3], $0x400, $0x38;
	[tilespmem:$0x182C0] =	vst v63  }
0x165: {  	s0 =	sadd.s32 s31, s3;
	s26 =	sadd.s32 $0x800, s26;
	_ =	swait.ge @!p1 [sflag:s30], $0x400  }
0x166: {  	s29 =	sadd.s32 $0x4000, s29;
	p2 =	sgt.u32 s0, $0x4E1;
	[sflag:s30] =	ssyncset.done @!p1 $0x0  }
.Ltmp10:
0x167: {  	_ = 	snop;
	(pc) =	sbr.rel .LBB2_15-.Ltmp10, $1  }
0x168: {  	_ =	sdelay $0x3  }
.LBB2_17:
0x169: {  	_ =	sfence.sel $0x180000  }
0x16a: {  	[bflag:$0x0] =	sbarrier.arrive $0xFFFF  }
0x16b: {  	_ =	strace $0x90000047  }
0x16c: {  	[bflag:$0x2] =	sbarrier.arrive $0xFFFF  }
0x16d: {  	p0 =	sne.s32 s3, $0x0;
	s0 =	rddreg [dreg:$0x3]  }
0x16e: {  	s0 =	sadd.s32 @!p0 $0x100000, s0  }
0x16f: {  	[sflag:s0] =	ssyncadd.tile.s32 @!p0 $0x1;
	_ =	shalt  }
.Lfunc_end2:
_tile_overlayer_lowered:
.L_overlay_start_2:
0x170: {  	(tag) =	ssettag $0x2  }
0x171: {  	s0 =	rddreg [dreg:$0x0];
	s2 =	stileid.u32  }
0x172: {  	s1 =	rddreg [dreg:$0x1];
	p0 =	sne.s32 s2, $0x0  }
0x173: {  	s3 =	rddreg [dreg:$0x2];
	[bflag:$0x3] =	sbarrier.arrive $0xFFFF;
	s2 =	simm.s32 @!p0 $0x1C03  }
0x174: {  	[timem:s3], [sflag:s2] =	dma.local @!p0 [hbm:s0], s1  }
0x175: {  	s0 =	simm.s32 @!p0 $0x3  }
0x176: {  	_ =	swait.ge @!p0 [sflag:s0], s1  }
0x177: {  	s1 =	ssub.s32 @!p0 $0x0, s1;
	[sflag:s0] =	ssyncset.done @!p0 $0x0  }
0x178: {  	[sflag:s0] =	ssyncadd.s32 @!p0 s1  }
0x179: {  	[bflag:$0x3] =	sbarrier.arrive $0xFFFF  }
0x17a: {  	_ =	shalt  }

</sc_bundles>
